<compile_context>
chip_gen: v7x
topology: tpu7x:2x2x1
jax: 0.10.2.dev20260603
libtpu: 0.0.44.dev20260713+nightly
codegen_flags: <defaults>
</compile_context>

<pallas_src>
import functools

import numpy as np
import jax
import jax.numpy as jnp
from jax import lax
from jax.experimental import pallas as pl
from jax.experimental.pallas import tpu as pltpu
from jax.experimental.pallas import tpu_sc as plsc

N = 10000
E = 320000
D = 128

NC = 2
NS = 16
NW = NC * NS
C = 128
STEPS = 80
QS = 16
NQ = STEPS // QS
EPT = C * STEPS
E_PAD = EPT * NW
N_PAD = 10240
RPT = N_PAD // NS

_PAD_IDX = np.broadcast_to(
    np.asarray(N + np.arange(E_PAD - E) % (N_PAD - N), np.int32),
    (2, E_PAD - E))

_mesh = plsc.VectorSubcoreMesh(core_axis_name="c", subcore_axis_name="s")


@functools.partial(
    pl.kernel,
    out_type=jax.ShapeDtypeStruct((NC, N_PAD), jnp.float32),
    mesh=_mesh,
    scratch_types=[
        pltpu.VMEM((STEPS, C), jnp.int32),
        pltpu.VMEM((C,), jnp.float32),
        pltpu.VMEM((C,), jnp.float32),
        pltpu.VMEM_SHARED((N_PAD,), jnp.float32),
        pltpu.SemaphoreType.DMA,
    ],
)
def _deg_kernel(ei_hbm, out_hbm, col_v, ones_v, zeros_v, deg_sh, sem):
    cid = lax.axis_index("c")
    sid = lax.axis_index("s")
    wid = cid * NS + sid
    for i in range(C // 16):
        ones_v[pl.ds(i * 16, 16)] = jnp.ones((16,), jnp.float32)
        zeros_v[pl.ds(i * 16, 16)] = jnp.zeros((16,), jnp.float32)
    for j in range(RPT // C):
        pltpu.sync_copy(zeros_v, deg_sh.at[pl.ds(sid * RPT + j * C, C)])
    plsc.subcore_barrier()
    pltpu.sync_copy(ei_hbm.at[1, pl.ds(wid * STEPS, STEPS)], col_v)

    def body(step, _):
        pltpu.async_copy(ones_v, deg_sh.at[col_v.at[step]], sem, add=True)
        return _

    lax.fori_loop(0, STEPS, body, None)

    def drain(step, _):
        pltpu.make_async_copy(ones_v, deg_sh.at[col_v.at[step]], sem).wait()
        return _

    lax.fori_loop(0, STEPS, drain, None)
    plsc.subcore_barrier()
    pltpu.sync_copy(deg_sh.at[pl.ds(sid * RPT, RPT)],
                    out_hbm.at[cid, pl.ds(sid * RPT, RPT)])


@functools.partial(
    pl.kernel,
    out_type=jax.ShapeDtypeStruct((NC, N_PAD, D), jnp.float32),
    mesh=_mesh,
    scratch_types=[
        pltpu.VMEM((QS, C), jnp.int32),
        pltpu.VMEM((QS, C), jnp.int32),
        pltpu.VMEM((C, D), jnp.float32),
        pltpu.VMEM((C, D), jnp.float32),
        pltpu.VMEM_SHARED((N_PAD, D), jnp.float32),
        pltpu.SemaphoreType.DMA,
        pltpu.SemaphoreType.DMA,
    ],
)
def _agg_kernel(s_hbm, ei_hbm, out_hbm,
                row_v, col_v, g_a, g_b, agg_sh, sem_a, sem_b):
    cid = lax.axis_index("c")
    sid = lax.axis_index("s")
    wid = cid * NS + sid

    def zrow(i, _):
        for j in range(D // 16):
            g_a[i, pl.ds(j * 16, 16)] = jnp.zeros((16,), jnp.float32)
        return _

    lax.fori_loop(0, C, zrow, None)

    def zbody(j, _):
        pltpu.sync_copy(g_a, agg_sh.at[pl.ds(sid * RPT + j * C, C)])
        return _

    lax.fori_loop(0, RPT // C, zbody, None)
    plsc.subcore_barrier()

    def body(i, _):
        pltpu.make_async_copy(s_hbm.at[row_v.at[2 * i + 1]], g_b,
                              sem_b).start()
        pltpu.make_async_copy(s_hbm.at[row_v.at[2 * i]], g_a, sem_a).wait()
        pltpu.sync_copy(g_a, agg_sh.at[col_v.at[2 * i]], add=True)

        @pl.when(i < QS // 2 - 1)
        def _():
            pltpu.make_async_copy(s_hbm.at[row_v.at[2 * i + 2]], g_a,
                                  sem_a).start()

        pltpu.make_async_copy(s_hbm.at[row_v.at[2 * i + 1]], g_b,
                              sem_b).wait()
        pltpu.sync_copy(g_b, agg_sh.at[col_v.at[2 * i + 1]], add=True)
        return _

    for q in range(NQ):
        pltpu.sync_copy(ei_hbm.at[0, pl.ds(wid * STEPS + q * QS, QS)], row_v)
        pltpu.sync_copy(ei_hbm.at[1, pl.ds(wid * STEPS + q * QS, QS)], col_v)
        pltpu.make_async_copy(s_hbm.at[row_v.at[0]], g_a, sem_a).start()
        lax.fori_loop(0, QS // 2, body, None)

    plsc.subcore_barrier()
    pltpu.sync_copy(agg_sh.at[pl.ds(sid * RPT, RPT)],
                    out_hbm.at[cid, pl.ds(sid * RPT, RPT)])


def _mm_body(x_ref, w_ref, deg_ref, s_ref):
    deg = (deg_ref[0:1, :] + deg_ref[1:2, :]).reshape(N_PAD, 1)
    dis = jnp.where(deg > 0.0, lax.rsqrt(deg), 0.0)
    h = lax.dot_general(x_ref[...], w_ref[...],
                        (((1,), (1,)), ((), ())),
                        preferred_element_type=jnp.float32)
    s_ref[:N] = h * dis[:N]
    s_ref[N:] = jnp.zeros((N_PAD - N, D), jnp.float32)


def _final_body(x_ref, agg_ref, deg_ref, b_ref, g_ref, beta_ref, o_ref):
    agg = agg_ref[0, :N, :] + agg_ref[1, :N, :]
    deg = (deg_ref[0:1, :] + deg_ref[1:2, :]).reshape(N_PAD, 1)[:N]
    dis = jnp.where(deg > 0.0, lax.rsqrt(deg), 0.0)
    pre = agg * dis + b_ref[...]
    mean = jnp.mean(pre, axis=0, keepdims=True)
    cent = pre - mean
    var = jnp.mean(cent * cent, axis=0, keepdims=True)
    norm = cent * lax.rsqrt(var + 1e-5) * g_ref[...] + beta_ref[...]
    o_ref[...] = x_ref[...] + jnp.maximum(norm, 0.0)


def kernel(x, edge_index, W, b, gamma, beta):
    ei = jnp.concatenate([edge_index, jnp.asarray(_PAD_IDX)], axis=1)
    ei = ei.reshape(2, NW * STEPS, C)

    deg_pair = _deg_kernel(ei)

    s = pl.pallas_call(
        _mm_body,
        out_shape=jax.ShapeDtypeStruct((N_PAD, D), jnp.float32),
    )(x, W, deg_pair)

    agg_pair = _agg_kernel(s, ei)

    out = pl.pallas_call(
        _final_body,
        out_shape=jax.ShapeDtypeStruct((N, D), jnp.float32),
    )(x, agg_pair, deg_pair, b.reshape(1, D), gamma.reshape(1, D),
      beta.reshape(1, D))
    return out

# --- scband reference (transcript-rebuilt; emitter-appended) ---
"""Pipeline reference for scband-gcnlayer-68719476736450 (READ-ONLY COPY).

The authoritative reference and input builder live on the scoring server;
editing this copy changes nothing except your own understanding.
"""

import jax, jax.numpy as jnp
import numpy as np

N = 10000
E = 320000
D = 128


def setup_inputs(seed: int = 0) -> dict:
    key = jax.random.key(seed)
    k1, k2, k3 = jax.random.split(key, 3)
    x = jax.random.normal(k1, (N, D), dtype=jnp.float32)
    edge_index = jax.random.randint(k2, (2, E), 0, N, dtype=jnp.int32)
    # GCNConv linear weight (out_dim, in_dim) and bias (out_dim,)
    W = jax.random.normal(k3, (D, D), dtype=jnp.float32) * (1.0 / np.sqrt(D))
    b = jnp.zeros((D,), dtype=jnp.float32)
    # BatchNorm1d params at init
    gamma = jnp.ones((D,), dtype=jnp.float32)
    beta = jnp.zeros((D,), dtype=jnp.float32)
    return {"x": x, "edge_index": edge_index, "W": W, "b": b, "gamma": gamma, "beta": beta}


def reference(x, edge_index, W, b, gamma, beta):
    # GCNConv(add_self_loops=False, normalize=True), flow source_to_target
    row = edge_index[0]  # source
    col = edge_index[1]  # target
    n = x.shape[0]
    # linear transform
    h = x @ W.T
    # symmetric gcn normalization: deg computed over dst (col) with unit edge weights
    ones = jnp.ones((row.shape[0],), dtype=jnp.float32)
    deg = jnp.zeros((n,), dtype=jnp.float32).at[col].add(ones)
    deg_inv_sqrt = jnp.where(deg > 0, 1.0 / jnp.sqrt(deg), 0.0)
    norm = deg_inv_sqrt[row] * deg_inv_sqrt[col]
    # message passing: gather from source, scale, scatter-add to target
    msg = h[row] * norm[:, None]
    agg = jnp.zeros_like(h).at[col].add(msg)
    out = agg + b
    # BatchNorm1d (training mode: batch statistics, biased variance)
    mean = jnp.mean(out, axis=0)
    var = jnp.var(out, axis=0)
    out = (out - mean) / jnp.sqrt(var + 1e-5) * gamma + beta
    # ReLU
    out = jax.nn.relu(out)
    # residual
    out = x + out
    return out

if __name__ == "__main__":
    import jax
    _d = setup_inputs()
    print(jax.jit(kernel)(*tuple(_d.values())))

</pallas_src>

<mosaic_0001>
#map = affine_map<(d0, d1) -> (0, 0, 0)>
#map1 = affine_map<(d0, d1) -> (0, 0)>
module attributes {stable_mosaic.version = 14 : i64} {
  func.func @_deg_kernel(%arg0: i32, %arg1: i32, %arg2: memref<2x2560x128xi32, #tpu.memory_space<hbm>>, %arg3: memref<2x10240xf32, #tpu.memory_space<hbm>>, %arg4: memref<80x128xi32, #tpu.memory_space<vmem>>, %arg5: memref<128xf32, #tpu.memory_space<vmem>>, %arg6: memref<128xf32, #tpu.memory_space<vmem>>, %arg7: memref<10240xf32, #tpu.memory_space<vmem_shared>>, %arg8: memref<!tpu.dma_semaphore, #tpu.memory_space<semaphore_mem>>) attributes {dimension_semantics = [#tpu.dimension_semantics<core_parallel>, #tpu.dimension_semantics<subcore_parallel>], iteration_bounds = array<i64: 2, 16>, scalar_prefetch = 0 : i64, scratch_operands = 5 : i64, tpu.core_type = #tpu.core_type<sc_vector_subcore>, window_params = [{transform_indices = #map}, {transform_indices = #map1}]} {
    %mul3A = arith.constant 16 : i32
    %mul3A_0 = arith.muli %arg0, %mul3A : i32
    %add3A = arith.addi %mul3A_0, %arg1 : i32
    %broadcast_in_dim3A = arith.constant 1.000000e+00 : f32
    %broadcast_in_dim3A_1 = vector.broadcast %broadcast_in_dim3A : f32 to vector<16xf32>
    %swap3A = arith.constant 0 : index
    %swap3A_2 = tpu.vector_load %arg5[%swap3A] {strides = array<i32>} : memref<128xf32, #tpu.memory_space<vmem>>, vector<16xf32>,
    %swap3A_3 = vector.shape_cast %swap3A_2 : vector<16xf32> to vector<16xf32>
    %swap3A_4 = vector.shape_cast %broadcast_in_dim3A_1 : vector<16xf32> to vector<16xf32>
    tpu.vector_store %arg5[%swap3A], %swap3A_4 {strides = array<i32>} : memref<128xf32, #tpu.memory_space<vmem>>, vector<16xf32>,
    %broadcast_in_dim3A_5 = arith.constant 0.000000e+00 : f32
    %broadcast_in_dim3A_6 = vector.broadcast %broadcast_in_dim3A_5 : f32 to vector<16xf32>
    %swap3A_7 = arith.constant 0 : index
    %swap3A_8 = tpu.vector_load %arg6[%swap3A_7] {strides = array<i32>} : memref<128xf32, #tpu.memory_space<vmem>>, vector<16xf32>,
    %swap3A_9 = vector.shape_cast %swap3A_8 : vector<16xf32> to vector<16xf32>
    %swap3A_10 = vector.shape_cast %broadcast_in_dim3A_6 : vector<16xf32> to vector<16xf32>
    tpu.vector_store %arg6[%swap3A_7], %swap3A_10 {strides = array<i32>} : memref<128xf32, #tpu.memory_space<vmem>>, vector<16xf32>,
    %broadcast_in_dim3A_11 = arith.constant 1.000000e+00 : f32
    %broadcast_in_dim3A_12 = vector.broadcast %broadcast_in_dim3A_11 : f32 to vector<16xf32>
    %swap3A_13 = arith.constant 16 : index
    %swap3A_14 = tpu.vector_load %arg5[%swap3A_13] {strides = array<i32>} : memref<128xf32, #tpu.memory_space<vmem>>, vector<16xf32>,
    %swap3A_15 = vector.shape_cast %swap3A_14 : vector<16xf32> to vector<16xf32>
    %swap3A_16 = vector.shape_cast %broadcast_in_dim3A_12 : vector<16xf32> to vector<16xf32>
    tpu.vector_store %arg5[%swap3A_13], %swap3A_16 {strides = array<i32>} : memref<128xf32, #tpu.memory_space<vmem>>, vector<16xf32>,
    %broadcast_in_dim3A_17 = arith.constant 0.000000e+00 : f32
    %broadcast_in_dim3A_18 = vector.broadcast %broadcast_in_dim3A_17 : f32 to vector<16xf32>
    %swap3A_19 = arith.constant 16 : index
    %swap3A_20 = tpu.vector_load %arg6[%swap3A_19] {strides = array<i32>} : memref<128xf32, #tpu.memory_space<vmem>>, vector<16xf32>,
    %swap3A_21 = vector.shape_cast %swap3A_20 : vector<16xf32> to vector<16xf32>
    %swap3A_22 = vector.shape_cast %broadcast_in_dim3A_18 : vector<16xf32> to vector<16xf32>
    tpu.vector_store %arg6[%swap3A_19], %swap3A_22 {strides = array<i32>} : memref<128xf32, #tpu.memory_space<vmem>>, vector<16xf32>,
    %broadcast_in_dim3A_23 = arith.constant 1.000000e+00 : f32
    %broadcast_in_dim3A_24 = vector.broadcast %broadcast_in_dim3A_23 : f32 to vector<16xf32>
    %swap3A_25 = arith.constant 32 : index
    %swap3A_26 = tpu.vector_load %arg5[%swap3A_25] {strides = array<i32>} : memref<128xf32, #tpu.memory_space<vmem>>, vector<16xf32>,
    %swap3A_27 = vector.shape_cast %swap3A_26 : vector<16xf32> to vector<16xf32>
    %swap3A_28 = vector.shape_cast %broadcast_in_dim3A_24 : vector<16xf32> to vector<16xf32>
    tpu.vector_store %arg5[%swap3A_25], %swap3A_28 {strides = array<i32>} : memref<128xf32, #tpu.memory_space<vmem>>, vector<16xf32>,
    %broadcast_in_dim3A_29 = arith.constant 0.000000e+00 : f32
    %broadcast_in_dim3A_30 = vector.broadcast %broadcast_in_dim3A_29 : f32 to vector<16xf32>
    %swap3A_31 = arith.constant 32 : index
    %swap3A_32 = tpu.vector_load %arg6[%swap3A_31] {strides = array<i32>} : memref<128xf32, #tpu.memory_space<vmem>>, vector<16xf32>,
    %swap3A_33 = vector.shape_cast %swap3A_32 : vector<16xf32> to vector<16xf32>
    %swap3A_34 = vector.shape_cast %broadcast_in_dim3A_30 : vector<16xf32> to vector<16xf32>
    tpu.vector_store %arg6[%swap3A_31], %swap3A_34 {strides = array<i32>} : memref<128xf32, #tpu.memory_space<vmem>>, vector<16xf32>,
    %broadcast_in_dim3A_35 = arith.constant 1.000000e+00 : f32
    %broadcast_in_dim3A_36 = vector.broadcast %broadcast_in_dim3A_35 : f32 to vector<16xf32>
    %swap3A_37 = arith.constant 48 : index
    %swap3A_38 = tpu.vector_load %arg5[%swap3A_37] {strides = array<i32>} : memref<128xf32, #tpu.memory_space<vmem>>, vector<16xf32>,
    %swap3A_39 = vector.shape_cast %swap3A_38 : vector<16xf32> to vector<16xf32>
    %swap3A_40 = vector.shape_cast %broadcast_in_dim3A_36 : vector<16xf32> to vector<16xf32>
    tpu.vector_store %arg5[%swap3A_37], %swap3A_40 {strides = array<i32>} : memref<128xf32, #tpu.memory_space<vmem>>, vector<16xf32>,
    %broadcast_in_dim3A_41 = arith.constant 0.000000e+00 : f32
    %broadcast_in_dim3A_42 = vector.broadcast %broadcast_in_dim3A_41 : f32 to vector<16xf32>
    %swap3A_43 = arith.constant 48 : index
    %swap3A_44 = tpu.vector_load %arg6[%swap3A_43] {strides = array<i32>} : memref<128xf32, #tpu.memory_space<vmem>>, vector<16xf32>,
    %swap3A_45 = vector.shape_cast %swap3A_44 : vector<16xf32> to vector<16xf32>
    %swap3A_46 = vector.shape_cast %broadcast_in_dim3A_42 : vector<16xf32> to vector<16xf32>
    tpu.vector_store %arg6[%swap3A_43], %swap3A_46 {strides = array<i32>} : memref<128xf32, #tpu.memory_space<vmem>>, vector<16xf32>,
    %broadcast_in_dim3A_47 = arith.constant 1.000000e+00 : f32
    %broadcast_in_dim3A_48 = vector.broadcast %broadcast_in_dim3A_47 : f32 to vector<16xf32>
    %swap3A_49 = arith.constant 64 : index
    %swap3A_50 = tpu.vector_load %arg5[%swap3A_49] {strides = array<i32>} : memref<128xf32, #tpu.memory_space<vmem>>, vector<16xf32>,
    %swap3A_51 = vector.shape_cast %swap3A_50 : vector<16xf32> to vector<16xf32>
    %swap3A_52 = vector.shape_cast %broadcast_in_dim3A_48 : vector<16xf32> to vector<16xf32>
    tpu.vector_store %arg5[%swap3A_49], %swap3A_52 {strides = array<i32>} : memref<128xf32, #tpu.memory_space<vmem>>, vector<16xf32>,
    %broadcast_in_dim3A_53 = arith.constant 0.000000e+00 : f32
    %broadcast_in_dim3A_54 = vector.broadcast %broadcast_in_dim3A_53 : f32 to vector<16xf32>
    %swap3A_55 = arith.constant 64 : index
    %swap3A_56 = tpu.vector_load %arg6[%swap3A_55] {strides = array<i32>} : memref<128xf32, #tpu.memory_space<vmem>>, vector<16xf32>,
    %swap3A_57 = vector.shape_cast %swap3A_56 : vector<16xf32> to vector<16xf32>
    %swap3A_58 = vector.shape_cast %broadcast_in_dim3A_54 : vector<16xf32> to vector<16xf32>
    tpu.vector_store %arg6[%swap3A_55], %swap3A_58 {strides = array<i32>} : memref<128xf32, #tpu.memory_space<vmem>>, vector<16xf32>,
    %broadcast_in_dim3A_59 = arith.constant 1.000000e+00 : f32
    %broadcast_in_dim3A_60 = vector.broadcast %broadcast_in_dim3A_59 : f32 to vector<16xf32>
    %swap3A_61 = arith.constant 80 : index
    %swap3A_62 = tpu.vector_load %arg5[%swap3A_61] {strides = array<i32>} : memref<128xf32, #tpu.memory_space<vmem>>, vector<16xf32>,
    %swap3A_63 = vector.shape_cast %swap3A_62 : vector<16xf32> to vector<16xf32>
    %swap3A_64 = vector.shape_cast %broadcast_in_dim3A_60 : vector<16xf32> to vector<16xf32>
    tpu.vector_store %arg5[%swap3A_61], %swap3A_64 {strides = array<i32>} : memref<128xf32, #tpu.memory_space<vmem>>, vector<16xf32>,
    %broadcast_in_dim3A_65 = arith.constant 0.000000e+00 : f32
    %broadcast_in_dim3A_66 = vector.broadcast %broadcast_in_dim3A_65 : f32 to vector<16xf32>
    %swap3A_67 = arith.constant 80 : index
    %swap3A_68 = tpu.vector_load %arg6[%swap3A_67] {strides = array<i32>} : memref<128xf32, #tpu.memory_space<vmem>>, vector<16xf32>,
    %swap3A_69 = vector.shape_cast %swap3A_68 : vector<16xf32> to vector<16xf32>
    %swap3A_70 = vector.shape_cast %broadcast_in_dim3A_66 : vector<16xf32> to vector<16xf32>
    tpu.vector_store %arg6[%swap3A_67], %swap3A_70 {strides = array<i32>} : memref<128xf32, #tpu.memory_space<vmem>>, vector<16xf32>,
    %broadcast_in_dim3A_71 = arith.constant 1.000000e+00 : f32
    %broadcast_in_dim3A_72 = vector.broadcast %broadcast_in_dim3A_71 : f32 to vector<16xf32>
    %swap3A_73 = arith.constant 96 : index
    %swap3A_74 = tpu.vector_load %arg5[%swap3A_73] {strides = array<i32>} : memref<128xf32, #tpu.memory_space<vmem>>, vector<16xf32>,
    %swap3A_75 = vector.shape_cast %swap3A_74 : vector<16xf32> to vector<16xf32>
    %swap3A_76 = vector.shape_cast %broadcast_in_dim3A_72 : vector<16xf32> to vector<16xf32>
    tpu.vector_store %arg5[%swap3A_73], %swap3A_76 {strides = array<i32>} : memref<128xf32, #tpu.memory_space<vmem>>, vector<16xf32>,
    %broadcast_in_dim3A_77 = arith.constant 0.000000e+00 : f32
    %broadcast_in_dim3A_78 = vector.broadcast %broadcast_in_dim3A_77 : f32 to vector<16xf32>
    %swap3A_79 = arith.constant 96 : index
    %swap3A_80 = tpu.vector_load %arg6[%swap3A_79] {strides = array<i32>} : memref<128xf32, #tpu.memory_space<vmem>>, vector<16xf32>,
    %swap3A_81 = vector.shape_cast %swap3A_80 : vector<16xf32> to vector<16xf32>
    %swap3A_82 = vector.shape_cast %broadcast_in_dim3A_78 : vector<16xf32> to vector<16xf32>
    tpu.vector_store %arg6[%swap3A_79], %swap3A_82 {strides = array<i32>} : memref<128xf32, #tpu.memory_space<vmem>>, vector<16xf32>,
    %broadcast_in_dim3A_83 = arith.constant 1.000000e+00 : f32
    %broadcast_in_dim3A_84 = vector.broadcast %broadcast_in_dim3A_83 : f32 to vector<16xf32>
    %swap3A_85 = arith.constant 112 : index
    %swap3A_86 = tpu.vector_load %arg5[%swap3A_85] {strides = array<i32>} : memref<128xf32, #tpu.memory_space<vmem>>, vector<16xf32>,
    %swap3A_87 = vector.shape_cast %swap3A_86 : vector<16xf32> to vector<16xf32>
    %swap3A_88 = vector.shape_cast %broadcast_in_dim3A_84 : vector<16xf32> to vector<16xf32>
    tpu.vector_store %arg5[%swap3A_85], %swap3A_88 {strides = array<i32>} : memref<128xf32, #tpu.memory_space<vmem>>, vector<16xf32>,
    %broadcast_in_dim3A_89 = arith.constant 0.000000e+00 : f32
    %broadcast_in_dim3A_90 = vector.broadcast %broadcast_in_dim3A_89 : f32 to vector<16xf32>
    %swap3A_91 = arith.constant 112 : index
    %swap3A_92 = tpu.vector_load %arg6[%swap3A_91] {strides = array<i32>} : memref<128xf32, #tpu.memory_space<vmem>>, vector<16xf32>,
    %swap3A_93 = vector.shape_cast %swap3A_92 : vector<16xf32> to vector<16xf32>
    %swap3A_94 = vector.shape_cast %broadcast_in_dim3A_90 : vector<16xf32> to vector<16xf32>
    tpu.vector_store %arg6[%swap3A_91], %swap3A_94 {strides = array<i32>} : memref<128xf32, #tpu.memory_space<vmem>>, vector<16xf32>,
    %mul3A_95 = arith.constant 640 : i32
    %mul3A_96 = arith.muli %arg1, %mul3A_95 : i32
    %add3A_97 = arith.constant 0 : i32
    %add3A_98 = arith.addi %mul3A_96, %add3A_97 : i32
    "tpu.region"() ({
      %run_scoped3A_131 = tpu.sem_alloc : memref<!tpu.dma_semaphore, #tpu.memory_space<semaphore_mem>>
      %dma_start3A = tpu.memref_slice %arg7[%add3A_98] : memref<10240xf32, #tpu.memory_space<vmem_shared>> -> memref<128xf32, #tpu.memory_space<vmem_shared>>
      %dma_start3A_132 = tpu.memref_slice %arg7[%add3A_98] : memref<10240xf32, #tpu.memory_space<vmem_shared>> -> memref<128xf32, #tpu.memory_space<vmem_shared>>
      tpu.enqueue_dma source(%arg6 : memref<128xf32, #tpu.memory_space<vmem>>) target(%dma_start3A_132 : memref<128xf32, #tpu.memory_space<vmem_shared>>) target_semaphore(%run_scoped3A_131 : memref<!tpu.dma_semaphore, #tpu.memory_space<semaphore_mem>>)
      %dma_wait3A = tpu.memref_slice %arg7[%add3A_98] : memref<10240xf32, #tpu.memory_space<vmem_shared>> -> memref<128xf32, #tpu.memory_space<vmem_shared>>
      %dma_wait3A_133 = tpu.memref_slice %arg7[%add3A_98] : memref<10240xf32, #tpu.memory_space<vmem_shared>> -> memref<128xf32, #tpu.memory_space<vmem_shared>>
      tpu.wait_dma2 semaphore(%run_scoped3A_131 : memref<!tpu.dma_semaphore, #tpu.memory_space<semaphore_mem>>) src(%arg6 : memref<128xf32, #tpu.memory_space<vmem>>) dst(%dma_wait3A_133 : memref<128xf32, #tpu.memory_space<vmem_shared>>)
      tpu.yield
    }) : () -> ()
    %mul3A_99 = arith.constant 640 : i32
    %mul3A_100 = arith.muli %arg1, %mul3A_99 : i32
    %add3A_101 = arith.constant 128 : i32
    %add3A_102 = arith.addi %mul3A_100, %add3A_101 : i32
    "tpu.region"() ({
      %run_scoped3A_131 = tpu.sem_alloc : memref<!tpu.dma_semaphore, #tpu.memory_space<semaphore_mem>>
      %dma_start3A = tpu.memref_slice %arg7[%add3A_102] : memref<10240xf32, #tpu.memory_space<vmem_shared>> -> memref<128xf32, #tpu.memory_space<vmem_shared>>
      %dma_start3A_132 = tpu.memref_slice %arg7[%add3A_102] : memref<10240xf32, #tpu.memory_space<vmem_shared>> -> memref<128xf32, #tpu.memory_space<vmem_shared>>
      tpu.enqueue_dma source(%arg6 : memref<128xf32, #tpu.memory_space<vmem>>) target(%dma_start3A_132 : memref<128xf32, #tpu.memory_space<vmem_shared>>) target_semaphore(%run_scoped3A_131 : memref<!tpu.dma_semaphore, #tpu.memory_space<semaphore_mem>>)
      %dma_wait3A = tpu.memref_slice %arg7[%add3A_102] : memref<10240xf32, #tpu.memory_space<vmem_shared>> -> memref<128xf32, #tpu.memory_space<vmem_shared>>
      %dma_wait3A_133 = tpu.memref_slice %arg7[%add3A_102] : memref<10240xf32, #tpu.memory_space<vmem_shared>> -> memref<128xf32, #tpu.memory_space<vmem_shared>>
      tpu.wait_dma2 semaphore(%run_scoped3A_131 : memref<!tpu.dma_semaphore, #tpu.memory_space<semaphore_mem>>) src(%arg6 : memref<128xf32, #tpu.memory_space<vmem>>) dst(%dma_wait3A_133 : memref<128xf32, #tpu.memory_space<vmem_shared>>)
      tpu.yield
    }) : () -> ()
    %mul3A_103 = arith.constant 640 : i32
    %mul3A_104 = arith.muli %arg1, %mul3A_103 : i32
    %add3A_105 = arith.constant 256 : i32
    %add3A_106 = arith.addi %mul3A_104, %add3A_105 : i32
    "tpu.region"() ({
      %run_scoped3A_131 = tpu.sem_alloc : memref<!tpu.dma_semaphore, #tpu.memory_space<semaphore_mem>>
      %dma_start3A = tpu.memref_slice %arg7[%add3A_106] : memref<10240xf32, #tpu.memory_space<vmem_shared>> -> memref<128xf32, #tpu.memory_space<vmem_shared>>
      %dma_start3A_132 = tpu.memref_slice %arg7[%add3A_106] : memref<10240xf32, #tpu.memory_space<vmem_shared>> -> memref<128xf32, #tpu.memory_space<vmem_shared>>
      tpu.enqueue_dma source(%arg6 : memref<128xf32, #tpu.memory_space<vmem>>) target(%dma_start3A_132 : memref<128xf32, #tpu.memory_space<vmem_shared>>) target_semaphore(%run_scoped3A_131 : memref<!tpu.dma_semaphore, #tpu.memory_space<semaphore_mem>>)
      %dma_wait3A = tpu.memref_slice %arg7[%add3A_106] : memref<10240xf32, #tpu.memory_space<vmem_shared>> -> memref<128xf32, #tpu.memory_space<vmem_shared>>
      %dma_wait3A_133 = tpu.memref_slice %arg7[%add3A_106] : memref<10240xf32, #tpu.memory_space<vmem_shared>> -> memref<128xf32, #tpu.memory_space<vmem_shared>>
      tpu.wait_dma2 semaphore(%run_scoped3A_131 : memref<!tpu.dma_semaphore, #tpu.memory_space<semaphore_mem>>) src(%arg6 : memref<128xf32, #tpu.memory_space<vmem>>) dst(%dma_wait3A_133 : memref<128xf32, #tpu.memory_space<vmem_shared>>)
      tpu.yield
    }) : () -> ()
    %mul3A_107 = arith.constant 640 : i32
    %mul3A_108 = arith.muli %arg1, %mul3A_107 : i32
    %add3A_109 = arith.constant 384 : i32
    %add3A_110 = arith.addi %mul3A_108, %add3A_109 : i32
    "tpu.region"() ({
      %run_scoped3A_131 = tpu.sem_alloc : memref<!tpu.dma_semaphore, #tpu.memory_space<semaphore_mem>>
      %dma_start3A = tpu.memref_slice %arg7[%add3A_110] : memref<10240xf32, #tpu.memory_space<vmem_shared>> -> memref<128xf32, #tpu.memory_space<vmem_shared>>
      %dma_start3A_132 = tpu.memref_slice %arg7[%add3A_110] : memref<10240xf32, #tpu.memory_space<vmem_shared>> -> memref<128xf32, #tpu.memory_space<vmem_shared>>
      tpu.enqueue_dma source(%arg6 : memref<128xf32, #tpu.memory_space<vmem>>) target(%dma_start3A_132 : memref<128xf32, #tpu.memory_space<vmem_shared>>) target_semaphore(%run_scoped3A_131 : memref<!tpu.dma_semaphore, #tpu.memory_space<semaphore_mem>>)
      %dma_wait3A = tpu.memref_slice %arg7[%add3A_110] : memref<10240xf32, #tpu.memory_space<vmem_shared>> -> memref<128xf32, #tpu.memory_space<vmem_shared>>
      %dma_wait3A_133 = tpu.memref_slice %arg7[%add3A_110] : memref<10240xf32, #tpu.memory_space<vmem_shared>> -> memref<128xf32, #tpu.memory_space<vmem_shared>>
      tpu.wait_dma2 semaphore(%run_scoped3A_131 : memref<!tpu.dma_semaphore, #tpu.memory_space<semaphore_mem>>) src(%arg6 : memref<128xf32, #tpu.memory_space<vmem>>) dst(%dma_wait3A_133 : memref<128xf32, #tpu.memory_space<vmem_shared>>)
      tpu.yield
    }) : () -> ()
    %mul3A_111 = arith.constant 640 : i32
    %mul3A_112 = arith.muli %arg1, %mul3A_111 : i32
    %add3A_113 = arith.constant 512 : i32
    %add3A_114 = arith.addi %mul3A_112, %add3A_113 : i32
    "tpu.region"() ({
      %run_scoped3A_131 = tpu.sem_alloc : memref<!tpu.dma_semaphore, #tpu.memory_space<semaphore_mem>>
      %dma_start3A = tpu.memref_slice %arg7[%add3A_114] : memref<10240xf32, #tpu.memory_space<vmem_shared>> -> memref<128xf32, #tpu.memory_space<vmem_shared>>
      %dma_start3A_132 = tpu.memref_slice %arg7[%add3A_114] : memref<10240xf32, #tpu.memory_space<vmem_shared>> -> memref<128xf32, #tpu.memory_space<vmem_shared>>
      tpu.enqueue_dma source(%arg6 : memref<128xf32, #tpu.memory_space<vmem>>) target(%dma_start3A_132 : memref<128xf32, #tpu.memory_space<vmem_shared>>) target_semaphore(%run_scoped3A_131 : memref<!tpu.dma_semaphore, #tpu.memory_space<semaphore_mem>>)
      %dma_wait3A = tpu.memref_slice %arg7[%add3A_114] : memref<10240xf32, #tpu.memory_space<vmem_shared>> -> memref<128xf32, #tpu.memory_space<vmem_shared>>
      %dma_wait3A_133 = tpu.memref_slice %arg7[%add3A_114] : memref<10240xf32, #tpu.memory_space<vmem_shared>> -> memref<128xf32, #tpu.memory_space<vmem_shared>>
      tpu.wait_dma2 semaphore(%run_scoped3A_131 : memref<!tpu.dma_semaphore, #tpu.memory_space<semaphore_mem>>) src(%arg6 : memref<128xf32, #tpu.memory_space<vmem>>) dst(%dma_wait3A_133 : memref<128xf32, #tpu.memory_space<vmem_shared>>)
      tpu.yield
    }) : () -> ()
    %barrier3A = arith.constant 0 : index
    tpu.barrier barrier_id(%barrier3A)
    %mul3A_115 = arith.constant 80 : i32
    %mul3A_116 = arith.muli %add3A, %mul3A_115 : i32
    %run_scoped3A = arith.constant 1 : i32
    "tpu.region"() ({
      %run_scoped3A_131 = tpu.sem_alloc : memref<!tpu.dma_semaphore, #tpu.memory_space<semaphore_mem>>
      %dma_start3A = arith.constant 0 : i32
      %dma_start3A_132 = tpu.memref_slice %arg2[%run_scoped3A, %mul3A_116, %dma_start3A] : memref<2x2560x128xi32, #tpu.memory_space<hbm>> -> memref<1x80x128xi32, #tpu.memory_space<hbm>>
      %dma_start3A_133 = tpu.memref_squeeze %dma_start3A_132 : memref<1x80x128xi32, #tpu.memory_space<hbm>> -> memref<80x128xi32, #tpu.memory_space<hbm>>
      %dma_start3A_134 = arith.constant 0 : i32
      %dma_start3A_135 = tpu.memref_slice %arg2[%run_scoped3A, %mul3A_116, %dma_start3A_134] : memref<2x2560x128xi32, #tpu.memory_space<hbm>> -> memref<1x80x128xi32, #tpu.memory_space<hbm>>
      %dma_start3A_136 = tpu.memref_squeeze %dma_start3A_135 : memref<1x80x128xi32, #tpu.memory_space<hbm>> -> memref<80x128xi32, #tpu.memory_space<hbm>>
      tpu.enqueue_dma source(%dma_start3A_136 : memref<80x128xi32, #tpu.memory_space<hbm>>) target(%arg4 : memref<80x128xi32, #tpu.memory_space<vmem>>) target_semaphore(%run_scoped3A_131 : memref<!tpu.dma_semaphore, #tpu.memory_space<semaphore_mem>>)
      %dma_wait3A = arith.constant 0 : i32
      %dma_wait3A_137 = tpu.memref_slice %arg2[%run_scoped3A, %mul3A_116, %dma_wait3A] : memref<2x2560x128xi32, #tpu.memory_space<hbm>> -> memref<1x80x128xi32, #tpu.memory_space<hbm>>
      %dma_wait3A_138 = tpu.memref_squeeze %dma_wait3A_137 : memref<1x80x128xi32, #tpu.memory_space<hbm>> -> memref<80x128xi32, #tpu.memory_space<hbm>>
      %dma_wait3A_139 = arith.constant 0 : i32
      %dma_wait3A_140 = tpu.memref_slice %arg2[%run_scoped3A, %mul3A_116, %dma_wait3A_139] : memref<2x2560x128xi32, #tpu.memory_space<hbm>> -> memref<1x80x128xi32, #tpu.memory_space<hbm>>
      %dma_wait3A_141 = tpu.memref_squeeze %dma_wait3A_140 : memref<1x80x128xi32, #tpu.memory_space<hbm>> -> memref<80x128xi32, #tpu.memory_space<hbm>>
      tpu.wait_dma2 semaphore(%run_scoped3A_131 : memref<!tpu.dma_semaphore, #tpu.memory_space<semaphore_mem>>) src(%dma_wait3A_141 : memref<80x128xi32, #tpu.memory_space<hbm>>) dst(%arg4 : memref<80x128xi32, #tpu.memory_space<vmem>>)
      tpu.yield
    }) : () -> ()
    %scan3A = arith.constant 0 : i32
    %scan3A_117 = arith.constant 80 : i32
    %scan3A_118 = arith.addi %scan3A, %scan3A_117 : i32
    %scan3A_119 = arith.constant 1 : i32
    scf.for %scan3A_131 = %scan3A to %scan3A_118 step %scan3A_119  : i32 {
      %dma_start3A = arith.constant 0 : i32
      %dma_start3A_132 = tpu.memref_slice %arg4[%scan3A_131, %dma_start3A] : memref<80x128xi32, #tpu.memory_space<vmem>> -> memref<1x128xi32, #tpu.memory_space<vmem>>
      %dma_start3A_133 = tpu.memref_squeeze %dma_start3A_132 : memref<1x128xi32, #tpu.memory_space<vmem>> -> memref<128xi32, #tpu.memory_space<vmem>>
      %dma_start3A_134 = arith.constant 0 : i32
      %dma_start3A_135 = tpu.memref_slice %arg7[%dma_start3A_134] : memref<10240xf32, #tpu.memory_space<vmem_shared>> -> memref<10240xf32, #tpu.memory_space<vmem_shared>>
      tpu.enqueue_indirect_dma source(%arg5 : memref<128xf32, #tpu.memory_space<vmem>>) target(%dma_start3A_135 : memref<10240xf32, #tpu.memory_space<vmem_shared>>) offsets(%dma_start3A_133 : memref<128xi32, #tpu.memory_space<vmem>>) semaphore(%arg8 : memref<!tpu.dma_semaphore, #tpu.memory_space<semaphore_mem>>) {add = true}
    }
    %scan3A_120 = arith.constant 80 : i32
    %scan3A_121 = arith.constant 0 : i32
    %scan3A_122 = arith.constant 80 : i32
    %scan3A_123 = arith.addi %scan3A_121, %scan3A_122 : i32
    %scan3A_124 = arith.constant 1 : i32
    scf.for %scan3A_131 = %scan3A_121 to %scan3A_123 step %scan3A_124  : i32 {
      %dma_wait3A = arith.constant 0 : i32
      %dma_wait3A_132 = tpu.memref_slice %arg4[%scan3A_131, %dma_wait3A] : memref<80x128xi32, #tpu.memory_space<vmem>> -> memref<1x128xi32, #tpu.memory_space<vmem>>
      %dma_wait3A_133 = tpu.memref_squeeze %dma_wait3A_132 : memref<1x128xi32, #tpu.memory_space<vmem>> -> memref<128xi32, #tpu.memory_space<vmem>>
      %dma_wait3A_134 = arith.constant 0 : i32
      %dma_wait3A_135 = tpu.memref_slice %arg7[%dma_wait3A_134] : memref<10240xf32, #tpu.memory_space<vmem_shared>> -> memref<10240xf32, #tpu.memory_space<vmem_shared>>
      tpu.wait_indirect_dma semaphore(%arg8 : memref<!tpu.dma_semaphore, #tpu.memory_space<semaphore_mem>>) src(%arg5 : memref<128xf32, #tpu.memory_space<vmem>>) dst(%dma_wait3A_135 : memref<10240xf32, #tpu.memory_space<vmem_shared>>)
    }
    %scan3A_125 = arith.constant 80 : i32
    %barrier3A_126 = arith.constant 0 : index
    tpu.barrier barrier_id(%barrier3A_126)
    %mul3A_127 = arith.constant 640 : i32
    %mul3A_128 = arith.muli %arg1, %mul3A_127 : i32
    %mul3A_129 = arith.constant 640 : i32
    %mul3A_130 = arith.muli %arg1, %mul3A_129 : i32
    "tpu.region"() ({
      %run_scoped3A_131 = tpu.sem_alloc : memref<!tpu.dma_semaphore, #tpu.memory_space<semaphore_mem>>
      %dma_start3A = tpu.memref_slice %arg3[%arg0, %mul3A_130] : memref<2x10240xf32, #tpu.memory_space<hbm>> -> memref<1x640xf32, #tpu.memory_space<hbm>>
      %dma_start3A_132 = tpu.memref_squeeze %dma_start3A : memref<1x640xf32, #tpu.memory_space<hbm>> -> memref<640xf32, #tpu.memory_space<hbm>>
      %dma_start3A_133 = tpu.memref_slice %arg7[%mul3A_128] : memref<10240xf32, #tpu.memory_space<vmem_shared>> -> memref<640xf32, #tpu.memory_space<vmem_shared>>
      tpu.enqueue_dma source(%dma_start3A_133 : memref<640xf32, #tpu.memory_space<vmem_shared>>) target(%dma_start3A_132 : memref<640xf32, #tpu.memory_space<hbm>>) target_semaphore(%run_scoped3A_131 : memref<!tpu.dma_semaphore, #tpu.memory_space<semaphore_mem>>)
      %dma_wait3A = tpu.memref_slice %arg3[%arg0, %mul3A_130] : memref<2x10240xf32, #tpu.memory_space<hbm>> -> memref<1x640xf32, #tpu.memory_space<hbm>>
      %dma_wait3A_134 = tpu.memref_squeeze %dma_wait3A : memref<1x640xf32, #tpu.memory_space<hbm>> -> memref<640xf32, #tpu.memory_space<hbm>>
      %dma_wait3A_135 = tpu.memref_slice %arg7[%mul3A_128] : memref<10240xf32, #tpu.memory_space<vmem_shared>> -> memref<640xf32, #tpu.memory_space<vmem_shared>>
      tpu.wait_dma2 semaphore(%run_scoped3A_131 : memref<!tpu.dma_semaphore, #tpu.memory_space<semaphore_mem>>) src(%dma_wait3A_135 : memref<640xf32, #tpu.memory_space<vmem_shared>>) dst(%dma_wait3A_134 : memref<640xf32, #tpu.memory_space<hbm>>)
      tpu.yield
    }) : () -> ()
    return
  }
}

#map = affine_map<(d0, d1) -> (0, 0)>
#map1 = affine_map<(d0, d1) -> (0, 0, 0)>
module attributes {stable_mosaic.version = 14 : i64} {
  func.func @_agg_kernel(%arg0: i32, %arg1: i32, %arg2: memref<10240x128xf32, #tpu.memory_space<hbm>>, %arg3: memref<2x2560x128xi32, #tpu.memory_space<hbm>>, %arg4: memref<2x10240x128xf32, #tpu.memory_space<hbm>>, %arg5: memref<16x128xi32, #tpu.memory_space<vmem>>, %arg6: memref<16x128xi32, #tpu.memory_space<vmem>>, %arg7: memref<128x128xf32, #tpu.memory_space<vmem>>, %arg8: memref<128x128xf32, #tpu.memory_space<vmem>>, %arg9: memref<10240x128xf32, #tpu.memory_space<vmem_shared>>, %arg10: memref<!tpu.dma_semaphore, #tpu.memory_space<semaphore_mem>>, %arg11: memref<!tpu.dma_semaphore, #tpu.memory_space<semaphore_mem>>) attributes {dimension_semantics = [#tpu.dimension_semantics<core_parallel>, #tpu.dimension_semantics<subcore_parallel>], iteration_bounds = array<i64: 2, 16>, scalar_prefetch = 0 : i64, scratch_operands = 7 : i64, tpu.core_type = #tpu.core_type<sc_vector_subcore>, window_params = [{transform_indices = #map}, {transform_indices = #map1}, {transform_indices = #map1}]} {
    %mul3A = arith.constant 16 : i32
    %mul3A_0 = arith.muli %arg0, %mul3A : i32
    %add3A = arith.addi %mul3A_0, %arg1 : i32
    %scan3A = arith.constant 0 : i32
    %scan3A_1 = arith.constant 128 : i32
    %scan3A_2 = arith.addi %scan3A, %scan3A_1 : i32
    %scan3A_3 = arith.constant 1 : i32
    scf.for %scan3A_123 = %scan3A to %scan3A_2 step %scan3A_3  : i32 {
      %broadcast_in_dim3A = arith.constant 0.000000e+00 : f32
      %broadcast_in_dim3A_124 = vector.broadcast %broadcast_in_dim3A : f32 to vector<16xf32>
      %swap3A = arith.index_cast %scan3A_123 : i32 to index
      %swap3A_125 = arith.constant 0 : index
      %swap3A_126 = tpu.vector_load %arg7[%swap3A, %swap3A_125] {strides = array<i32>} : memref<128x128xf32, #tpu.memory_space<vmem>>, vector<1x16xf32>,
      %swap3A_127 = vector.shape_cast %swap3A_126 : vector<1x16xf32> to vector<16xf32>
      %swap3A_128 = vector.shape_cast %broadcast_in_dim3A_124 : vector<16xf32> to vector<1x16xf32>
      tpu.vector_store %arg7[%swap3A, %swap3A_125], %swap3A_128 {strides = array<i32>} : memref<128x128xf32, #tpu.memory_space<vmem>>, vector<1x16xf32>,
      %broadcast_in_dim3A_129 = arith.constant 0.000000e+00 : f32
      %broadcast_in_dim3A_130 = vector.broadcast %broadcast_in_dim3A_129 : f32 to vector<16xf32>
      %swap3A_131 = arith.index_cast %scan3A_123 : i32 to index
      %swap3A_132 = arith.constant 16 : index
      %swap3A_133 = tpu.vector_load %arg7[%swap3A_131, %swap3A_132] {strides = array<i32>} : memref<128x128xf32, #tpu.memory_space<vmem>>, vector<1x16xf32>,
      %swap3A_134 = vector.shape_cast %swap3A_133 : vector<1x16xf32> to vector<16xf32>
      %swap3A_135 = vector.shape_cast %broadcast_in_dim3A_130 : vector<16xf32> to vector<1x16xf32>
      tpu.vector_store %arg7[%swap3A_131, %swap3A_132], %swap3A_135 {strides = array<i32>} : memref<128x128xf32, #tpu.memory_space<vmem>>, vector<1x16xf32>,
      %broadcast_in_dim3A_136 = arith.constant 0.000000e+00 : f32
      %broadcast_in_dim3A_137 = vector.broadcast %broadcast_in_dim3A_136 : f32 to vector<16xf32>
      %swap3A_138 = arith.index_cast %scan3A_123 : i32 to index
      %swap3A_139 = arith.constant 32 : index
      %swap3A_140 = tpu.vector_load %arg7[%swap3A_138, %swap3A_139] {strides = array<i32>} : memref<128x128xf32, #tpu.memory_space<vmem>>, vector<1x16xf32>,
      %swap3A_141 = vector.shape_cast %swap3A_140 : vector<1x16xf32> to vector<16xf32>
      %swap3A_142 = vector.shape_cast %broadcast_in_dim3A_137 : vector<16xf32> to vector<1x16xf32>
      tpu.vector_store %arg7[%swap3A_138, %swap3A_139], %swap3A_142 {strides = array<i32>} : memref<128x128xf32, #tpu.memory_space<vmem>>, vector<1x16xf32>,
      %broadcast_in_dim3A_143 = arith.constant 0.000000e+00 : f32
      %broadcast_in_dim3A_144 = vector.broadcast %broadcast_in_dim3A_143 : f32 to vector<16xf32>
      %swap3A_145 = arith.index_cast %scan3A_123 : i32 to index
      %swap3A_146 = arith.constant 48 : index
      %swap3A_147 = tpu.vector_load %arg7[%swap3A_145, %swap3A_146] {strides = array<i32>} : memref<128x128xf32, #tpu.memory_space<vmem>>, vector<1x16xf32>,
      %swap3A_148 = vector.shape_cast %swap3A_147 : vector<1x16xf32> to vector<16xf32>
      %swap3A_149 = vector.shape_cast %broadcast_in_dim3A_144 : vector<16xf32> to vector<1x16xf32>
      tpu.vector_store %arg7[%swap3A_145, %swap3A_146], %swap3A_149 {strides = array<i32>} : memref<128x128xf32, #tpu.memory_space<vmem>>, vector<1x16xf32>,
      %broadcast_in_dim3A_150 = arith.constant 0.000000e+00 : f32
      %broadcast_in_dim3A_151 = vector.broadcast %broadcast_in_dim3A_150 : f32 to vector<16xf32>
      %swap3A_152 = arith.index_cast %scan3A_123 : i32 to index
      %swap3A_153 = arith.constant 64 : index
      %swap3A_154 = tpu.vector_load %arg7[%swap3A_152, %swap3A_153] {strides = array<i32>} : memref<128x128xf32, #tpu.memory_space<vmem>>, vector<1x16xf32>,
      %swap3A_155 = vector.shape_cast %swap3A_154 : vector<1x16xf32> to vector<16xf32>
      %swap3A_156 = vector.shape_cast %broadcast_in_dim3A_151 : vector<16xf32> to vector<1x16xf32>
      tpu.vector_store %arg7[%swap3A_152, %swap3A_153], %swap3A_156 {strides = array<i32>} : memref<128x128xf32, #tpu.memory_space<vmem>>, vector<1x16xf32>,
      %broadcast_in_dim3A_157 = arith.constant 0.000000e+00 : f32
      %broadcast_in_dim3A_158 = vector.broadcast %broadcast_in_dim3A_157 : f32 to vector<16xf32>
      %swap3A_159 = arith.index_cast %scan3A_123 : i32 to index
      %swap3A_160 = arith.constant 80 : index
      %swap3A_161 = tpu.vector_load %arg7[%swap3A_159, %swap3A_160] {strides = array<i32>} : memref<128x128xf32, #tpu.memory_space<vmem>>, vector<1x16xf32>,
      %swap3A_162 = vector.shape_cast %swap3A_161 : vector<1x16xf32> to vector<16xf32>
      %swap3A_163 = vector.shape_cast %broadcast_in_dim3A_158 : vector<16xf32> to vector<1x16xf32>
      tpu.vector_store %arg7[%swap3A_159, %swap3A_160], %swap3A_163 {strides = array<i32>} : memref<128x128xf32, #tpu.memory_space<vmem>>, vector<1x16xf32>,
      %broadcast_in_dim3A_164 = arith.constant 0.000000e+00 : f32
      %broadcast_in_dim3A_165 = vector.broadcast %broadcast_in_dim3A_164 : f32 to vector<16xf32>
      %swap3A_166 = arith.index_cast %scan3A_123 : i32 to index
      %swap3A_167 = arith.constant 96 : index
      %swap3A_168 = tpu.vector_load %arg7[%swap3A_166, %swap3A_167] {strides = array<i32>} : memref<128x128xf32, #tpu.memory_space<vmem>>, vector<1x16xf32>,
      %swap3A_169 = vector.shape_cast %swap3A_168 : vector<1x16xf32> to vector<16xf32>
      %swap3A_170 = vector.shape_cast %broadcast_in_dim3A_165 : vector<16xf32> to vector<1x16xf32>
      tpu.vector_store %arg7[%swap3A_166, %swap3A_167], %swap3A_170 {strides = array<i32>} : memref<128x128xf32, #tpu.memory_space<vmem>>, vector<1x16xf32>,
      %broadcast_in_dim3A_171 = arith.constant 0.000000e+00 : f32
      %broadcast_in_dim3A_172 = vector.broadcast %broadcast_in_dim3A_171 : f32 to vector<16xf32>
      %swap3A_173 = arith.index_cast %scan3A_123 : i32 to index
      %swap3A_174 = arith.constant 112 : index
      %swap3A_175 = tpu.vector_load %arg7[%swap3A_173, %swap3A_174] {strides = array<i32>} : memref<128x128xf32, #tpu.memory_space<vmem>>, vector<1x16xf32>,
      %swap3A_176 = vector.shape_cast %swap3A_175 : vector<1x16xf32> to vector<16xf32>
      %swap3A_177 = vector.shape_cast %broadcast_in_dim3A_172 : vector<16xf32> to vector<1x16xf32>
      tpu.vector_store %arg7[%swap3A_173, %swap3A_174], %swap3A_177 {strides = array<i32>} : memref<128x128xf32, #tpu.memory_space<vmem>>, vector<1x16xf32>,
    }
    %scan3A_4 = arith.constant 128 : i32
    %scan3A_5 = arith.constant 0 : i32
    %scan3A_6 = arith.constant 5 : i32
    %scan3A_7 = arith.addi %scan3A_5, %scan3A_6 : i32
    %scan3A_8 = arith.constant 1 : i32
    scf.for %scan3A_123 = %scan3A_5 to %scan3A_7 step %scan3A_8  : i32 {
      %mul3A_124 = arith.constant 640 : i32
      %mul3A_125 = arith.muli %arg1, %mul3A_124 : i32
      %mul3A_126 = arith.constant 128 : i32
      %mul3A_127 = arith.muli %scan3A_123, %mul3A_126 : i32
      %add3A_128 = arith.addi %mul3A_125, %mul3A_127 : i32
      "tpu.region"() ({
        %run_scoped3A_129 = tpu.sem_alloc : memref<!tpu.dma_semaphore, #tpu.memory_space<semaphore_mem>>
        %dma_start3A_130 = arith.constant 0 : i32
        %dma_start3A_131 = tpu.memref_slice %arg9[%add3A_128, %dma_start3A_130] : memref<10240x128xf32, #tpu.memory_space<vmem_shared>> -> memref<128x128xf32, #tpu.memory_space<vmem_shared>>
        %dma_start3A_132 = arith.constant 0 : i32
        %dma_start3A_133 = tpu.memref_slice %arg9[%add3A_128, %dma_start3A_132] : memref<10240x128xf32, #tpu.memory_space<vmem_shared>> -> memref<128x128xf32, #tpu.memory_space<vmem_shared>>
        tpu.enqueue_dma source(%arg7 : memref<128x128xf32, #tpu.memory_space<vmem>>) target(%dma_start3A_133 : memref<128x128xf32, #tpu.memory_space<vmem_shared>>) target_semaphore(%run_scoped3A_129 : memref<!tpu.dma_semaphore, #tpu.memory_space<semaphore_mem>>)
        %dma_wait3A = arith.constant 0 : i32
        %dma_wait3A_134 = tpu.memref_slice %arg9[%add3A_128, %dma_wait3A] : memref<10240x128xf32, #tpu.memory_space<vmem_shared>> -> memref<128x128xf32, #tpu.memory_space<vmem_shared>>
        %dma_wait3A_135 = arith.constant 0 : i32
        %dma_wait3A_136 = tpu.memref_slice %arg9[%add3A_128, %dma_wait3A_135] : memref<10240x128xf32, #tpu.memory_space<vmem_shared>> -> memref<128x128xf32, #tpu.memory_space<vmem_shared>>
        tpu.wait_dma2 semaphore(%run_scoped3A_129 : memref<!tpu.dma_semaphore, #tpu.memory_space<semaphore_mem>>) src(%arg7 : memref<128x128xf32, #tpu.memory_space<vmem>>) dst(%dma_wait3A_136 : memref<128x128xf32, #tpu.memory_space<vmem_shared>>)
        tpu.yield
      }) : () -> ()
    }
    %scan3A_9 = arith.constant 5 : i32
    %barrier3A = arith.constant 0 : index
    tpu.barrier barrier_id(%barrier3A)
    %mul3A_10 = arith.constant 80 : i32
    %mul3A_11 = arith.muli %add3A, %mul3A_10 : i32
    %add3A_12 = arith.constant 0 : i32
    %add3A_13 = arith.addi %mul3A_11, %add3A_12 : i32
    %run_scoped3A = arith.constant 0 : i32
    "tpu.region"() ({
      %run_scoped3A_123 = tpu.sem_alloc : memref<!tpu.dma_semaphore, #tpu.memory_space<semaphore_mem>>
      %dma_start3A_124 = arith.constant 0 : i32
      %dma_start3A_125 = tpu.memref_slice %arg3[%run_scoped3A, %add3A_13, %dma_start3A_124] : memref<2x2560x128xi32, #tpu.memory_space<hbm>> -> memref<1x16x128xi32, #tpu.memory_space<hbm>>
      %dma_start3A_126 = tpu.memref_squeeze %dma_start3A_125 : memref<1x16x128xi32, #tpu.memory_space<hbm>> -> memref<16x128xi32, #tpu.memory_space<hbm>>
      %dma_start3A_127 = arith.constant 0 : i32
      %dma_start3A_128 = tpu.memref_slice %arg3[%run_scoped3A, %add3A_13, %dma_start3A_127] : memref<2x2560x128xi32, #tpu.memory_space<hbm>> -> memref<1x16x128xi32, #tpu.memory_space<hbm>>
      %dma_start3A_129 = tpu.memref_squeeze %dma_start3A_128 : memref<1x16x128xi32, #tpu.memory_space<hbm>> -> memref<16x128xi32, #tpu.memory_space<hbm>>
      tpu.enqueue_dma source(%dma_start3A_129 : memref<16x128xi32, #tpu.memory_space<hbm>>) target(%arg5 : memref<16x128xi32, #tpu.memory_space<vmem>>) target_semaphore(%run_scoped3A_123 : memref<!tpu.dma_semaphore, #tpu.memory_space<semaphore_mem>>)
      %dma_wait3A = arith.constant 0 : i32
      %dma_wait3A_130 = tpu.memref_slice %arg3[%run_scoped3A, %add3A_13, %dma_wait3A] : memref<2x2560x128xi32, #tpu.memory_space<hbm>> -> memref<1x16x128xi32, #tpu.memory_space<hbm>>
      %dma_wait3A_131 = tpu.memref_squeeze %dma_wait3A_130 : memref<1x16x128xi32, #tpu.memory_space<hbm>> -> memref<16x128xi32, #tpu.memory_space<hbm>>
      %dma_wait3A_132 = arith.constant 0 : i32
      %dma_wait3A_133 = tpu.memref_slice %arg3[%run_scoped3A, %add3A_13, %dma_wait3A_132] : memref<2x2560x128xi32, #tpu.memory_space<hbm>> -> memref<1x16x128xi32, #tpu.memory_space<hbm>>
      %dma_wait3A_134 = tpu.memref_squeeze %dma_wait3A_133 : memref<1x16x128xi32, #tpu.memory_space<hbm>> -> memref<16x128xi32, #tpu.memory_space<hbm>>
      tpu.wait_dma2 semaphore(%run_scoped3A_123 : memref<!tpu.dma_semaphore, #tpu.memory_space<semaphore_mem>>) src(%dma_wait3A_134 : memref<16x128xi32, #tpu.memory_space<hbm>>) dst(%arg5 : memref<16x128xi32, #tpu.memory_space<vmem>>)
      tpu.yield
    }) : () -> ()
    %mul3A_14 = arith.constant 80 : i32
    %mul3A_15 = arith.muli %add3A, %mul3A_14 : i32
    %add3A_16 = arith.constant 0 : i32
    %add3A_17 = arith.addi %mul3A_15, %add3A_16 : i32
    %run_scoped3A_18 = arith.constant 1 : i32
    "tpu.region"() ({
      %run_scoped3A_123 = tpu.sem_alloc : memref<!tpu.dma_semaphore, #tpu.memory_space<semaphore_mem>>
      %dma_start3A_124 = arith.constant 0 : i32
      %dma_start3A_125 = tpu.memref_slice %arg3[%run_scoped3A_18, %add3A_17, %dma_start3A_124] : memref<2x2560x128xi32, #tpu.memory_space<hbm>> -> memref<1x16x128xi32, #tpu.memory_space<hbm>>
      %dma_start3A_126 = tpu.memref_squeeze %dma_start3A_125 : memref<1x16x128xi32, #tpu.memory_space<hbm>> -> memref<16x128xi32, #tpu.memory_space<hbm>>
      %dma_start3A_127 = arith.constant 0 : i32
      %dma_start3A_128 = tpu.memref_slice %arg3[%run_scoped3A_18, %add3A_17, %dma_start3A_127] : memref<2x2560x128xi32, #tpu.memory_space<hbm>> -> memref<1x16x128xi32, #tpu.memory_space<hbm>>
      %dma_start3A_129 = tpu.memref_squeeze %dma_start3A_128 : memref<1x16x128xi32, #tpu.memory_space<hbm>> -> memref<16x128xi32, #tpu.memory_space<hbm>>
      tpu.enqueue_dma source(%dma_start3A_129 : memref<16x128xi32, #tpu.memory_space<hbm>>) target(%arg6 : memref<16x128xi32, #tpu.memory_space<vmem>>) target_semaphore(%run_scoped3A_123 : memref<!tpu.dma_semaphore, #tpu.memory_space<semaphore_mem>>)
      %dma_wait3A = arith.constant 0 : i32
      %dma_wait3A_130 = tpu.memref_slice %arg3[%run_scoped3A_18, %add3A_17, %dma_wait3A] : memref<2x2560x128xi32, #tpu.memory_space<hbm>> -> memref<1x16x128xi32, #tpu.memory_space<hbm>>
      %dma_wait3A_131 = tpu.memref_squeeze %dma_wait3A_130 : memref<1x16x128xi32, #tpu.memory_space<hbm>> -> memref<16x128xi32, #tpu.memory_space<hbm>>
      %dma_wait3A_132 = arith.constant 0 : i32
      %dma_wait3A_133 = tpu.memref_slice %arg3[%run_scoped3A_18, %add3A_17, %dma_wait3A_132] : memref<2x2560x128xi32, #tpu.memory_space<hbm>> -> memref<1x16x128xi32, #tpu.memory_space<hbm>>
      %dma_wait3A_134 = tpu.memref_squeeze %dma_wait3A_133 : memref<1x16x128xi32, #tpu.memory_space<hbm>> -> memref<16x128xi32, #tpu.memory_space<hbm>>
      tpu.wait_dma2 semaphore(%run_scoped3A_123 : memref<!tpu.dma_semaphore, #tpu.memory_space<semaphore_mem>>) src(%dma_wait3A_134 : memref<16x128xi32, #tpu.memory_space<hbm>>) dst(%arg6 : memref<16x128xi32, #tpu.memory_space<vmem>>)
      tpu.yield
    }) : () -> ()
    %dma_start3A = arith.constant 0 : i32
    %dma_start3A_19 = arith.constant 0 : i32
    %dma_start3A_20 = tpu.memref_slice %arg5[%dma_start3A, %dma_start3A_19] : memref<16x128xi32, #tpu.memory_space<vmem>> -> memref<1x128xi32, #tpu.memory_space<vmem>>
    %dma_start3A_21 = tpu.memref_squeeze %dma_start3A_20 : memref<1x128xi32, #tpu.memory_space<vmem>> -> memref<128xi32, #tpu.memory_space<vmem>>
    %dma_start3A_22 = arith.constant 0 : i32
    %dma_start3A_23 = arith.constant 0 : i32
    %dma_start3A_24 = tpu.memref_slice %arg2[%dma_start3A_22, %dma_start3A_23] : memref<10240x128xf32, #tpu.memory_space<hbm>> -> memref<10240x128xf32, #tpu.memory_space<hbm>>
    tpu.enqueue_indirect_dma source(%dma_start3A_24 : memref<10240x128xf32, #tpu.memory_space<hbm>>) target(%arg7 : memref<128x128xf32, #tpu.memory_space<vmem>>) offsets(%dma_start3A_21 : memref<128xi32, #tpu.memory_space<vmem>>) semaphore(%arg10 : memref<!tpu.dma_semaphore, #tpu.memory_space<semaphore_mem>>)
    %scan3A_25 = arith.constant 0 : i32
    %scan3A_26 = arith.constant 8 : i32
    %scan3A_27 = arith.addi %scan3A_25, %scan3A_26 : i32
    %scan3A_28 = arith.constant 1 : i32
    scf.for %scan3A_123 = %scan3A_25 to %scan3A_27 step %scan3A_28  : i32 {
      %mul3A_124 = arith.constant 2 : i32
      %mul3A_125 = arith.muli %mul3A_124, %scan3A_123 : i32
      %add3A_126 = arith.constant 1 : i32
      %add3A_127 = arith.addi %mul3A_125, %add3A_126 : i32
      %dma_start3A_128 = arith.constant 0 : i32
      %dma_start3A_129 = tpu.memref_slice %arg5[%add3A_127, %dma_start3A_128] : memref<16x128xi32, #tpu.memory_space<vmem>> -> memref<1x128xi32, #tpu.memory_space<vmem>>
      %dma_start3A_130 = tpu.memref_squeeze %dma_start3A_129 : memref<1x128xi32, #tpu.memory_space<vmem>> -> memref<128xi32, #tpu.memory_space<vmem>>
      %dma_start3A_131 = arith.constant 0 : i32
      %dma_start3A_132 = arith.constant 0 : i32
      %dma_start3A_133 = tpu.memref_slice %arg2[%dma_start3A_131, %dma_start3A_132] : memref<10240x128xf32, #tpu.memory_space<hbm>> -> memref<10240x128xf32, #tpu.memory_space<hbm>>
      tpu.enqueue_indirect_dma source(%dma_start3A_133 : memref<10240x128xf32, #tpu.memory_space<hbm>>) target(%arg8 : memref<128x128xf32, #tpu.memory_space<vmem>>) offsets(%dma_start3A_130 : memref<128xi32, #tpu.memory_space<vmem>>) semaphore(%arg11 : memref<!tpu.dma_semaphore, #tpu.memory_space<semaphore_mem>>)
      %mul3A_134 = arith.constant 2 : i32
      %mul3A_135 = arith.muli %mul3A_134, %scan3A_123 : i32
      %dma_wait3A = arith.constant 0 : i32
      %dma_wait3A_136 = tpu.memref_slice %arg5[%mul3A_135, %dma_wait3A] : memref<16x128xi32, #tpu.memory_space<vmem>> -> memref<1x128xi32, #tpu.memory_space<vmem>>
      %dma_wait3A_137 = tpu.memref_squeeze %dma_wait3A_136 : memref<1x128xi32, #tpu.memory_space<vmem>> -> memref<128xi32, #tpu.memory_space<vmem>>
      %dma_wait3A_138 = arith.constant 0 : i32
      %dma_wait3A_139 = arith.constant 0 : i32
      %dma_wait3A_140 = tpu.memref_slice %arg2[%dma_wait3A_138, %dma_wait3A_139] : memref<10240x128xf32, #tpu.memory_space<hbm>> -> memref<10240x128xf32, #tpu.memory_space<hbm>>
      tpu.wait_indirect_dma semaphore(%arg10 : memref<!tpu.dma_semaphore, #tpu.memory_space<semaphore_mem>>) src(%dma_wait3A_140 : memref<10240x128xf32, #tpu.memory_space<hbm>>) dst(%arg7 : memref<128x128xf32, #tpu.memory_space<vmem>>)
      %mul3A_141 = arith.constant 2 : i32
      %mul3A_142 = arith.muli %mul3A_141, %scan3A_123 : i32
      "tpu.region"() ({
        %run_scoped3A_159 = tpu.sem_alloc : memref<!tpu.dma_semaphore, #tpu.memory_space<semaphore_mem>>
        %dma_start3A_160 = arith.constant 0 : i32
        %dma_start3A_161 = tpu.memref_slice %arg6[%mul3A_142, %dma_start3A_160] : memref<16x128xi32, #tpu.memory_space<vmem>> -> memref<1x128xi32, #tpu.memory_space<vmem>>
        %dma_start3A_162 = tpu.memref_squeeze %dma_start3A_161 : memref<1x128xi32, #tpu.memory_space<vmem>> -> memref<128xi32, #tpu.memory_space<vmem>>
        %dma_start3A_163 = arith.constant 0 : i32
        %dma_start3A_164 = arith.constant 0 : i32
        %dma_start3A_165 = tpu.memref_slice %arg9[%dma_start3A_163, %dma_start3A_164] : memref<10240x128xf32, #tpu.memory_space<vmem_shared>> -> memref<10240x128xf32, #tpu.memory_space<vmem_shared>>
        tpu.enqueue_indirect_dma source(%arg7 : memref<128x128xf32, #tpu.memory_space<vmem>>) target(%dma_start3A_165 : memref<10240x128xf32, #tpu.memory_space<vmem_shared>>) offsets(%dma_start3A_162 : memref<128xi32, #tpu.memory_space<vmem>>) semaphore(%run_scoped3A_159 : memref<!tpu.dma_semaphore, #tpu.memory_space<semaphore_mem>>) {add = true}
        %dma_wait3A_166 = arith.constant 0 : i32
        %dma_wait3A_167 = tpu.memref_slice %arg6[%mul3A_142, %dma_wait3A_166] : memref<16x128xi32, #tpu.memory_space<vmem>> -> memref<1x128xi32, #tpu.memory_space<vmem>>
        %dma_wait3A_168 = tpu.memref_squeeze %dma_wait3A_167 : memref<1x128xi32, #tpu.memory_space<vmem>> -> memref<128xi32, #tpu.memory_space<vmem>>
        %dma_wait3A_169 = arith.constant 0 : i32
        %dma_wait3A_170 = arith.constant 0 : i32
        %dma_wait3A_171 = tpu.memref_slice %arg9[%dma_wait3A_169, %dma_wait3A_170] : memref<10240x128xf32, #tpu.memory_space<vmem_shared>> -> memref<10240x128xf32, #tpu.memory_space<vmem_shared>>
        tpu.wait_indirect_dma semaphore(%run_scoped3A_159 : memref<!tpu.dma_semaphore, #tpu.memory_space<semaphore_mem>>) src(%arg7 : memref<128x128xf32, #tpu.memory_space<vmem>>) dst(%dma_wait3A_171 : memref<10240x128xf32, #tpu.memory_space<vmem_shared>>)
        tpu.yield
      }) : () -> ()
      %lt3A = arith.constant 7 : i32
      %lt3A_143 = arith.cmpi slt, %scan3A_123, %lt3A : i32
      %convert_element_type3A = arith.extui %lt3A_143 : i1 to i32
      %cond3A = arith.constant 0 : i32
      %cond3A_144 = arith.cmpi ne, %convert_element_type3A, %cond3A : i32
      scf.if %cond3A_144 {
        %mul3A_159 = arith.constant 2 : i32
        %mul3A_160 = arith.muli %mul3A_159, %scan3A_123 : i32
        %add3A_161 = arith.constant 2 : i32
        %add3A_162 = arith.addi %mul3A_160, %add3A_161 : i32
        %dma_start3A_163 = arith.constant 0 : i32
        %dma_start3A_164 = tpu.memref_slice %arg5[%add3A_162, %dma_start3A_163] : memref<16x128xi32, #tpu.memory_space<vmem>> -> memref<1x128xi32, #tpu.memory_space<vmem>>
        %dma_start3A_165 = tpu.memref_squeeze %dma_start3A_164 : memref<1x128xi32, #tpu.memory_space<vmem>> -> memref<128xi32, #tpu.memory_space<vmem>>
        %dma_start3A_166 = arith.constant 0 : i32
        %dma_start3A_167 = arith.constant 0 : i32
        %dma_start3A_168 = tpu.memref_slice %arg2[%dma_start3A_166, %dma_start3A_167] : memref<10240x128xf32, #tpu.memory_space<hbm>> -> memref<10240x128xf32, #tpu.memory_space<hbm>>
        tpu.enqueue_indirect_dma source(%dma_start3A_168 : memref<10240x128xf32, #tpu.memory_space<hbm>>) target(%arg7 : memref<128x128xf32, #tpu.memory_space<vmem>>) offsets(%dma_start3A_165 : memref<128xi32, #tpu.memory_space<vmem>>) semaphore(%arg10 : memref<!tpu.dma_semaphore, #tpu.memory_space<semaphore_mem>>)
      } else {
      }
      %mul3A_145 = arith.constant 2 : i32
      %mul3A_146 = arith.muli %mul3A_145, %scan3A_123 : i32
      %add3A_147 = arith.constant 1 : i32
      %add3A_148 = arith.addi %mul3A_146, %add3A_147 : i32
      %dma_wait3A_149 = arith.constant 0 : i32
      %dma_wait3A_150 = tpu.memref_slice %arg5[%add3A_148, %dma_wait3A_149] : memref<16x128xi32, #tpu.memory_space<vmem>> -> memref<1x128xi32, #tpu.memory_space<vmem>>
      %dma_wait3A_151 = tpu.memref_squeeze %dma_wait3A_150 : memref<1x128xi32, #tpu.memory_space<vmem>> -> memref<128xi32, #tpu.memory_space<vmem>>
      %dma_wait3A_152 = arith.constant 0 : i32
      %dma_wait3A_153 = arith.constant 0 : i32
      %dma_wait3A_154 = tpu.memref_slice %arg2[%dma_wait3A_152, %dma_wait3A_153] : memref<10240x128xf32, #tpu.memory_space<hbm>> -> memref<10240x128xf32, #tpu.memory_space<hbm>>
      tpu.wait_indirect_dma semaphore(%arg11 : memref<!tpu.dma_semaphore, #tpu.memory_space<semaphore_mem>>) src(%dma_wait3A_154 : memref<10240x128xf32, #tpu.memory_space<hbm>>) dst(%arg8 : memref<128x128xf32, #tpu.memory_space<vmem>>)
      %mul3A_155 = arith.constant 2 : i32
      %mul3A_156 = arith.muli %mul3A_155, %scan3A_123 : i32
      %add3A_157 = arith.constant 1 : i32
      %add3A_158 = arith.addi %mul3A_156, %add3A_157 : i32
      "tpu.region"() ({
        %run_scoped3A_159 = tpu.sem_alloc : memref<!tpu.dma_semaphore, #tpu.memory_space<semaphore_mem>>
        %dma_start3A_160 = arith.constant 0 : i32
        %dma_start3A_161 = tpu.memref_slice %arg6[%add3A_158, %dma_start3A_160] : memref<16x128xi32, #tpu.memory_space<vmem>> -> memref<1x128xi32, #tpu.memory_space<vmem>>
        %dma_start3A_162 = tpu.memref_squeeze %dma_start3A_161 : memref<1x128xi32, #tpu.memory_space<vmem>> -> memref<128xi32, #tpu.memory_space<vmem>>
        %dma_start3A_163 = arith.constant 0 : i32
        %dma_start3A_164 = arith.constant 0 : i32
        %dma_start3A_165 = tpu.memref_slice %arg9[%dma_start3A_163, %dma_start3A_164] : memref<10240x128xf32, #tpu.memory_space<vmem_shared>> -> memref<10240x128xf32, #tpu.memory_space<vmem_shared>>
        tpu.enqueue_indirect_dma source(%arg8 : memref<128x128xf32, #tpu.memory_space<vmem>>) target(%dma_start3A_165 : memref<10240x128xf32, #tpu.memory_space<vmem_shared>>) offsets(%dma_start3A_162 : memref<128xi32, #tpu.memory_space<vmem>>) semaphore(%run_scoped3A_159 : memref<!tpu.dma_semaphore, #tpu.memory_space<semaphore_mem>>) {add = true}
        %dma_wait3A_166 = arith.constant 0 : i32
        %dma_wait3A_167 = tpu.memref_slice %arg6[%add3A_158, %dma_wait3A_166] : memref<16x128xi32, #tpu.memory_space<vmem>> -> memref<1x128xi32, #tpu.memory_space<vmem>>
        %dma_wait3A_168 = tpu.memref_squeeze %dma_wait3A_167 : memref<1x128xi32, #tpu.memory_space<vmem>> -> memref<128xi32, #tpu.memory_space<vmem>>
        %dma_wait3A_169 = arith.constant 0 : i32
        %dma_wait3A_170 = arith.constant 0 : i32
        %dma_wait3A_171 = tpu.memref_slice %arg9[%dma_wait3A_169, %dma_wait3A_170] : memref<10240x128xf32, #tpu.memory_space<vmem_shared>> -> memref<10240x128xf32, #tpu.memory_space<vmem_shared>>
        tpu.wait_indirect_dma semaphore(%run_scoped3A_159 : memref<!tpu.dma_semaphore, #tpu.memory_space<semaphore_mem>>) src(%arg8 : memref<128x128xf32, #tpu.memory_space<vmem>>) dst(%dma_wait3A_171 : memref<10240x128xf32, #tpu.memory_space<vmem_shared>>)
        tpu.yield
      }) : () -> ()
    }
    %scan3A_29 = arith.constant 8 : i32
    %mul3A_30 = arith.constant 80 : i32
    %mul3A_31 = arith.muli %add3A, %mul3A_30 : i32
    %add3A_32 = arith.constant 16 : i32
    %add3A_33 = arith.addi %mul3A_31, %add3A_32 : i32
    %run_scoped3A_34 = arith.constant 0 : i32
    "tpu.region"() ({
      %run_scoped3A_123 = tpu.sem_alloc : memref<!tpu.dma_semaphore, #tpu.memory_space<semaphore_mem>>
      %dma_start3A_124 = arith.constant 0 : i32
      %dma_start3A_125 = tpu.memref_slice %arg3[%run_scoped3A_34, %add3A_33, %dma_start3A_124] : memref<2x2560x128xi32, #tpu.memory_space<hbm>> -> memref<1x16x128xi32, #tpu.memory_space<hbm>>
      %dma_start3A_126 = tpu.memref_squeeze %dma_start3A_125 : memref<1x16x128xi32, #tpu.memory_space<hbm>> -> memref<16x128xi32, #tpu.memory_space<hbm>>
      %dma_start3A_127 = arith.constant 0 : i32
      %dma_start3A_128 = tpu.memref_slice %arg3[%run_scoped3A_34, %add3A_33, %dma_start3A_127] : memref<2x2560x128xi32, #tpu.memory_space<hbm>> -> memref<1x16x128xi32, #tpu.memory_space<hbm>>
      %dma_start3A_129 = tpu.memref_squeeze %dma_start3A_128 : memref<1x16x128xi32, #tpu.memory_space<hbm>> -> memref<16x128xi32, #tpu.memory_space<hbm>>
      tpu.enqueue_dma source(%dma_start3A_129 : memref<16x128xi32, #tpu.memory_space<hbm>>) target(%arg5 : memref<16x128xi32, #tpu.memory_space<vmem>>) target_semaphore(%run_scoped3A_123 : memref<!tpu.dma_semaphore, #tpu.memory_space<semaphore_mem>>)
      %dma_wait3A = arith.constant 0 : i32
      %dma_wait3A_130 = tpu.memref_slice %arg3[%run_scoped3A_34, %add3A_33, %dma_wait3A] : memref<2x2560x128xi32, #tpu.memory_space<hbm>> -> memref<1x16x128xi32, #tpu.memory_space<hbm>>
      %dma_wait3A_131 = tpu.memref_squeeze %dma_wait3A_130 : memref<1x16x128xi32, #tpu.memory_space<hbm>> -> memref<16x128xi32, #tpu.memory_space<hbm>>
      %dma_wait3A_132 = arith.constant 0 : i32
      %dma_wait3A_133 = tpu.memref_slice %arg3[%run_scoped3A_34, %add3A_33, %dma_wait3A_132] : memref<2x2560x128xi32, #tpu.memory_space<hbm>> -> memref<1x16x128xi32, #tpu.memory_space<hbm>>
      %dma_wait3A_134 = tpu.memref_squeeze %dma_wait3A_133 : memref<1x16x128xi32, #tpu.memory_space<hbm>> -> memref<16x128xi32, #tpu.memory_space<hbm>>
      tpu.wait_dma2 semaphore(%run_scoped3A_123 : memref<!tpu.dma_semaphore, #tpu.memory_space<semaphore_mem>>) src(%dma_wait3A_134 : memref<16x128xi32, #tpu.memory_space<hbm>>) dst(%arg5 : memref<16x128xi32, #tpu.memory_space<vmem>>)
      tpu.yield
    }) : () -> ()
    %mul3A_35 = arith.constant 80 : i32
    %mul3A_36 = arith.muli %add3A, %mul3A_35 : i32
    %add3A_37 = arith.constant 16 : i32
    %add3A_38 = arith.addi %mul3A_36, %add3A_37 : i32
    %run_scoped3A_39 = arith.constant 1 : i32
    "tpu.region"() ({
      %run_scoped3A_123 = tpu.sem_alloc : memref<!tpu.dma_semaphore, #tpu.memory_space<semaphore_mem>>
      %dma_start3A_124 = arith.constant 0 : i32
      %dma_start3A_125 = tpu.memref_slice %arg3[%run_scoped3A_39, %add3A_38, %dma_start3A_124] : memref<2x2560x128xi32, #tpu.memory_space<hbm>> -> memref<1x16x128xi32, #tpu.memory_space<hbm>>
      %dma_start3A_126 = tpu.memref_squeeze %dma_start3A_125 : memref<1x16x128xi32, #tpu.memory_space<hbm>> -> memref<16x128xi32, #tpu.memory_space<hbm>>
      %dma_start3A_127 = arith.constant 0 : i32
      %dma_start3A_128 = tpu.memref_slice %arg3[%run_scoped3A_39, %add3A_38, %dma_start3A_127] : memref<2x2560x128xi32, #tpu.memory_space<hbm>> -> memref<1x16x128xi32, #tpu.memory_space<hbm>>
      %dma_start3A_129 = tpu.memref_squeeze %dma_start3A_128 : memref<1x16x128xi32, #tpu.memory_space<hbm>> -> memref<16x128xi32, #tpu.memory_space<hbm>>
      tpu.enqueue_dma source(%dma_start3A_129 : memref<16x128xi32, #tpu.memory_space<hbm>>) target(%arg6 : memref<16x128xi32, #tpu.memory_space<vmem>>) target_semaphore(%run_scoped3A_123 : memref<!tpu.dma_semaphore, #tpu.memory_space<semaphore_mem>>)
      %dma_wait3A = arith.constant 0 : i32
      %dma_wait3A_130 = tpu.memref_slice %arg3[%run_scoped3A_39, %add3A_38, %dma_wait3A] : memref<2x2560x128xi32, #tpu.memory_space<hbm>> -> memref<1x16x128xi32, #tpu.memory_space<hbm>>
      %dma_wait3A_131 = tpu.memref_squeeze %dma_wait3A_130 : memref<1x16x128xi32, #tpu.memory_space<hbm>> -> memref<16x128xi32, #tpu.memory_space<hbm>>
      %dma_wait3A_132 = arith.constant 0 : i32
      %dma_wait3A_133 = tpu.memref_slice %arg3[%run_scoped3A_39, %add3A_38, %dma_wait3A_132] : memref<2x2560x128xi32, #tpu.memory_space<hbm>> -> memref<1x16x128xi32, #tpu.memory_space<hbm>>
      %dma_wait3A_134 = tpu.memref_squeeze %dma_wait3A_133 : memref<1x16x128xi32, #tpu.memory_space<hbm>> -> memref<16x128xi32, #tpu.memory_space<hbm>>
      tpu.wait_dma2 semaphore(%run_scoped3A_123 : memref<!tpu.dma_semaphore, #tpu.memory_space<semaphore_mem>>) src(%dma_wait3A_134 : memref<16x128xi32, #tpu.memory_space<hbm>>) dst(%arg6 : memref<16x128xi32, #tpu.memory_space<vmem>>)
      tpu.yield
    }) : () -> ()
    %dma_start3A_40 = arith.constant 0 : i32
    %dma_start3A_41 = arith.constant 0 : i32
    %dma_start3A_42 = tpu.memref_slice %arg5[%dma_start3A_40, %dma_start3A_41] : memref<16x128xi32, #tpu.memory_space<vmem>> -> memref<1x128xi32, #tpu.memory_space<vmem>>
    %dma_start3A_43 = tpu.memref_squeeze %dma_start3A_42 : memref<1x128xi32, #tpu.memory_space<vmem>> -> memref<128xi32, #tpu.memory_space<vmem>>
    %dma_start3A_44 = arith.constant 0 : i32
    %dma_start3A_45 = arith.constant 0 : i32
    %dma_start3A_46 = tpu.memref_slice %arg2[%dma_start3A_44, %dma_start3A_45] : memref<10240x128xf32, #tpu.memory_space<hbm>> -> memref<10240x128xf32, #tpu.memory_space<hbm>>
    tpu.enqueue_indirect_dma source(%dma_start3A_46 : memref<10240x128xf32, #tpu.memory_space<hbm>>) target(%arg7 : memref<128x128xf32, #tpu.memory_space<vmem>>) offsets(%dma_start3A_43 : memref<128xi32, #tpu.memory_space<vmem>>) semaphore(%arg10 : memref<!tpu.dma_semaphore, #tpu.memory_space<semaphore_mem>>)
    %scan3A_47 = arith.constant 0 : i32
    %scan3A_48 = arith.constant 8 : i32
    %scan3A_49 = arith.addi %scan3A_47, %scan3A_48 : i32
    %scan3A_50 = arith.constant 1 : i32
    scf.for %scan3A_123 = %scan3A_47 to %scan3A_49 step %scan3A_50  : i32 {
      %mul3A_124 = arith.constant 2 : i32
      %mul3A_125 = arith.muli %mul3A_124, %scan3A_123 : i32
      %add3A_126 = arith.constant 1 : i32
      %add3A_127 = arith.addi %mul3A_125, %add3A_126 : i32
      %dma_start3A_128 = arith.constant 0 : i32
      %dma_start3A_129 = tpu.memref_slice %arg5[%add3A_127, %dma_start3A_128] : memref<16x128xi32, #tpu.memory_space<vmem>> -> memref<1x128xi32, #tpu.memory_space<vmem>>
      %dma_start3A_130 = tpu.memref_squeeze %dma_start3A_129 : memref<1x128xi32, #tpu.memory_space<vmem>> -> memref<128xi32, #tpu.memory_space<vmem>>
      %dma_start3A_131 = arith.constant 0 : i32
      %dma_start3A_132 = arith.constant 0 : i32
      %dma_start3A_133 = tpu.memref_slice %arg2[%dma_start3A_131, %dma_start3A_132] : memref<10240x128xf32, #tpu.memory_space<hbm>> -> memref<10240x128xf32, #tpu.memory_space<hbm>>
      tpu.enqueue_indirect_dma source(%dma_start3A_133 : memref<10240x128xf32, #tpu.memory_space<hbm>>) target(%arg8 : memref<128x128xf32, #tpu.memory_space<vmem>>) offsets(%dma_start3A_130 : memref<128xi32, #tpu.memory_space<vmem>>) semaphore(%arg11 : memref<!tpu.dma_semaphore, #tpu.memory_space<semaphore_mem>>)
      %mul3A_134 = arith.constant 2 : i32
      %mul3A_135 = arith.muli %mul3A_134, %scan3A_123 : i32
      %dma_wait3A = arith.constant 0 : i32
      %dma_wait3A_136 = tpu.memref_slice %arg5[%mul3A_135, %dma_wait3A] : memref<16x128xi32, #tpu.memory_space<vmem>> -> memref<1x128xi32, #tpu.memory_space<vmem>>
      %dma_wait3A_137 = tpu.memref_squeeze %dma_wait3A_136 : memref<1x128xi32, #tpu.memory_space<vmem>> -> memref<128xi32, #tpu.memory_space<vmem>>
      %dma_wait3A_138 = arith.constant 0 : i32
      %dma_wait3A_139 = arith.constant 0 : i32
      %dma_wait3A_140 = tpu.memref_slice %arg2[%dma_wait3A_138, %dma_wait3A_139] : memref<10240x128xf32, #tpu.memory_space<hbm>> -> memref<10240x128xf32, #tpu.memory_space<hbm>>
      tpu.wait_indirect_dma semaphore(%arg10 : memref<!tpu.dma_semaphore, #tpu.memory_space<semaphore_mem>>) src(%dma_wait3A_140 : memref<10240x128xf32, #tpu.memory_space<hbm>>) dst(%arg7 : memref<128x128xf32, #tpu.memory_space<vmem>>)
      %mul3A_141 = arith.constant 2 : i32
      %mul3A_142 = arith.muli %mul3A_141, %scan3A_123 : i32
      "tpu.region"() ({
        %run_scoped3A_159 = tpu.sem_alloc : memref<!tpu.dma_semaphore, #tpu.memory_space<semaphore_mem>>
        %dma_start3A_160 = arith.constant 0 : i32
        %dma_start3A_161 = tpu.memref_slice %arg6[%mul3A_142, %dma_start3A_160] : memref<16x128xi32, #tpu.memory_space<vmem>> -> memref<1x128xi32, #tpu.memory_space<vmem>>
        %dma_start3A_162 = tpu.memref_squeeze %dma_start3A_161 : memref<1x128xi32, #tpu.memory_space<vmem>> -> memref<128xi32, #tpu.memory_space<vmem>>
        %dma_start3A_163 = arith.constant 0 : i32
        %dma_start3A_164 = arith.constant 0 : i32
        %dma_start3A_165 = tpu.memref_slice %arg9[%dma_start3A_163, %dma_start3A_164] : memref<10240x128xf32, #tpu.memory_space<vmem_shared>> -> memref<10240x128xf32, #tpu.memory_space<vmem_shared>>
        tpu.enqueue_indirect_dma source(%arg7 : memref<128x128xf32, #tpu.memory_space<vmem>>) target(%dma_start3A_165 : memref<10240x128xf32, #tpu.memory_space<vmem_shared>>) offsets(%dma_start3A_162 : memref<128xi32, #tpu.memory_space<vmem>>) semaphore(%run_scoped3A_159 : memref<!tpu.dma_semaphore, #tpu.memory_space<semaphore_mem>>) {add = true}
        %dma_wait3A_166 = arith.constant 0 : i32
        %dma_wait3A_167 = tpu.memref_slice %arg6[%mul3A_142, %dma_wait3A_166] : memref<16x128xi32, #tpu.memory_space<vmem>> -> memref<1x128xi32, #tpu.memory_space<vmem>>
        %dma_wait3A_168 = tpu.memref_squeeze %dma_wait3A_167 : memref<1x128xi32, #tpu.memory_space<vmem>> -> memref<128xi32, #tpu.memory_space<vmem>>
        %dma_wait3A_169 = arith.constant 0 : i32
        %dma_wait3A_170 = arith.constant 0 : i32
        %dma_wait3A_171 = tpu.memref_slice %arg9[%dma_wait3A_169, %dma_wait3A_170] : memref<10240x128xf32, #tpu.memory_space<vmem_shared>> -> memref<10240x128xf32, #tpu.memory_space<vmem_shared>>
        tpu.wait_indirect_dma semaphore(%run_scoped3A_159 : memref<!tpu.dma_semaphore, #tpu.memory_space<semaphore_mem>>) src(%arg7 : memref<128x128xf32, #tpu.memory_space<vmem>>) dst(%dma_wait3A_171 : memref<10240x128xf32, #tpu.memory_space<vmem_shared>>)
        tpu.yield
      }) : () -> ()
      %lt3A = arith.constant 7 : i32
      %lt3A_143 = arith.cmpi slt, %scan3A_123, %lt3A : i32
      %convert_element_type3A = arith.extui %lt3A_143 : i1 to i32
      %cond3A = arith.constant 0 : i32
      %cond3A_144 = arith.cmpi ne, %convert_element_type3A, %cond3A : i32
      scf.if %cond3A_144 {
        %mul3A_159 = arith.constant 2 : i32
        %mul3A_160 = arith.muli %mul3A_159, %scan3A_123 : i32
        %add3A_161 = arith.constant 2 : i32
        %add3A_162 = arith.addi %mul3A_160, %add3A_161 : i32
        %dma_start3A_163 = arith.constant 0 : i32
        %dma_start3A_164 = tpu.memref_slice %arg5[%add3A_162, %dma_start3A_163] : memref<16x128xi32, #tpu.memory_space<vmem>> -> memref<1x128xi32, #tpu.memory_space<vmem>>
        %dma_start3A_165 = tpu.memref_squeeze %dma_start3A_164 : memref<1x128xi32, #tpu.memory_space<vmem>> -> memref<128xi32, #tpu.memory_space<vmem>>
        %dma_start3A_166 = arith.constant 0 : i32
        %dma_start3A_167 = arith.constant 0 : i32
        %dma_start3A_168 = tpu.memref_slice %arg2[%dma_start3A_166, %dma_start3A_167] : memref<10240x128xf32, #tpu.memory_space<hbm>> -> memref<10240x128xf32, #tpu.memory_space<hbm>>
        tpu.enqueue_indirect_dma source(%dma_start3A_168 : memref<10240x128xf32, #tpu.memory_space<hbm>>) target(%arg7 : memref<128x128xf32, #tpu.memory_space<vmem>>) offsets(%dma_start3A_165 : memref<128xi32, #tpu.memory_space<vmem>>) semaphore(%arg10 : memref<!tpu.dma_semaphore, #tpu.memory_space<semaphore_mem>>)
      } else {
      }
      %mul3A_145 = arith.constant 2 : i32
      %mul3A_146 = arith.muli %mul3A_145, %scan3A_123 : i32
      %add3A_147 = arith.constant 1 : i32
      %add3A_148 = arith.addi %mul3A_146, %add3A_147 : i32
      %dma_wait3A_149 = arith.constant 0 : i32
      %dma_wait3A_150 = tpu.memref_slice %arg5[%add3A_148, %dma_wait3A_149] : memref<16x128xi32, #tpu.memory_space<vmem>> -> memref<1x128xi32, #tpu.memory_space<vmem>>
      %dma_wait3A_151 = tpu.memref_squeeze %dma_wait3A_150 : memref<1x128xi32, #tpu.memory_space<vmem>> -> memref<128xi32, #tpu.memory_space<vmem>>
      %dma_wait3A_152 = arith.constant 0 : i32
      %dma_wait3A_153 = arith.constant 0 : i32
      %dma_wait3A_154 = tpu.memref_slice %arg2[%dma_wait3A_152, %dma_wait3A_153] : memref<10240x128xf32, #tpu.memory_space<hbm>> -> memref<10240x128xf32, #tpu.memory_space<hbm>>
      tpu.wait_indirect_dma semaphore(%arg11 : memref<!tpu.dma_semaphore, #tpu.memory_space<semaphore_mem>>) src(%dma_wait3A_154 : memref<10240x128xf32, #tpu.memory_space<hbm>>) dst(%arg8 : memref<128x128xf32, #tpu.memory_space<vmem>>)
      %mul3A_155 = arith.constant 2 : i32
      %mul3A_156 = arith.muli %mul3A_155, %scan3A_123 : i32
      %add3A_157 = arith.constant 1 : i32
      %add3A_158 = arith.addi %mul3A_156, %add3A_157 : i32
      "tpu.region"() ({
        %run_scoped3A_159 = tpu.sem_alloc : memref<!tpu.dma_semaphore, #tpu.memory_space<semaphore_mem>>
        %dma_start3A_160 = arith.constant 0 : i32
        %dma_start3A_161 = tpu.memref_slice %arg6[%add3A_158, %dma_start3A_160] : memref<16x128xi32, #tpu.memory_space<vmem>> -> memref<1x128xi32, #tpu.memory_space<vmem>>
        %dma_start3A_162 = tpu.memref_squeeze %dma_start3A_161 : memref<1x128xi32, #tpu.memory_space<vmem>> -> memref<128xi32, #tpu.memory_space<vmem>>
        %dma_start3A_163 = arith.constant 0 : i32
        %dma_start3A_164 = arith.constant 0 : i32
        %dma_start3A_165 = tpu.memref_slice %arg9[%dma_start3A_163, %dma_start3A_164] : memref<10240x128xf32, #tpu.memory_space<vmem_shared>> -> memref<10240x128xf32, #tpu.memory_space<vmem_shared>>
        tpu.enqueue_indirect_dma source(%arg8 : memref<128x128xf32, #tpu.memory_space<vmem>>) target(%dma_start3A_165 : memref<10240x128xf32, #tpu.memory_space<vmem_shared>>) offsets(%dma_start3A_162 : memref<128xi32, #tpu.memory_space<vmem>>) semaphore(%run_scoped3A_159 : memref<!tpu.dma_semaphore, #tpu.memory_space<semaphore_mem>>) {add = true}
        %dma_wait3A_166 = arith.constant 0 : i32
        %dma_wait3A_167 = tpu.memref_slice %arg6[%add3A_158, %dma_wait3A_166] : memref<16x128xi32, #tpu.memory_space<vmem>> -> memref<1x128xi32, #tpu.memory_space<vmem>>
        %dma_wait3A_168 = tpu.memref_squeeze %dma_wait3A_167 : memref<1x128xi32, #tpu.memory_space<vmem>> -> memref<128xi32, #tpu.memory_space<vmem>>
        %dma_wait3A_169 = arith.constant 0 : i32
        %dma_wait3A_170 = arith.constant 0 : i32
        %dma_wait3A_171 = tpu.memref_slice %arg9[%dma_wait3A_169, %dma_wait3A_170] : memref<10240x128xf32, #tpu.memory_space<vmem_shared>> -> memref<10240x128xf32, #tpu.memory_space<vmem_shared>>
        tpu.wait_indirect_dma semaphore(%run_scoped3A_159 : memref<!tpu.dma_semaphore, #tpu.memory_space<semaphore_mem>>) src(%arg8 : memref<128x128xf32, #tpu.memory_space<vmem>>) dst(%dma_wait3A_171 : memref<10240x128xf32, #tpu.memory_space<vmem_shared>>)
        tpu.yield
      }) : () -> ()
    }
    %scan3A_51 = arith.constant 8 : i32
    %mul3A_52 = arith.constant 80 : i32
    %mul3A_53 = arith.muli %add3A, %mul3A_52 : i32
    %add3A_54 = arith.constant 32 : i32
    %add3A_55 = arith.addi %mul3A_53, %add3A_54 : i32
    %run_scoped3A_56 = arith.constant 0 : i32
    "tpu.region"() ({
      %run_scoped3A_123 = tpu.sem_alloc : memref<!tpu.dma_semaphore, #tpu.memory_space<semaphore_mem>>
      %dma_start3A_124 = arith.constant 0 : i32
      %dma_start3A_125 = tpu.memref_slice %arg3[%run_scoped3A_56, %add3A_55, %dma_start3A_124] : memref<2x2560x128xi32, #tpu.memory_space<hbm>> -> memref<1x16x128xi32, #tpu.memory_space<hbm>>
      %dma_start3A_126 = tpu.memref_squeeze %dma_start3A_125 : memref<1x16x128xi32, #tpu.memory_space<hbm>> -> memref<16x128xi32, #tpu.memory_space<hbm>>
      %dma_start3A_127 = arith.constant 0 : i32
      %dma_start3A_128 = tpu.memref_slice %arg3[%run_scoped3A_56, %add3A_55, %dma_start3A_127] : memref<2x2560x128xi32, #tpu.memory_space<hbm>> -> memref<1x16x128xi32, #tpu.memory_space<hbm>>
      %dma_start3A_129 = tpu.memref_squeeze %dma_start3A_128 : memref<1x16x128xi32, #tpu.memory_space<hbm>> -> memref<16x128xi32, #tpu.memory_space<hbm>>
      tpu.enqueue_dma source(%dma_start3A_129 : memref<16x128xi32, #tpu.memory_space<hbm>>) target(%arg5 : memref<16x128xi32, #tpu.memory_space<vmem>>) target_semaphore(%run_scoped3A_123 : memref<!tpu.dma_semaphore, #tpu.memory_space<semaphore_mem>>)
      %dma_wait3A = arith.constant 0 : i32
      %dma_wait3A_130 = tpu.memref_slice %arg3[%run_scoped3A_56, %add3A_55, %dma_wait3A] : memref<2x2560x128xi32, #tpu.memory_space<hbm>> -> memref<1x16x128xi32, #tpu.memory_space<hbm>>
      %dma_wait3A_131 = tpu.memref_squeeze %dma_wait3A_130 : memref<1x16x128xi32, #tpu.memory_space<hbm>> -> memref<16x128xi32, #tpu.memory_space<hbm>>
      %dma_wait3A_132 = arith.constant 0 : i32
      %dma_wait3A_133 = tpu.memref_slice %arg3[%run_scoped3A_56, %add3A_55, %dma_wait3A_132] : memref<2x2560x128xi32, #tpu.memory_space<hbm>> -> memref<1x16x128xi32, #tpu.memory_space<hbm>>
      %dma_wait3A_134 = tpu.memref_squeeze %dma_wait3A_133 : memref<1x16x128xi32, #tpu.memory_space<hbm>> -> memref<16x128xi32, #tpu.memory_space<hbm>>
      tpu.wait_dma2 semaphore(%run_scoped3A_123 : memref<!tpu.dma_semaphore, #tpu.memory_space<semaphore_mem>>) src(%dma_wait3A_134 : memref<16x128xi32, #tpu.memory_space<hbm>>) dst(%arg5 : memref<16x128xi32, #tpu.memory_space<vmem>>)
      tpu.yield
    }) : () -> ()
    %mul3A_57 = arith.constant 80 : i32
    %mul3A_58 = arith.muli %add3A, %mul3A_57 : i32
    %add3A_59 = arith.constant 32 : i32
    %add3A_60 = arith.addi %mul3A_58, %add3A_59 : i32
    %run_scoped3A_61 = arith.constant 1 : i32
    "tpu.region"() ({
      %run_scoped3A_123 = tpu.sem_alloc : memref<!tpu.dma_semaphore, #tpu.memory_space<semaphore_mem>>
      %dma_start3A_124 = arith.constant 0 : i32
      %dma_start3A_125 = tpu.memref_slice %arg3[%run_scoped3A_61, %add3A_60, %dma_start3A_124] : memref<2x2560x128xi32, #tpu.memory_space<hbm>> -> memref<1x16x128xi32, #tpu.memory_space<hbm>>
      %dma_start3A_126 = tpu.memref_squeeze %dma_start3A_125 : memref<1x16x128xi32, #tpu.memory_space<hbm>> -> memref<16x128xi32, #tpu.memory_space<hbm>>
      %dma_start3A_127 = arith.constant 0 : i32
      %dma_start3A_128 = tpu.memref_slice %arg3[%run_scoped3A_61, %add3A_60, %dma_start3A_127] : memref<2x2560x128xi32, #tpu.memory_space<hbm>> -> memref<1x16x128xi32, #tpu.memory_space<hbm>>
      %dma_start3A_129 = tpu.memref_squeeze %dma_start3A_128 : memref<1x16x128xi32, #tpu.memory_space<hbm>> -> memref<16x128xi32, #tpu.memory_space<hbm>>
      tpu.enqueue_dma source(%dma_start3A_129 : memref<16x128xi32, #tpu.memory_space<hbm>>) target(%arg6 : memref<16x128xi32, #tpu.memory_space<vmem>>) target_semaphore(%run_scoped3A_123 : memref<!tpu.dma_semaphore, #tpu.memory_space<semaphore_mem>>)
      %dma_wait3A = arith.constant 0 : i32
      %dma_wait3A_130 = tpu.memref_slice %arg3[%run_scoped3A_61, %add3A_60, %dma_wait3A] : memref<2x2560x128xi32, #tpu.memory_space<hbm>> -> memref<1x16x128xi32, #tpu.memory_space<hbm>>
      %dma_wait3A_131 = tpu.memref_squeeze %dma_wait3A_130 : memref<1x16x128xi32, #tpu.memory_space<hbm>> -> memref<16x128xi32, #tpu.memory_space<hbm>>
      %dma_wait3A_132 = arith.constant 0 : i32
      %dma_wait3A_133 = tpu.memref_slice %arg3[%run_scoped3A_61, %add3A_60, %dma_wait3A_132] : memref<2x2560x128xi32, #tpu.memory_space<hbm>> -> memref<1x16x128xi32, #tpu.memory_space<hbm>>
      %dma_wait3A_134 = tpu.memref_squeeze %dma_wait3A_133 : memref<1x16x128xi32, #tpu.memory_space<hbm>> -> memref<16x128xi32, #tpu.memory_space<hbm>>
      tpu.wait_dma2 semaphore(%run_scoped3A_123 : memref<!tpu.dma_semaphore, #tpu.memory_space<semaphore_mem>>) src(%dma_wait3A_134 : memref<16x128xi32, #tpu.memory_space<hbm>>) dst(%arg6 : memref<16x128xi32, #tpu.memory_space<vmem>>)
      tpu.yield
    }) : () -> ()
    %dma_start3A_62 = arith.constant 0 : i32
    %dma_start3A_63 = arith.constant 0 : i32
    %dma_start3A_64 = tpu.memref_slice %arg5[%dma_start3A_62, %dma_start3A_63] : memref<16x128xi32, #tpu.memory_space<vmem>> -> memref<1x128xi32, #tpu.memory_space<vmem>>
    %dma_start3A_65 = tpu.memref_squeeze %dma_start3A_64 : memref<1x128xi32, #tpu.memory_space<vmem>> -> memref<128xi32, #tpu.memory_space<vmem>>
    %dma_start3A_66 = arith.constant 0 : i32
    %dma_start3A_67 = arith.constant 0 : i32
    %dma_start3A_68 = tpu.memref_slice %arg2[%dma_start3A_66, %dma_start3A_67] : memref<10240x128xf32, #tpu.memory_space<hbm>> -> memref<10240x128xf32, #tpu.memory_space<hbm>>
    tpu.enqueue_indirect_dma source(%dma_start3A_68 : memref<10240x128xf32, #tpu.memory_space<hbm>>) target(%arg7 : memref<128x128xf32, #tpu.memory_space<vmem>>) offsets(%dma_start3A_65 : memref<128xi32, #tpu.memory_space<vmem>>) semaphore(%arg10 : memref<!tpu.dma_semaphore, #tpu.memory_space<semaphore_mem>>)
    %scan3A_69 = arith.constant 0 : i32
    %scan3A_70 = arith.constant 8 : i32
    %scan3A_71 = arith.addi %scan3A_69, %scan3A_70 : i32
    %scan3A_72 = arith.constant 1 : i32
    scf.for %scan3A_123 = %scan3A_69 to %scan3A_71 step %scan3A_72  : i32 {
      %mul3A_124 = arith.constant 2 : i32
      %mul3A_125 = arith.muli %mul3A_124, %scan3A_123 : i32
      %add3A_126 = arith.constant 1 : i32
      %add3A_127 = arith.addi %mul3A_125, %add3A_126 : i32
      %dma_start3A_128 = arith.constant 0 : i32
      %dma_start3A_129 = tpu.memref_slice %arg5[%add3A_127, %dma_start3A_128] : memref<16x128xi32, #tpu.memory_space<vmem>> -> memref<1x128xi32, #tpu.memory_space<vmem>>
      %dma_start3A_130 = tpu.memref_squeeze %dma_start3A_129 : memref<1x128xi32, #tpu.memory_space<vmem>> -> memref<128xi32, #tpu.memory_space<vmem>>
      %dma_start3A_131 = arith.constant 0 : i32
      %dma_start3A_132 = arith.constant 0 : i32
      %dma_start3A_133 = tpu.memref_slice %arg2[%dma_start3A_131, %dma_start3A_132] : memref<10240x128xf32, #tpu.memory_space<hbm>> -> memref<10240x128xf32, #tpu.memory_space<hbm>>
      tpu.enqueue_indirect_dma source(%dma_start3A_133 : memref<10240x128xf32, #tpu.memory_space<hbm>>) target(%arg8 : memref<128x128xf32, #tpu.memory_space<vmem>>) offsets(%dma_start3A_130 : memref<128xi32, #tpu.memory_space<vmem>>) semaphore(%arg11 : memref<!tpu.dma_semaphore, #tpu.memory_space<semaphore_mem>>)
      %mul3A_134 = arith.constant 2 : i32
      %mul3A_135 = arith.muli %mul3A_134, %scan3A_123 : i32
      %dma_wait3A = arith.constant 0 : i32
      %dma_wait3A_136 = tpu.memref_slice %arg5[%mul3A_135, %dma_wait3A] : memref<16x128xi32, #tpu.memory_space<vmem>> -> memref<1x128xi32, #tpu.memory_space<vmem>>
      %dma_wait3A_137 = tpu.memref_squeeze %dma_wait3A_136 : memref<1x128xi32, #tpu.memory_space<vmem>> -> memref<128xi32, #tpu.memory_space<vmem>>
      %dma_wait3A_138 = arith.constant 0 : i32
      %dma_wait3A_139 = arith.constant 0 : i32
      %dma_wait3A_140 = tpu.memref_slice %arg2[%dma_wait3A_138, %dma_wait3A_139] : memref<10240x128xf32, #tpu.memory_space<hbm>> -> memref<10240x128xf32, #tpu.memory_space<hbm>>
      tpu.wait_indirect_dma semaphore(%arg10 : memref<!tpu.dma_semaphore, #tpu.memory_space<semaphore_mem>>) src(%dma_wait3A_140 : memref<10240x128xf32, #tpu.memory_space<hbm>>) dst(%arg7 : memref<128x128xf32, #tpu.memory_space<vmem>>)
      %mul3A_141 = arith.constant 2 : i32
      %mul3A_142 = arith.muli %mul3A_141, %scan3A_123 : i32
      "tpu.region"() ({
        %run_scoped3A_159 = tpu.sem_alloc : memref<!tpu.dma_semaphore, #tpu.memory_space<semaphore_mem>>
        %dma_start3A_160 = arith.constant 0 : i32
        %dma_start3A_161 = tpu.memref_slice %arg6[%mul3A_142, %dma_start3A_160] : memref<16x128xi32, #tpu.memory_space<vmem>> -> memref<1x128xi32, #tpu.memory_space<vmem>>
        %dma_start3A_162 = tpu.memref_squeeze %dma_start3A_161 : memref<1x128xi32, #tpu.memory_space<vmem>> -> memref<128xi32, #tpu.memory_space<vmem>>
        %dma_start3A_163 = arith.constant 0 : i32
        %dma_start3A_164 = arith.constant 0 : i32
        %dma_start3A_165 = tpu.memref_slice %arg9[%dma_start3A_163, %dma_start3A_164] : memref<10240x128xf32, #tpu.memory_space<vmem_shared>> -> memref<10240x128xf32, #tpu.memory_space<vmem_shared>>
        tpu.enqueue_indirect_dma source(%arg7 : memref<128x128xf32, #tpu.memory_space<vmem>>) target(%dma_start3A_165 : memref<10240x128xf32, #tpu.memory_space<vmem_shared>>) offsets(%dma_start3A_162 : memref<128xi32, #tpu.memory_space<vmem>>) semaphore(%run_scoped3A_159 : memref<!tpu.dma_semaphore, #tpu.memory_space<semaphore_mem>>) {add = true}
        %dma_wait3A_166 = arith.constant 0 : i32
        %dma_wait3A_167 = tpu.memref_slice %arg6[%mul3A_142, %dma_wait3A_166] : memref<16x128xi32, #tpu.memory_space<vmem>> -> memref<1x128xi32, #tpu.memory_space<vmem>>
        %dma_wait3A_168 = tpu.memref_squeeze %dma_wait3A_167 : memref<1x128xi32, #tpu.memory_space<vmem>> -> memref<128xi32, #tpu.memory_space<vmem>>
        %dma_wait3A_169 = arith.constant 0 : i32
        %dma_wait3A_170 = arith.constant 0 : i32
        %dma_wait3A_171 = tpu.memref_slice %arg9[%dma_wait3A_169, %dma_wait3A_170] : memref<10240x128xf32, #tpu.memory_space<vmem_shared>> -> memref<10240x128xf32, #tpu.memory_space<vmem_shared>>
        tpu.wait_indirect_dma semaphore(%run_scoped3A_159 : memref<!tpu.dma_semaphore, #tpu.memory_space<semaphore_mem>>) src(%arg7 : memref<128x128xf32, #tpu.memory_space<vmem>>) dst(%dma_wait3A_171 : memref<10240x128xf32, #tpu.memory_space<vmem_shared>>)
        tpu.yield
      }) : () -> ()
      %lt3A = arith.constant 7 : i32
      %lt3A_143 = arith.cmpi slt, %scan3A_123, %lt3A : i32
      %convert_element_type3A = arith.extui %lt3A_143 : i1 to i32
      %cond3A = arith.constant 0 : i32
      %cond3A_144 = arith.cmpi ne, %convert_element_type3A, %cond3A : i32
      scf.if %cond3A_144 {
        %mul3A_159 = arith.constant 2 : i32
        %mul3A_160 = arith.muli %mul3A_159, %scan3A_123 : i32
        %add3A_161 = arith.constant 2 : i32
        %add3A_162 = arith.addi %mul3A_160, %add3A_161 : i32
        %dma_start3A_163 = arith.constant 0 : i32
        %dma_start3A_164 = tpu.memref_slice %arg5[%add3A_162, %dma_start3A_163] : memref<16x128xi32, #tpu.memory_space<vmem>> -> memref<1x128xi32, #tpu.memory_space<vmem>>
        %dma_start3A_165 = tpu.memref_squeeze %dma_start3A_164 : memref<1x128xi32, #tpu.memory_space<vmem>> -> memref<128xi32, #tpu.memory_space<vmem>>
        %dma_start3A_166 = arith.constant 0 : i32
        %dma_start3A_167 = arith.constant 0 : i32
        %dma_start3A_168 = tpu.memref_slice %arg2[%dma_start3A_166, %dma_start3A_167] : memref<10240x128xf32, #tpu.memory_space<hbm>> -> memref<10240x128xf32, #tpu.memory_space<hbm>>
        tpu.enqueue_indirect_dma source(%dma_start3A_168 : memref<10240x128xf32, #tpu.memory_space<hbm>>) target(%arg7 : memref<128x128xf32, #tpu.memory_space<vmem>>) offsets(%dma_start3A_165 : memref<128xi32, #tpu.memory_space<vmem>>) semaphore(%arg10 : memref<!tpu.dma_semaphore, #tpu.memory_space<semaphore_mem>>)
      } else {
      }
      %mul3A_145 = arith.constant 2 : i32
      %mul3A_146 = arith.muli %mul3A_145, %scan3A_123 : i32
      %add3A_147 = arith.constant 1 : i32
      %add3A_148 = arith.addi %mul3A_146, %add3A_147 : i32
      %dma_wait3A_149 = arith.constant 0 : i32
      %dma_wait3A_150 = tpu.memref_slice %arg5[%add3A_148, %dma_wait3A_149] : memref<16x128xi32, #tpu.memory_space<vmem>> -> memref<1x128xi32, #tpu.memory_space<vmem>>
      %dma_wait3A_151 = tpu.memref_squeeze %dma_wait3A_150 : memref<1x128xi32, #tpu.memory_space<vmem>> -> memref<128xi32, #tpu.memory_space<vmem>>
      %dma_wait3A_152 = arith.constant 0 : i32
      %dma_wait3A_153 = arith.constant 0 : i32
      %dma_wait3A_154 = tpu.memref_slice %arg2[%dma_wait3A_152, %dma_wait3A_153] : memref<10240x128xf32, #tpu.memory_space<hbm>> -> memref<10240x128xf32, #tpu.memory_space<hbm>>
      tpu.wait_indirect_dma semaphore(%arg11 : memref<!tpu.dma_semaphore, #tpu.memory_space<semaphore_mem>>) src(%dma_wait3A_154 : memref<10240x128xf32, #tpu.memory_space<hbm>>) dst(%arg8 : memref<128x128xf32, #tpu.memory_space<vmem>>)
      %mul3A_155 = arith.constant 2 : i32
      %mul3A_156 = arith.muli %mul3A_155, %scan3A_123 : i32
      %add3A_157 = arith.constant 1 : i32
      %add3A_158 = arith.addi %mul3A_156, %add3A_157 : i32
      "tpu.region"() ({
        %run_scoped3A_159 = tpu.sem_alloc : memref<!tpu.dma_semaphore, #tpu.memory_space<semaphore_mem>>
        %dma_start3A_160 = arith.constant 0 : i32
        %dma_start3A_161 = tpu.memref_slice %arg6[%add3A_158, %dma_start3A_160] : memref<16x128xi32, #tpu.memory_space<vmem>> -> memref<1x128xi32, #tpu.memory_space<vmem>>
        %dma_start3A_162 = tpu.memref_squeeze %dma_start3A_161 : memref<1x128xi32, #tpu.memory_space<vmem>> -> memref<128xi32, #tpu.memory_space<vmem>>
        %dma_start3A_163 = arith.constant 0 : i32
        %dma_start3A_164 = arith.constant 0 : i32
        %dma_start3A_165 = tpu.memref_slice %arg9[%dma_start3A_163, %dma_start3A_164] : memref<10240x128xf32, #tpu.memory_space<vmem_shared>> -> memref<10240x128xf32, #tpu.memory_space<vmem_shared>>
        tpu.enqueue_indirect_dma source(%arg8 : memref<128x128xf32, #tpu.memory_space<vmem>>) target(%dma_start3A_165 : memref<10240x128xf32, #tpu.memory_space<vmem_shared>>) offsets(%dma_start3A_162 : memref<128xi32, #tpu.memory_space<vmem>>) semaphore(%run_scoped3A_159 : memref<!tpu.dma_semaphore, #tpu.memory_space<semaphore_mem>>) {add = true}
        %dma_wait3A_166 = arith.constant 0 : i32
        %dma_wait3A_167 = tpu.memref_slice %arg6[%add3A_158, %dma_wait3A_166] : memref<16x128xi32, #tpu.memory_space<vmem>> -> memref<1x128xi32, #tpu.memory_space<vmem>>
        %dma_wait3A_168 = tpu.memref_squeeze %dma_wait3A_167 : memref<1x128xi32, #tpu.memory_space<vmem>> -> memref<128xi32, #tpu.memory_space<vmem>>
        %dma_wait3A_169 = arith.constant 0 : i32
        %dma_wait3A_170 = arith.constant 0 : i32
        %dma_wait3A_171 = tpu.memref_slice %arg9[%dma_wait3A_169, %dma_wait3A_170] : memref<10240x128xf32, #tpu.memory_space<vmem_shared>> -> memref<10240x128xf32, #tpu.memory_space<vmem_shared>>
        tpu.wait_indirect_dma semaphore(%run_scoped3A_159 : memref<!tpu.dma_semaphore, #tpu.memory_space<semaphore_mem>>) src(%arg8 : memref<128x128xf32, #tpu.memory_space<vmem>>) dst(%dma_wait3A_171 : memref<10240x128xf32, #tpu.memory_space<vmem_shared>>)
        tpu.yield
      }) : () -> ()
    }
    %scan3A_73 = arith.constant 8 : i32
    %mul3A_74 = arith.constant 80 : i32
    %mul3A_75 = arith.muli %add3A, %mul3A_74 : i32
    %add3A_76 = arith.constant 48 : i32
    %add3A_77 = arith.addi %mul3A_75, %add3A_76 : i32
    %run_scoped3A_78 = arith.constant 0 : i32
    "tpu.region"() ({
      %run_scoped3A_123 = tpu.sem_alloc : memref<!tpu.dma_semaphore, #tpu.memory_space<semaphore_mem>>
      %dma_start3A_124 = arith.constant 0 : i32
      %dma_start3A_125 = tpu.memref_slice %arg3[%run_scoped3A_78, %add3A_77, %dma_start3A_124] : memref<2x2560x128xi32, #tpu.memory_space<hbm>> -> memref<1x16x128xi32, #tpu.memory_space<hbm>>
      %dma_start3A_126 = tpu.memref_squeeze %dma_start3A_125 : memref<1x16x128xi32, #tpu.memory_space<hbm>> -> memref<16x128xi32, #tpu.memory_space<hbm>>
      %dma_start3A_127 = arith.constant 0 : i32
      %dma_start3A_128 = tpu.memref_slice %arg3[%run_scoped3A_78, %add3A_77, %dma_start3A_127] : memref<2x2560x128xi32, #tpu.memory_space<hbm>> -> memref<1x16x128xi32, #tpu.memory_space<hbm>>
      %dma_start3A_129 = tpu.memref_squeeze %dma_start3A_128 : memref<1x16x128xi32, #tpu.memory_space<hbm>> -> memref<16x128xi32, #tpu.memory_space<hbm>>
      tpu.enqueue_dma source(%dma_start3A_129 : memref<16x128xi32, #tpu.memory_space<hbm>>) target(%arg5 : memref<16x128xi32, #tpu.memory_space<vmem>>) target_semaphore(%run_scoped3A_123 : memref<!tpu.dma_semaphore, #tpu.memory_space<semaphore_mem>>)
      %dma_wait3A = arith.constant 0 : i32
      %dma_wait3A_130 = tpu.memref_slice %arg3[%run_scoped3A_78, %add3A_77, %dma_wait3A] : memref<2x2560x128xi32, #tpu.memory_space<hbm>> -> memref<1x16x128xi32, #tpu.memory_space<hbm>>
      %dma_wait3A_131 = tpu.memref_squeeze %dma_wait3A_130 : memref<1x16x128xi32, #tpu.memory_space<hbm>> -> memref<16x128xi32, #tpu.memory_space<hbm>>
      %dma_wait3A_132 = arith.constant 0 : i32
      %dma_wait3A_133 = tpu.memref_slice %arg3[%run_scoped3A_78, %add3A_77, %dma_wait3A_132] : memref<2x2560x128xi32, #tpu.memory_space<hbm>> -> memref<1x16x128xi32, #tpu.memory_space<hbm>>
      %dma_wait3A_134 = tpu.memref_squeeze %dma_wait3A_133 : memref<1x16x128xi32, #tpu.memory_space<hbm>> -> memref<16x128xi32, #tpu.memory_space<hbm>>
      tpu.wait_dma2 semaphore(%run_scoped3A_123 : memref<!tpu.dma_semaphore, #tpu.memory_space<semaphore_mem>>) src(%dma_wait3A_134 : memref<16x128xi32, #tpu.memory_space<hbm>>) dst(%arg5 : memref<16x128xi32, #tpu.memory_space<vmem>>)
      tpu.yield
    }) : () -> ()
    %mul3A_79 = arith.constant 80 : i32
    %mul3A_80 = arith.muli %add3A, %mul3A_79 : i32
    %add3A_81 = arith.constant 48 : i32
    %add3A_82 = arith.addi %mul3A_80, %add3A_81 : i32
    %run_scoped3A_83 = arith.constant 1 : i32
    "tpu.region"() ({
      %run_scoped3A_123 = tpu.sem_alloc : memref<!tpu.dma_semaphore, #tpu.memory_space<semaphore_mem>>
      %dma_start3A_124 = arith.constant 0 : i32
      %dma_start3A_125 = tpu.memref_slice %arg3[%run_scoped3A_83, %add3A_82, %dma_start3A_124] : memref<2x2560x128xi32, #tpu.memory_space<hbm>> -> memref<1x16x128xi32, #tpu.memory_space<hbm>>
      %dma_start3A_126 = tpu.memref_squeeze %dma_start3A_125 : memref<1x16x128xi32, #tpu.memory_space<hbm>> -> memref<16x128xi32, #tpu.memory_space<hbm>>
      %dma_start3A_127 = arith.constant 0 : i32
      %dma_start3A_128 = tpu.memref_slice %arg3[%run_scoped3A_83, %add3A_82, %dma_start3A_127] : memref<2x2560x128xi32, #tpu.memory_space<hbm>> -> memref<1x16x128xi32, #tpu.memory_space<hbm>>
      %dma_start3A_129 = tpu.memref_squeeze %dma_start3A_128 : memref<1x16x128xi32, #tpu.memory_space<hbm>> -> memref<16x128xi32, #tpu.memory_space<hbm>>
      tpu.enqueue_dma source(%dma_start3A_129 : memref<16x128xi32, #tpu.memory_space<hbm>>) target(%arg6 : memref<16x128xi32, #tpu.memory_space<vmem>>) target_semaphore(%run_scoped3A_123 : memref<!tpu.dma_semaphore, #tpu.memory_space<semaphore_mem>>)
      %dma_wait3A = arith.constant 0 : i32
      %dma_wait3A_130 = tpu.memref_slice %arg3[%run_scoped3A_83, %add3A_82, %dma_wait3A] : memref<2x2560x128xi32, #tpu.memory_space<hbm>> -> memref<1x16x128xi32, #tpu.memory_space<hbm>>
      %dma_wait3A_131 = tpu.memref_squeeze %dma_wait3A_130 : memref<1x16x128xi32, #tpu.memory_space<hbm>> -> memref<16x128xi32, #tpu.memory_space<hbm>>
      %dma_wait3A_132 = arith.constant 0 : i32
      %dma_wait3A_133 = tpu.memref_slice %arg3[%run_scoped3A_83, %add3A_82, %dma_wait3A_132] : memref<2x2560x128xi32, #tpu.memory_space<hbm>> -> memref<1x16x128xi32, #tpu.memory_space<hbm>>
      %dma_wait3A_134 = tpu.memref_squeeze %dma_wait3A_133 : memref<1x16x128xi32, #tpu.memory_space<hbm>> -> memref<16x128xi32, #tpu.memory_space<hbm>>
      tpu.wait_dma2 semaphore(%run_scoped3A_123 : memref<!tpu.dma_semaphore, #tpu.memory_space<semaphore_mem>>) src(%dma_wait3A_134 : memref<16x128xi32, #tpu.memory_space<hbm>>) dst(%arg6 : memref<16x128xi32, #tpu.memory_space<vmem>>)
      tpu.yield
    }) : () -> ()
    %dma_start3A_84 = arith.constant 0 : i32
    %dma_start3A_85 = arith.constant 0 : i32
    %dma_start3A_86 = tpu.memref_slice %arg5[%dma_start3A_84, %dma_start3A_85] : memref<16x128xi32, #tpu.memory_space<vmem>> -> memref<1x128xi32, #tpu.memory_space<vmem>>
    %dma_start3A_87 = tpu.memref_squeeze %dma_start3A_86 : memref<1x128xi32, #tpu.memory_space<vmem>> -> memref<128xi32, #tpu.memory_space<vmem>>
    %dma_start3A_88 = arith.constant 0 : i32
    %dma_start3A_89 = arith.constant 0 : i32
    %dma_start3A_90 = tpu.memref_slice %arg2[%dma_start3A_88, %dma_start3A_89] : memref<10240x128xf32, #tpu.memory_space<hbm>> -> memref<10240x128xf32, #tpu.memory_space<hbm>>
    tpu.enqueue_indirect_dma source(%dma_start3A_90 : memref<10240x128xf32, #tpu.memory_space<hbm>>) target(%arg7 : memref<128x128xf32, #tpu.memory_space<vmem>>) offsets(%dma_start3A_87 : memref<128xi32, #tpu.memory_space<vmem>>) semaphore(%arg10 : memref<!tpu.dma_semaphore, #tpu.memory_space<semaphore_mem>>)
    %scan3A_91 = arith.constant 0 : i32
    %scan3A_92 = arith.constant 8 : i32
    %scan3A_93 = arith.addi %scan3A_91, %scan3A_92 : i32
    %scan3A_94 = arith.constant 1 : i32
    scf.for %scan3A_123 = %scan3A_91 to %scan3A_93 step %scan3A_94  : i32 {
      %mul3A_124 = arith.constant 2 : i32
      %mul3A_125 = arith.muli %mul3A_124, %scan3A_123 : i32
      %add3A_126 = arith.constant 1 : i32
      %add3A_127 = arith.addi %mul3A_125, %add3A_126 : i32
      %dma_start3A_128 = arith.constant 0 : i32
      %dma_start3A_129 = tpu.memref_slice %arg5[%add3A_127, %dma_start3A_128] : memref<16x128xi32, #tpu.memory_space<vmem>> -> memref<1x128xi32, #tpu.memory_space<vmem>>
      %dma_start3A_130 = tpu.memref_squeeze %dma_start3A_129 : memref<1x128xi32, #tpu.memory_space<vmem>> -> memref<128xi32, #tpu.memory_space<vmem>>
      %dma_start3A_131 = arith.constant 0 : i32
      %dma_start3A_132 = arith.constant 0 : i32
      %dma_start3A_133 = tpu.memref_slice %arg2[%dma_start3A_131, %dma_start3A_132] : memref<10240x128xf32, #tpu.memory_space<hbm>> -> memref<10240x128xf32, #tpu.memory_space<hbm>>
      tpu.enqueue_indirect_dma source(%dma_start3A_133 : memref<10240x128xf32, #tpu.memory_space<hbm>>) target(%arg8 : memref<128x128xf32, #tpu.memory_space<vmem>>) offsets(%dma_start3A_130 : memref<128xi32, #tpu.memory_space<vmem>>) semaphore(%arg11 : memref<!tpu.dma_semaphore, #tpu.memory_space<semaphore_mem>>)
      %mul3A_134 = arith.constant 2 : i32
      %mul3A_135 = arith.muli %mul3A_134, %scan3A_123 : i32
      %dma_wait3A = arith.constant 0 : i32
      %dma_wait3A_136 = tpu.memref_slice %arg5[%mul3A_135, %dma_wait3A] : memref<16x128xi32, #tpu.memory_space<vmem>> -> memref<1x128xi32, #tpu.memory_space<vmem>>
      %dma_wait3A_137 = tpu.memref_squeeze %dma_wait3A_136 : memref<1x128xi32, #tpu.memory_space<vmem>> -> memref<128xi32, #tpu.memory_space<vmem>>
      %dma_wait3A_138 = arith.constant 0 : i32
      %dma_wait3A_139 = arith.constant 0 : i32
      %dma_wait3A_140 = tpu.memref_slice %arg2[%dma_wait3A_138, %dma_wait3A_139] : memref<10240x128xf32, #tpu.memory_space<hbm>> -> memref<10240x128xf32, #tpu.memory_space<hbm>>
      tpu.wait_indirect_dma semaphore(%arg10 : memref<!tpu.dma_semaphore, #tpu.memory_space<semaphore_mem>>) src(%dma_wait3A_140 : memref<10240x128xf32, #tpu.memory_space<hbm>>) dst(%arg7 : memref<128x128xf32, #tpu.memory_space<vmem>>)
      %mul3A_141 = arith.constant 2 : i32
      %mul3A_142 = arith.muli %mul3A_141, %scan3A_123 : i32
      "tpu.region"() ({
        %run_scoped3A_159 = tpu.sem_alloc : memref<!tpu.dma_semaphore, #tpu.memory_space<semaphore_mem>>
        %dma_start3A_160 = arith.constant 0 : i32
        %dma_start3A_161 = tpu.memref_slice %arg6[%mul3A_142, %dma_start3A_160] : memref<16x128xi32, #tpu.memory_space<vmem>> -> memref<1x128xi32, #tpu.memory_space<vmem>>
        %dma_start3A_162 = tpu.memref_squeeze %dma_start3A_161 : memref<1x128xi32, #tpu.memory_space<vmem>> -> memref<128xi32, #tpu.memory_space<vmem>>
        %dma_start3A_163 = arith.constant 0 : i32
        %dma_start3A_164 = arith.constant 0 : i32
        %dma_start3A_165 = tpu.memref_slice %arg9[%dma_start3A_163, %dma_start3A_164] : memref<10240x128xf32, #tpu.memory_space<vmem_shared>> -> memref<10240x128xf32, #tpu.memory_space<vmem_shared>>
        tpu.enqueue_indirect_dma source(%arg7 : memref<128x128xf32, #tpu.memory_space<vmem>>) target(%dma_start3A_165 : memref<10240x128xf32, #tpu.memory_space<vmem_shared>>) offsets(%dma_start3A_162 : memref<128xi32, #tpu.memory_space<vmem>>) semaphore(%run_scoped3A_159 : memref<!tpu.dma_semaphore, #tpu.memory_space<semaphore_mem>>) {add = true}
        %dma_wait3A_166 = arith.constant 0 : i32
        %dma_wait3A_167 = tpu.memref_slice %arg6[%mul3A_142, %dma_wait3A_166] : memref<16x128xi32, #tpu.memory_space<vmem>> -> memref<1x128xi32, #tpu.memory_space<vmem>>
        %dma_wait3A_168 = tpu.memref_squeeze %dma_wait3A_167 : memref<1x128xi32, #tpu.memory_space<vmem>> -> memref<128xi32, #tpu.memory_space<vmem>>
        %dma_wait3A_169 = arith.constant 0 : i32
        %dma_wait3A_170 = arith.constant 0 : i32
        %dma_wait3A_171 = tpu.memref_slice %arg9[%dma_wait3A_169, %dma_wait3A_170] : memref<10240x128xf32, #tpu.memory_space<vmem_shared>> -> memref<10240x128xf32, #tpu.memory_space<vmem_shared>>
        tpu.wait_indirect_dma semaphore(%run_scoped3A_159 : memref<!tpu.dma_semaphore, #tpu.memory_space<semaphore_mem>>) src(%arg7 : memref<128x128xf32, #tpu.memory_space<vmem>>) dst(%dma_wait3A_171 : memref<10240x128xf32, #tpu.memory_space<vmem_shared>>)
        tpu.yield
      }) : () -> ()
      %lt3A = arith.constant 7 : i32
      %lt3A_143 = arith.cmpi slt, %scan3A_123, %lt3A : i32
      %convert_element_type3A = arith.extui %lt3A_143 : i1 to i32
      %cond3A = arith.constant 0 : i32
      %cond3A_144 = arith.cmpi ne, %convert_element_type3A, %cond3A : i32
      scf.if %cond3A_144 {
        %mul3A_159 = arith.constant 2 : i32
        %mul3A_160 = arith.muli %mul3A_159, %scan3A_123 : i32
        %add3A_161 = arith.constant 2 : i32
        %add3A_162 = arith.addi %mul3A_160, %add3A_161 : i32
        %dma_start3A_163 = arith.constant 0 : i32
        %dma_start3A_164 = tpu.memref_slice %arg5[%add3A_162, %dma_start3A_163] : memref<16x128xi32, #tpu.memory_space<vmem>> -> memref<1x128xi32, #tpu.memory_space<vmem>>
        %dma_start3A_165 = tpu.memref_squeeze %dma_start3A_164 : memref<1x128xi32, #tpu.memory_space<vmem>> -> memref<128xi32, #tpu.memory_space<vmem>>
        %dma_start3A_166 = arith.constant 0 : i32
        %dma_start3A_167 = arith.constant 0 : i32
        %dma_start3A_168 = tpu.memref_slice %arg2[%dma_start3A_166, %dma_start3A_167] : memref<10240x128xf32, #tpu.memory_space<hbm>> -> memref<10240x128xf32, #tpu.memory_space<hbm>>
        tpu.enqueue_indirect_dma source(%dma_start3A_168 : memref<10240x128xf32, #tpu.memory_space<hbm>>) target(%arg7 : memref<128x128xf32, #tpu.memory_space<vmem>>) offsets(%dma_start3A_165 : memref<128xi32, #tpu.memory_space<vmem>>) semaphore(%arg10 : memref<!tpu.dma_semaphore, #tpu.memory_space<semaphore_mem>>)
      } else {
      }
      %mul3A_145 = arith.constant 2 : i32
      %mul3A_146 = arith.muli %mul3A_145, %scan3A_123 : i32
      %add3A_147 = arith.constant 1 : i32
      %add3A_148 = arith.addi %mul3A_146, %add3A_147 : i32
      %dma_wait3A_149 = arith.constant 0 : i32
      %dma_wait3A_150 = tpu.memref_slice %arg5[%add3A_148, %dma_wait3A_149] : memref<16x128xi32, #tpu.memory_space<vmem>> -> memref<1x128xi32, #tpu.memory_space<vmem>>
      %dma_wait3A_151 = tpu.memref_squeeze %dma_wait3A_150 : memref<1x128xi32, #tpu.memory_space<vmem>> -> memref<128xi32, #tpu.memory_space<vmem>>
      %dma_wait3A_152 = arith.constant 0 : i32
      %dma_wait3A_153 = arith.constant 0 : i32
      %dma_wait3A_154 = tpu.memref_slice %arg2[%dma_wait3A_152, %dma_wait3A_153] : memref<10240x128xf32, #tpu.memory_space<hbm>> -> memref<10240x128xf32, #tpu.memory_space<hbm>>
      tpu.wait_indirect_dma semaphore(%arg11 : memref<!tpu.dma_semaphore, #tpu.memory_space<semaphore_mem>>) src(%dma_wait3A_154 : memref<10240x128xf32, #tpu.memory_space<hbm>>) dst(%arg8 : memref<128x128xf32, #tpu.memory_space<vmem>>)
      %mul3A_155 = arith.constant 2 : i32
      %mul3A_156 = arith.muli %mul3A_155, %scan3A_123 : i32
      %add3A_157 = arith.constant 1 : i32
      %add3A_158 = arith.addi %mul3A_156, %add3A_157 : i32
      "tpu.region"() ({
        %run_scoped3A_159 = tpu.sem_alloc : memref<!tpu.dma_semaphore, #tpu.memory_space<semaphore_mem>>
        %dma_start3A_160 = arith.constant 0 : i32
        %dma_start3A_161 = tpu.memref_slice %arg6[%add3A_158, %dma_start3A_160] : memref<16x128xi32, #tpu.memory_space<vmem>> -> memref<1x128xi32, #tpu.memory_space<vmem>>
        %dma_start3A_162 = tpu.memref_squeeze %dma_start3A_161 : memref<1x128xi32, #tpu.memory_space<vmem>> -> memref<128xi32, #tpu.memory_space<vmem>>
        %dma_start3A_163 = arith.constant 0 : i32
        %dma_start3A_164 = arith.constant 0 : i32
        %dma_start3A_165 = tpu.memref_slice %arg9[%dma_start3A_163, %dma_start3A_164] : memref<10240x128xf32, #tpu.memory_space<vmem_shared>> -> memref<10240x128xf32, #tpu.memory_space<vmem_shared>>
        tpu.enqueue_indirect_dma source(%arg8 : memref<128x128xf32, #tpu.memory_space<vmem>>) target(%dma_start3A_165 : memref<10240x128xf32, #tpu.memory_space<vmem_shared>>) offsets(%dma_start3A_162 : memref<128xi32, #tpu.memory_space<vmem>>) semaphore(%run_scoped3A_159 : memref<!tpu.dma_semaphore, #tpu.memory_space<semaphore_mem>>) {add = true}
        %dma_wait3A_166 = arith.constant 0 : i32
        %dma_wait3A_167 = tpu.memref_slice %arg6[%add3A_158, %dma_wait3A_166] : memref<16x128xi32, #tpu.memory_space<vmem>> -> memref<1x128xi32, #tpu.memory_space<vmem>>
        %dma_wait3A_168 = tpu.memref_squeeze %dma_wait3A_167 : memref<1x128xi32, #tpu.memory_space<vmem>> -> memref<128xi32, #tpu.memory_space<vmem>>
        %dma_wait3A_169 = arith.constant 0 : i32
        %dma_wait3A_170 = arith.constant 0 : i32
        %dma_wait3A_171 = tpu.memref_slice %arg9[%dma_wait3A_169, %dma_wait3A_170] : memref<10240x128xf32, #tpu.memory_space<vmem_shared>> -> memref<10240x128xf32, #tpu.memory_space<vmem_shared>>
        tpu.wait_indirect_dma semaphore(%run_scoped3A_159 : memref<!tpu.dma_semaphore, #tpu.memory_space<semaphore_mem>>) src(%arg8 : memref<128x128xf32, #tpu.memory_space<vmem>>) dst(%dma_wait3A_171 : memref<10240x128xf32, #tpu.memory_space<vmem_shared>>)
        tpu.yield
      }) : () -> ()
    }
    %scan3A_95 = arith.constant 8 : i32
    %mul3A_96 = arith.constant 80 : i32
    %mul3A_97 = arith.muli %add3A, %mul3A_96 : i32
    %add3A_98 = arith.constant 64 : i32
    %add3A_99 = arith.addi %mul3A_97, %add3A_98 : i32
    %run_scoped3A_100 = arith.constant 0 : i32
    "tpu.region"() ({
      %run_scoped3A_123 = tpu.sem_alloc : memref<!tpu.dma_semaphore, #tpu.memory_space<semaphore_mem>>
      %dma_start3A_124 = arith.constant 0 : i32
      %dma_start3A_125 = tpu.memref_slice %arg3[%run_scoped3A_100, %add3A_99, %dma_start3A_124] : memref<2x2560x128xi32, #tpu.memory_space<hbm>> -> memref<1x16x128xi32, #tpu.memory_space<hbm>>
      %dma_start3A_126 = tpu.memref_squeeze %dma_start3A_125 : memref<1x16x128xi32, #tpu.memory_space<hbm>> -> memref<16x128xi32, #tpu.memory_space<hbm>>
      %dma_start3A_127 = arith.constant 0 : i32
      %dma_start3A_128 = tpu.memref_slice %arg3[%run_scoped3A_100, %add3A_99, %dma_start3A_127] : memref<2x2560x128xi32, #tpu.memory_space<hbm>> -> memref<1x16x128xi32, #tpu.memory_space<hbm>>
      %dma_start3A_129 = tpu.memref_squeeze %dma_start3A_128 : memref<1x16x128xi32, #tpu.memory_space<hbm>> -> memref<16x128xi32, #tpu.memory_space<hbm>>
      tpu.enqueue_dma source(%dma_start3A_129 : memref<16x128xi32, #tpu.memory_space<hbm>>) target(%arg5 : memref<16x128xi32, #tpu.memory_space<vmem>>) target_semaphore(%run_scoped3A_123 : memref<!tpu.dma_semaphore, #tpu.memory_space<semaphore_mem>>)
      %dma_wait3A = arith.constant 0 : i32
      %dma_wait3A_130 = tpu.memref_slice %arg3[%run_scoped3A_100, %add3A_99, %dma_wait3A] : memref<2x2560x128xi32, #tpu.memory_space<hbm>> -> memref<1x16x128xi32, #tpu.memory_space<hbm>>
      %dma_wait3A_131 = tpu.memref_squeeze %dma_wait3A_130 : memref<1x16x128xi32, #tpu.memory_space<hbm>> -> memref<16x128xi32, #tpu.memory_space<hbm>>
      %dma_wait3A_132 = arith.constant 0 : i32
      %dma_wait3A_133 = tpu.memref_slice %arg3[%run_scoped3A_100, %add3A_99, %dma_wait3A_132] : memref<2x2560x128xi32, #tpu.memory_space<hbm>> -> memref<1x16x128xi32, #tpu.memory_space<hbm>>
      %dma_wait3A_134 = tpu.memref_squeeze %dma_wait3A_133 : memref<1x16x128xi32, #tpu.memory_space<hbm>> -> memref<16x128xi32, #tpu.memory_space<hbm>>
      tpu.wait_dma2 semaphore(%run_scoped3A_123 : memref<!tpu.dma_semaphore, #tpu.memory_space<semaphore_mem>>) src(%dma_wait3A_134 : memref<16x128xi32, #tpu.memory_space<hbm>>) dst(%arg5 : memref<16x128xi32, #tpu.memory_space<vmem>>)
      tpu.yield
    }) : () -> ()
    %mul3A_101 = arith.constant 80 : i32
    %mul3A_102 = arith.muli %add3A, %mul3A_101 : i32
    %add3A_103 = arith.constant 64 : i32
    %add3A_104 = arith.addi %mul3A_102, %add3A_103 : i32
    %run_scoped3A_105 = arith.constant 1 : i32
    "tpu.region"() ({
      %run_scoped3A_123 = tpu.sem_alloc : memref<!tpu.dma_semaphore, #tpu.memory_space<semaphore_mem>>
      %dma_start3A_124 = arith.constant 0 : i32
      %dma_start3A_125 = tpu.memref_slice %arg3[%run_scoped3A_105, %add3A_104, %dma_start3A_124] : memref<2x2560x128xi32, #tpu.memory_space<hbm>> -> memref<1x16x128xi32, #tpu.memory_space<hbm>>
      %dma_start3A_126 = tpu.memref_squeeze %dma_start3A_125 : memref<1x16x128xi32, #tpu.memory_space<hbm>> -> memref<16x128xi32, #tpu.memory_space<hbm>>
      %dma_start3A_127 = arith.constant 0 : i32
      %dma_start3A_128 = tpu.memref_slice %arg3[%run_scoped3A_105, %add3A_104, %dma_start3A_127] : memref<2x2560x128xi32, #tpu.memory_space<hbm>> -> memref<1x16x128xi32, #tpu.memory_space<hbm>>
      %dma_start3A_129 = tpu.memref_squeeze %dma_start3A_128 : memref<1x16x128xi32, #tpu.memory_space<hbm>> -> memref<16x128xi32, #tpu.memory_space<hbm>>
      tpu.enqueue_dma source(%dma_start3A_129 : memref<16x128xi32, #tpu.memory_space<hbm>>) target(%arg6 : memref<16x128xi32, #tpu.memory_space<vmem>>) target_semaphore(%run_scoped3A_123 : memref<!tpu.dma_semaphore, #tpu.memory_space<semaphore_mem>>)
      %dma_wait3A = arith.constant 0 : i32
      %dma_wait3A_130 = tpu.memref_slice %arg3[%run_scoped3A_105, %add3A_104, %dma_wait3A] : memref<2x2560x128xi32, #tpu.memory_space<hbm>> -> memref<1x16x128xi32, #tpu.memory_space<hbm>>
      %dma_wait3A_131 = tpu.memref_squeeze %dma_wait3A_130 : memref<1x16x128xi32, #tpu.memory_space<hbm>> -> memref<16x128xi32, #tpu.memory_space<hbm>>
      %dma_wait3A_132 = arith.constant 0 : i32
      %dma_wait3A_133 = tpu.memref_slice %arg3[%run_scoped3A_105, %add3A_104, %dma_wait3A_132] : memref<2x2560x128xi32, #tpu.memory_space<hbm>> -> memref<1x16x128xi32, #tpu.memory_space<hbm>>
      %dma_wait3A_134 = tpu.memref_squeeze %dma_wait3A_133 : memref<1x16x128xi32, #tpu.memory_space<hbm>> -> memref<16x128xi32, #tpu.memory_space<hbm>>
      tpu.wait_dma2 semaphore(%run_scoped3A_123 : memref<!tpu.dma_semaphore, #tpu.memory_space<semaphore_mem>>) src(%dma_wait3A_134 : memref<16x128xi32, #tpu.memory_space<hbm>>) dst(%arg6 : memref<16x128xi32, #tpu.memory_space<vmem>>)
      tpu.yield
    }) : () -> ()
    %dma_start3A_106 = arith.constant 0 : i32
    %dma_start3A_107 = arith.constant 0 : i32
    %dma_start3A_108 = tpu.memref_slice %arg5[%dma_start3A_106, %dma_start3A_107] : memref<16x128xi32, #tpu.memory_space<vmem>> -> memref<1x128xi32, #tpu.memory_space<vmem>>
    %dma_start3A_109 = tpu.memref_squeeze %dma_start3A_108 : memref<1x128xi32, #tpu.memory_space<vmem>> -> memref<128xi32, #tpu.memory_space<vmem>>
    %dma_start3A_110 = arith.constant 0 : i32
    %dma_start3A_111 = arith.constant 0 : i32
    %dma_start3A_112 = tpu.memref_slice %arg2[%dma_start3A_110, %dma_start3A_111] : memref<10240x128xf32, #tpu.memory_space<hbm>> -> memref<10240x128xf32, #tpu.memory_space<hbm>>
    tpu.enqueue_indirect_dma source(%dma_start3A_112 : memref<10240x128xf32, #tpu.memory_space<hbm>>) target(%arg7 : memref<128x128xf32, #tpu.memory_space<vmem>>) offsets(%dma_start3A_109 : memref<128xi32, #tpu.memory_space<vmem>>) semaphore(%arg10 : memref<!tpu.dma_semaphore, #tpu.memory_space<semaphore_mem>>)
    %scan3A_113 = arith.constant 0 : i32
    %scan3A_114 = arith.constant 8 : i32
    %scan3A_115 = arith.addi %scan3A_113, %scan3A_114 : i32
    %scan3A_116 = arith.constant 1 : i32
    scf.for %scan3A_123 = %scan3A_113 to %scan3A_115 step %scan3A_116  : i32 {
      %mul3A_124 = arith.constant 2 : i32
      %mul3A_125 = arith.muli %mul3A_124, %scan3A_123 : i32
      %add3A_126 = arith.constant 1 : i32
      %add3A_127 = arith.addi %mul3A_125, %add3A_126 : i32
      %dma_start3A_128 = arith.constant 0 : i32
      %dma_start3A_129 = tpu.memref_slice %arg5[%add3A_127, %dma_start3A_128] : memref<16x128xi32, #tpu.memory_space<vmem>> -> memref<1x128xi32, #tpu.memory_space<vmem>>
      %dma_start3A_130 = tpu.memref_squeeze %dma_start3A_129 : memref<1x128xi32, #tpu.memory_space<vmem>> -> memref<128xi32, #tpu.memory_space<vmem>>
      %dma_start3A_131 = arith.constant 0 : i32
      %dma_start3A_132 = arith.constant 0 : i32
      %dma_start3A_133 = tpu.memref_slice %arg2[%dma_start3A_131, %dma_start3A_132] : memref<10240x128xf32, #tpu.memory_space<hbm>> -> memref<10240x128xf32, #tpu.memory_space<hbm>>
      tpu.enqueue_indirect_dma source(%dma_start3A_133 : memref<10240x128xf32, #tpu.memory_space<hbm>>) target(%arg8 : memref<128x128xf32, #tpu.memory_space<vmem>>) offsets(%dma_start3A_130 : memref<128xi32, #tpu.memory_space<vmem>>) semaphore(%arg11 : memref<!tpu.dma_semaphore, #tpu.memory_space<semaphore_mem>>)
      %mul3A_134 = arith.constant 2 : i32
      %mul3A_135 = arith.muli %mul3A_134, %scan3A_123 : i32
      %dma_wait3A = arith.constant 0 : i32
      %dma_wait3A_136 = tpu.memref_slice %arg5[%mul3A_135, %dma_wait3A] : memref<16x128xi32, #tpu.memory_space<vmem>> -> memref<1x128xi32, #tpu.memory_space<vmem>>
      %dma_wait3A_137 = tpu.memref_squeeze %dma_wait3A_136 : memref<1x128xi32, #tpu.memory_space<vmem>> -> memref<128xi32, #tpu.memory_space<vmem>>
      %dma_wait3A_138 = arith.constant 0 : i32
      %dma_wait3A_139 = arith.constant 0 : i32
      %dma_wait3A_140 = tpu.memref_slice %arg2[%dma_wait3A_138, %dma_wait3A_139] : memref<10240x128xf32, #tpu.memory_space<hbm>> -> memref<10240x128xf32, #tpu.memory_space<hbm>>
      tpu.wait_indirect_dma semaphore(%arg10 : memref<!tpu.dma_semaphore, #tpu.memory_space<semaphore_mem>>) src(%dma_wait3A_140 : memref<10240x128xf32, #tpu.memory_space<hbm>>) dst(%arg7 : memref<128x128xf32, #tpu.memory_space<vmem>>)
      %mul3A_141 = arith.constant 2 : i32
      %mul3A_142 = arith.muli %mul3A_141, %scan3A_123 : i32
      "tpu.region"() ({
        %run_scoped3A_159 = tpu.sem_alloc : memref<!tpu.dma_semaphore, #tpu.memory_space<semaphore_mem>>
        %dma_start3A_160 = arith.constant 0 : i32
        %dma_start3A_161 = tpu.memref_slice %arg6[%mul3A_142, %dma_start3A_160] : memref<16x128xi32, #tpu.memory_space<vmem>> -> memref<1x128xi32, #tpu.memory_space<vmem>>
        %dma_start3A_162 = tpu.memref_squeeze %dma_start3A_161 : memref<1x128xi32, #tpu.memory_space<vmem>> -> memref<128xi32, #tpu.memory_space<vmem>>
        %dma_start3A_163 = arith.constant 0 : i32
        %dma_start3A_164 = arith.constant 0 : i32
        %dma_start3A_165 = tpu.memref_slice %arg9[%dma_start3A_163, %dma_start3A_164] : memref<10240x128xf32, #tpu.memory_space<vmem_shared>> -> memref<10240x128xf32, #tpu.memory_space<vmem_shared>>
        tpu.enqueue_indirect_dma source(%arg7 : memref<128x128xf32, #tpu.memory_space<vmem>>) target(%dma_start3A_165 : memref<10240x128xf32, #tpu.memory_space<vmem_shared>>) offsets(%dma_start3A_162 : memref<128xi32, #tpu.memory_space<vmem>>) semaphore(%run_scoped3A_159 : memref<!tpu.dma_semaphore, #tpu.memory_space<semaphore_mem>>) {add = true}
        %dma_wait3A_166 = arith.constant 0 : i32
        %dma_wait3A_167 = tpu.memref_slice %arg6[%mul3A_142, %dma_wait3A_166] : memref<16x128xi32, #tpu.memory_space<vmem>> -> memref<1x128xi32, #tpu.memory_space<vmem>>
        %dma_wait3A_168 = tpu.memref_squeeze %dma_wait3A_167 : memref<1x128xi32, #tpu.memory_space<vmem>> -> memref<128xi32, #tpu.memory_space<vmem>>
        %dma_wait3A_169 = arith.constant 0 : i32
        %dma_wait3A_170 = arith.constant 0 : i32
        %dma_wait3A_171 = tpu.memref_slice %arg9[%dma_wait3A_169, %dma_wait3A_170] : memref<10240x128xf32, #tpu.memory_space<vmem_shared>> -> memref<10240x128xf32, #tpu.memory_space<vmem_shared>>
        tpu.wait_indirect_dma semaphore(%run_scoped3A_159 : memref<!tpu.dma_semaphore, #tpu.memory_space<semaphore_mem>>) src(%arg7 : memref<128x128xf32, #tpu.memory_space<vmem>>) dst(%dma_wait3A_171 : memref<10240x128xf32, #tpu.memory_space<vmem_shared>>)
        tpu.yield
      }) : () -> ()
      %lt3A = arith.constant 7 : i32
      %lt3A_143 = arith.cmpi slt, %scan3A_123, %lt3A : i32
      %convert_element_type3A = arith.extui %lt3A_143 : i1 to i32
      %cond3A = arith.constant 0 : i32
      %cond3A_144 = arith.cmpi ne, %convert_element_type3A, %cond3A : i32
      scf.if %cond3A_144 {
        %mul3A_159 = arith.constant 2 : i32
        %mul3A_160 = arith.muli %mul3A_159, %scan3A_123 : i32
        %add3A_161 = arith.constant 2 : i32
        %add3A_162 = arith.addi %mul3A_160, %add3A_161 : i32
        %dma_start3A_163 = arith.constant 0 : i32
        %dma_start3A_164 = tpu.memref_slice %arg5[%add3A_162, %dma_start3A_163] : memref<16x128xi32, #tpu.memory_space<vmem>> -> memref<1x128xi32, #tpu.memory_space<vmem>>
        %dma_start3A_165 = tpu.memref_squeeze %dma_start3A_164 : memref<1x128xi32, #tpu.memory_space<vmem>> -> memref<128xi32, #tpu.memory_space<vmem>>
        %dma_start3A_166 = arith.constant 0 : i32
        %dma_start3A_167 = arith.constant 0 : i32
        %dma_start3A_168 = tpu.memref_slice %arg2[%dma_start3A_166, %dma_start3A_167] : memref<10240x128xf32, #tpu.memory_space<hbm>> -> memref<10240x128xf32, #tpu.memory_space<hbm>>
        tpu.enqueue_indirect_dma source(%dma_start3A_168 : memref<10240x128xf32, #tpu.memory_space<hbm>>) target(%arg7 : memref<128x128xf32, #tpu.memory_space<vmem>>) offsets(%dma_start3A_165 : memref<128xi32, #tpu.memory_space<vmem>>) semaphore(%arg10 : memref<!tpu.dma_semaphore, #tpu.memory_space<semaphore_mem>>)
      } else {
      }
      %mul3A_145 = arith.constant 2 : i32
      %mul3A_146 = arith.muli %mul3A_145, %scan3A_123 : i32
      %add3A_147 = arith.constant 1 : i32
      %add3A_148 = arith.addi %mul3A_146, %add3A_147 : i32
      %dma_wait3A_149 = arith.constant 0 : i32
      %dma_wait3A_150 = tpu.memref_slice %arg5[%add3A_148, %dma_wait3A_149] : memref<16x128xi32, #tpu.memory_space<vmem>> -> memref<1x128xi32, #tpu.memory_space<vmem>>
      %dma_wait3A_151 = tpu.memref_squeeze %dma_wait3A_150 : memref<1x128xi32, #tpu.memory_space<vmem>> -> memref<128xi32, #tpu.memory_space<vmem>>
      %dma_wait3A_152 = arith.constant 0 : i32
      %dma_wait3A_153 = arith.constant 0 : i32
      %dma_wait3A_154 = tpu.memref_slice %arg2[%dma_wait3A_152, %dma_wait3A_153] : memref<10240x128xf32, #tpu.memory_space<hbm>> -> memref<10240x128xf32, #tpu.memory_space<hbm>>
      tpu.wait_indirect_dma semaphore(%arg11 : memref<!tpu.dma_semaphore, #tpu.memory_space<semaphore_mem>>) src(%dma_wait3A_154 : memref<10240x128xf32, #tpu.memory_space<hbm>>) dst(%arg8 : memref<128x128xf32, #tpu.memory_space<vmem>>)
      %mul3A_155 = arith.constant 2 : i32
      %mul3A_156 = arith.muli %mul3A_155, %scan3A_123 : i32
      %add3A_157 = arith.constant 1 : i32
      %add3A_158 = arith.addi %mul3A_156, %add3A_157 : i32
      "tpu.region"() ({
        %run_scoped3A_159 = tpu.sem_alloc : memref<!tpu.dma_semaphore, #tpu.memory_space<semaphore_mem>>
        %dma_start3A_160 = arith.constant 0 : i32
        %dma_start3A_161 = tpu.memref_slice %arg6[%add3A_158, %dma_start3A_160] : memref<16x128xi32, #tpu.memory_space<vmem>> -> memref<1x128xi32, #tpu.memory_space<vmem>>
        %dma_start3A_162 = tpu.memref_squeeze %dma_start3A_161 : memref<1x128xi32, #tpu.memory_space<vmem>> -> memref<128xi32, #tpu.memory_space<vmem>>
        %dma_start3A_163 = arith.constant 0 : i32
        %dma_start3A_164 = arith.constant 0 : i32
        %dma_start3A_165 = tpu.memref_slice %arg9[%dma_start3A_163, %dma_start3A_164] : memref<10240x128xf32, #tpu.memory_space<vmem_shared>> -> memref<10240x128xf32, #tpu.memory_space<vmem_shared>>
        tpu.enqueue_indirect_dma source(%arg8 : memref<128x128xf32, #tpu.memory_space<vmem>>) target(%dma_start3A_165 : memref<10240x128xf32, #tpu.memory_space<vmem_shared>>) offsets(%dma_start3A_162 : memref<128xi32, #tpu.memory_space<vmem>>) semaphore(%run_scoped3A_159 : memref<!tpu.dma_semaphore, #tpu.memory_space<semaphore_mem>>) {add = true}
        %dma_wait3A_166 = arith.constant 0 : i32
        %dma_wait3A_167 = tpu.memref_slice %arg6[%add3A_158, %dma_wait3A_166] : memref<16x128xi32, #tpu.memory_space<vmem>> -> memref<1x128xi32, #tpu.memory_space<vmem>>
        %dma_wait3A_168 = tpu.memref_squeeze %dma_wait3A_167 : memref<1x128xi32, #tpu.memory_space<vmem>> -> memref<128xi32, #tpu.memory_space<vmem>>
        %dma_wait3A_169 = arith.constant 0 : i32
        %dma_wait3A_170 = arith.constant 0 : i32
        %dma_wait3A_171 = tpu.memref_slice %arg9[%dma_wait3A_169, %dma_wait3A_170] : memref<10240x128xf32, #tpu.memory_space<vmem_shared>> -> memref<10240x128xf32, #tpu.memory_space<vmem_shared>>
        tpu.wait_indirect_dma semaphore(%run_scoped3A_159 : memref<!tpu.dma_semaphore, #tpu.memory_space<semaphore_mem>>) src(%arg8 : memref<128x128xf32, #tpu.memory_space<vmem>>) dst(%dma_wait3A_171 : memref<10240x128xf32, #tpu.memory_space<vmem_shared>>)
        tpu.yield
      }) : () -> ()
    }
    %scan3A_117 = arith.constant 8 : i32
    %barrier3A_118 = arith.constant 0 : index
    tpu.barrier barrier_id(%barrier3A_118)
    %mul3A_119 = arith.constant 640 : i32
    %mul3A_120 = arith.muli %arg1, %mul3A_119 : i32
    %mul3A_121 = arith.constant 640 : i32
    %mul3A_122 = arith.muli %arg1, %mul3A_121 : i32
    "tpu.region"() ({
      %run_scoped3A_123 = tpu.sem_alloc : memref<!tpu.dma_semaphore, #tpu.memory_space<semaphore_mem>>
      %dma_start3A_124 = arith.constant 0 : i32
      %dma_start3A_125 = tpu.memref_slice %arg4[%arg0, %mul3A_122, %dma_start3A_124] : memref<2x10240x128xf32, #tpu.memory_space<hbm>> -> memref<1x640x128xf32, #tpu.memory_space<hbm>>
      %dma_start3A_126 = tpu.memref_squeeze %dma_start3A_125 : memref<1x640x128xf32, #tpu.memory_space<hbm>> -> memref<640x128xf32, #tpu.memory_space<hbm>>
      %dma_start3A_127 = arith.constant 0 : i32
      %dma_start3A_128 = tpu.memref_slice %arg9[%mul3A_120, %dma_start3A_127] : memref<10240x128xf32, #tpu.memory_space<vmem_shared>> -> memref<640x128xf32, #tpu.memory_space<vmem_shared>>
      tpu.enqueue_dma source(%dma_start3A_128 : memref<640x128xf32, #tpu.memory_space<vmem_shared>>) target(%dma_start3A_126 : memref<640x128xf32, #tpu.memory_space<hbm>>) target_semaphore(%run_scoped3A_123 : memref<!tpu.dma_semaphore, #tpu.memory_space<semaphore_mem>>)
      %dma_wait3A = arith.constant 0 : i32
      %dma_wait3A_129 = tpu.memref_slice %arg4[%arg0, %mul3A_122, %dma_wait3A] : memref<2x10240x128xf32, #tpu.memory_space<hbm>> -> memref<1x640x128xf32, #tpu.memory_space<hbm>>
      %dma_wait3A_130 = tpu.memref_squeeze %dma_wait3A_129 : memref<1x640x128xf32, #tpu.memory_space<hbm>> -> memref<640x128xf32, #tpu.memory_space<hbm>>
      %dma_wait3A_131 = arith.constant 0 : i32
      %dma_wait3A_132 = tpu.memref_slice %arg9[%mul3A_120, %dma_wait3A_131] : memref<10240x128xf32, #tpu.memory_space<vmem_shared>> -> memref<640x128xf32, #tpu.memory_space<vmem_shared>>
      tpu.wait_dma2 semaphore(%run_scoped3A_123 : memref<!tpu.dma_semaphore, #tpu.memory_space<semaphore_mem>>) src(%dma_wait3A_132 : memref<640x128xf32, #tpu.memory_space<vmem_shared>>) dst(%dma_wait3A_130 : memref<640x128xf32, #tpu.memory_space<hbm>>)
      tpu.yield
    }) : () -> ()
    return
  }
}

module attributes {stable_mosaic.version = 14 : i64} {
  func.func @_mm_body(%arg0: memref<10000x128xf32, #tpu.memory_space<vmem>>, %arg1: memref<128x128xf32, #tpu.memory_space<vmem>>, %arg2: memref<2x10240xf32, #tpu.memory_space<vmem>>, %arg3: memref<10240x128xf32, #tpu.memory_space<vmem>>) attributes {dimension_semantics = [], scalar_prefetch = 0 : i64, scratch_operands = 0 : i64, tpu.core_type = #tpu.core_type<tc>} {
    %get3A = arith.constant 0 : index
    %get3A_0 = arith.constant 0 : index
    %get3A_1 = vector.load %arg2[%get3A, %get3A_0] : memref<2x10240xf32, #tpu.memory_space<vmem>>, vector<1x10240xf32>
    %get3A_2 = arith.constant 1 : index
    %get3A_3 = arith.constant 0 : index
    %get3A_4 = vector.load %arg2[%get3A_2, %get3A_3] : memref<2x10240xf32, #tpu.memory_space<vmem>>, vector<1x10240xf32>
    %add3A = arith.addf %get3A_1, %get3A_4 : vector<1x10240xf32>
    %reshape3A = vector.shape_cast %add3A : vector<1x10240xf32> to vector<10240x1xf32>
    %gt3A = arith.constant 0.000000e+00 : f32
    %gt3A_5 = vector.broadcast %gt3A : f32 to vector<10240x1xf32>
    %gt3A_6 = arith.cmpf ogt, %reshape3A, %gt3A_5 : vector<10240x1xf32>
    %rsqrt3A = math.rsqrt %reshape3A : vector<10240x1xf32>
    %jit3A = arith.constant 0.000000e+00 : f32
    %broadcast_in_dim3A = vector.broadcast %jit3A : f32 to vector<10240x1xf32>
    %select_n3A = arith.select %gt3A_6, %rsqrt3A, %broadcast_in_dim3A : vector<10240x1xi1>, vector<10240x1xf32>
    %get3A_7 = arith.constant 0 : index
    %get3A_8 = arith.constant 0 : index
    %get3A_9 = vector.load %arg0[%get3A_7, %get3A_8] : memref<10000x128xf32, #tpu.memory_space<vmem>>, vector<10000x128xf32>
    %get3A_10 = arith.constant 0 : index
    %get3A_11 = arith.constant 0 : index
    %get3A_12 = vector.load %arg1[%get3A_10, %get3A_11] : memref<128x128xf32, #tpu.memory_space<vmem>>, vector<128x128xf32>
    %dot_general3A = arith.constant dense<0.000000e+00> : vector<10000x128xf32>
    %dot_general3A_13 = tpu.matmul %get3A_9, %get3A_12, %dot_general3A {dimension_numbers = #tpu.dot_dimension_numbers<[1], [1], [0], [0], [0, 0, 1, 0], [], []>, transpose_lhs_hint = false} : vector<10000x128xf32>, vector<128x128xf32>, vector<10000x128xf32> -> vector<10000x128xf32>
    %slice3A = vector.extract_strided_slice %select_n3A {offsets = [0, 0], sizes = [10000, 1], strides = [1, 1]} : vector<10240x1xf32> to vector<10000x1xf32>
    %mul3A = vector.broadcast %slice3A : vector<10000x1xf32> to vector<10000x128xf32>
    %mul3A_14 = arith.mulf %dot_general3A_13, %mul3A : vector<10000x128xf32>
    %swap3A = arith.constant 0 : index
    %swap3A_15 = arith.constant 0 : index
    %swap3A_16 = vector.load %arg3[%swap3A, %swap3A_15] : memref<10240x128xf32, #tpu.memory_space<vmem>>, vector<10000x128xf32>
    tpu.vector_store %arg3[%swap3A, %swap3A_15], %mul3A_14 {strides = array<i32>} : memref<10240x128xf32, #tpu.memory_space<vmem>>, vector<10000x128xf32>,
    %broadcast_in_dim3A_17 = arith.constant 0.000000e+00 : f32
    %broadcast_in_dim3A_18 = vector.broadcast %broadcast_in_dim3A_17 : f32 to vector<240x128xf32>
    %swap3A_19 = arith.constant 10000 : index
    %swap3A_20 = arith.constant 0 : index
    %swap3A_21 = vector.load %arg3[%swap3A_19, %swap3A_20] : memref<10240x128xf32, #tpu.memory_space<vmem>>, vector<240x128xf32>
    tpu.vector_store %arg3[%swap3A_19, %swap3A_20], %broadcast_in_dim3A_18 {strides = array<i32>} : memref<10240x128xf32, #tpu.memory_space<vmem>>, vector<240x128xf32>,
    return
  }
}

module attributes {stable_mosaic.version = 14 : i64} {
  func.func @_final_body(%arg0: memref<10000x128xf32, #tpu.memory_space<vmem>>, %arg1: memref<2x10240x128xf32, #tpu.memory_space<vmem>>, %arg2: memref<2x10240xf32, #tpu.memory_space<vmem>>, %arg3: memref<1x128xf32, #tpu.memory_space<vmem>>, %arg4: memref<1x128xf32, #tpu.memory_space<vmem>>, %arg5: memref<1x128xf32, #tpu.memory_space<vmem>>, %arg6: memref<10000x128xf32, #tpu.memory_space<vmem>>) attributes {dimension_semantics = [], scalar_prefetch = 0 : i64, scratch_operands = 0 : i64, tpu.core_type = #tpu.core_type<tc>} {
    %get3A = arith.constant 0 : index
    %get3A_0 = arith.constant 0 : index
    %get3A_1 = arith.constant 0 : index
    %get3A_2 = vector.load %arg1[%get3A, %get3A_0, %get3A_1] : memref<2x10240x128xf32, #tpu.memory_space<vmem>>, vector<1x10000x128xf32>
    %get3A_3 = vector.shape_cast %get3A_2 : vector<1x10000x128xf32> to vector<10000x128xf32>
    %get3A_4 = arith.constant 1 : index
    %get3A_5 = arith.constant 0 : index
    %get3A_6 = arith.constant 0 : index
    %get3A_7 = vector.load %arg1[%get3A_4, %get3A_5, %get3A_6] : memref<2x10240x128xf32, #tpu.memory_space<vmem>>, vector<1x10000x128xf32>
    %get3A_8 = vector.shape_cast %get3A_7 : vector<1x10000x128xf32> to vector<10000x128xf32>
    %add3A = arith.addf %get3A_3, %get3A_8 : vector<10000x128xf32>
    %get3A_9 = arith.constant 0 : index
    %get3A_10 = arith.constant 0 : index
    %get3A_11 = vector.load %arg2[%get3A_9, %get3A_10] : memref<2x10240xf32, #tpu.memory_space<vmem>>, vector<1x10240xf32>
    %get3A_12 = arith.constant 1 : index
    %get3A_13 = arith.constant 0 : index
    %get3A_14 = vector.load %arg2[%get3A_12, %get3A_13] : memref<2x10240xf32, #tpu.memory_space<vmem>>, vector<1x10240xf32>
    %add3A_15 = arith.addf %get3A_11, %get3A_14 : vector<1x10240xf32>
    %reshape3A = vector.shape_cast %add3A_15 : vector<1x10240xf32> to vector<10240x1xf32>
    %slice3A = vector.extract_strided_slice %reshape3A {offsets = [0, 0], sizes = [10000, 1], strides = [1, 1]} : vector<10240x1xf32> to vector<10000x1xf32>
    %gt3A = arith.constant 0.000000e+00 : f32
    %gt3A_16 = vector.broadcast %gt3A : f32 to vector<10000x1xf32>
    %gt3A_17 = arith.cmpf ogt, %slice3A, %gt3A_16 : vector<10000x1xf32>
    %rsqrt3A = math.rsqrt %slice3A : vector<10000x1xf32>
    %jit3A = arith.constant 0.000000e+00 : f32
    %broadcast_in_dim3A = vector.broadcast %jit3A : f32 to vector<10000x1xf32>
    %select_n3A = arith.select %gt3A_17, %rsqrt3A, %broadcast_in_dim3A : vector<10000x1xi1>, vector<10000x1xf32>
    %mul3A = vector.broadcast %select_n3A : vector<10000x1xf32> to vector<10000x128xf32>
    %mul3A_18 = arith.mulf %add3A, %mul3A : vector<10000x128xf32>
    %get3A_19 = arith.constant 0 : index
    %get3A_20 = arith.constant 0 : index
    %get3A_21 = vector.load %arg3[%get3A_19, %get3A_20] : memref<1x128xf32, #tpu.memory_space<vmem>>, vector<1x128xf32>
    %add3A_22 = vector.broadcast %get3A_21 : vector<1x128xf32> to vector<10000x128xf32>
    %add3A_23 = arith.addf %mul3A_18, %add3A_22 : vector<10000x128xf32>
    %reduce_sum3A = arith.constant dense<0.000000e+00> : vector<128xf32>
    %reduce_sum3A_24 = vector.multi_reduction <add>, %add3A_23, %reduce_sum3A [0] : vector<10000x128xf32> to vector<128xf32>
    %broadcast_in_dim3A_25 = vector.shape_cast %reduce_sum3A_24 : vector<128xf32> to vector<1x128xf32>
    %div3A = arith.constant 1.000000e+04 : f32
    %div3A_26 = vector.broadcast %div3A : f32 to vector<1x128xf32>
    %div3A_27 = arith.divf %broadcast_in_dim3A_25, %div3A_26 : vector<1x128xf32>
    %sub3A = vector.broadcast %div3A_27 : vector<1x128xf32> to vector<10000x128xf32>
    %sub3A_28 = arith.subf %add3A_23, %sub3A : vector<10000x128xf32>
    %mul3A_29 = arith.mulf %sub3A_28, %sub3A_28 : vector<10000x128xf32>
    %reduce_sum3A_30 = arith.constant dense<0.000000e+00> : vector<128xf32>
    %reduce_sum3A_31 = vector.multi_reduction <add>, %mul3A_29, %reduce_sum3A_30 [0] : vector<10000x128xf32> to vector<128xf32>
    %broadcast_in_dim3A_32 = vector.shape_cast %reduce_sum3A_31 : vector<128xf32> to vector<1x128xf32>
    %div3A_33 = arith.constant 1.000000e+04 : f32
    %div3A_34 = vector.broadcast %div3A_33 : f32 to vector<1x128xf32>
    %div3A_35 = arith.divf %broadcast_in_dim3A_32, %div3A_34 : vector<1x128xf32>
    %add3A_36 = arith.constant 9.99999974E-6 : f32
    %add3A_37 = vector.broadcast %add3A_36 : f32 to vector<1x128xf32>
    %add3A_38 = arith.addf %div3A_35, %add3A_37 : vector<1x128xf32>
    %rsqrt3A_39 = math.rsqrt %add3A_38 : vector<1x128xf32>
    %mul3A_40 = vector.broadcast %rsqrt3A_39 : vector<1x128xf32> to vector<10000x128xf32>
    %mul3A_41 = arith.mulf %sub3A_28, %mul3A_40 : vector<10000x128xf32>
    %get3A_42 = arith.constant 0 : index
    %get3A_43 = arith.constant 0 : index
    %get3A_44 = vector.load %arg4[%get3A_42, %get3A_43] : memref<1x128xf32, #tpu.memory_space<vmem>>, vector<1x128xf32>
    %mul3A_45 = vector.broadcast %get3A_44 : vector<1x128xf32> to vector<10000x128xf32>
    %mul3A_46 = arith.mulf %mul3A_41, %mul3A_45 : vector<10000x128xf32>
    %get3A_47 = arith.constant 0 : index
    %get3A_48 = arith.constant 0 : index
    %get3A_49 = vector.load %arg5[%get3A_47, %get3A_48] : memref<1x128xf32, #tpu.memory_space<vmem>>, vector<1x128xf32>
    %add3A_50 = vector.broadcast %get3A_49 : vector<1x128xf32> to vector<10000x128xf32>
    %add3A_51 = arith.addf %mul3A_46, %add3A_50 : vector<10000x128xf32>
    %get3A_52 = arith.constant 0 : index
    %get3A_53 = arith.constant 0 : index
    %get3A_54 = vector.load %arg0[%get3A_52, %get3A_53] : memref<10000x128xf32, #tpu.memory_space<vmem>>, vector<10000x128xf32>
    %max3A = arith.constant 0.000000e+00 : f32
    %max3A_55 = vector.broadcast %max3A : f32 to vector<10000x128xf32>
    %max3A_56 = arith.maximumf %add3A_51, %max3A_55 : vector<10000x128xf32>
    %add3A_57 = arith.addf %get3A_54, %max3A_56 : vector<10000x128xf32>
    %swap3A = arith.constant 0 : index
    %swap3A_58 = arith.constant 0 : index
    %swap3A_59 = vector.load %arg6[%swap3A, %swap3A_58] : memref<10000x128xf32, #tpu.memory_space<vmem>>, vector<10000x128xf32>
    tpu.vector_store %arg6[%swap3A, %swap3A_58], %add3A_57 {strides = array<i32>} : memref<10000x128xf32, #tpu.memory_space<vmem>>, vector<10000x128xf32>,
    return
  }
}

</mosaic_0001>

<sc_bundles>
// kernel: kernel.6.cloned.1.call-start
scs
__scs_entry_jumppad:
0x0: {  	(pc) =	sbr.rel $0x88, $3  }
0x1: {  	(tag) =	ssettag $0x0;
	lr =	simm.s32 $0x1  }
0x2: {  	[smem:$0x3F9B] =	sst lr;
	_ =	strace $0xD0000000  }
0x3: {  	_ = 	snop  }
0x4: {  	_ = 	snop  }
0x5: {  	_ = 	snop  }
0x6: {  	_ = 	snop  }
0x7: {  	_ = 	snop  }
__scs_overlays_trampoline_lowered:
0x8: {  	[smem:$0x3FAA] =	sst s0  }
0x9: {  	[smem:$0x3FAB] =	sst s1  }
0xa: {  	[smem:$0x3FAC] =	sst s2  }
0xb: {  	[smem:$0x3FAD] =	sst s3  }
0xc: {  	[smem:$0x3FAE] =	sst s4  }
0xd: {  	[smem:$0x3FAF] =	sst s5  }
0xe: {  	[smem:$0x3FB0] =	sst s6  }
0xf: {  	[smem:$0x3FB1] =	sst s7  }
0x10: {  	[smem:$0x3FB2] =	sst s8  }
0x11: {  	[smem:$0x3FB3] =	sst s9;
	s0 =	simm.s32 @!p0 $0x0  }
0x12: {  	s1 =	sld [smem:$0x3F99];
	s0 =	simm.s32 @p0 $0x1  }
0x13: {  	[smem:$0x3FB4] =	sst s0;
	s0 =	simm.s32 @!p1 $0x0  }
0x14: {  	s2 =	sld [smem:$0x3F98];
	s0 =	simm.s32 @p1 $0x1  }
0x15: {  	[smem:$0x3FB5] =	sst s0;
	s0 =	simm.s32 @!p2 $0x0  }
0x16: {  	s3 =	sld [smem:$0x3FDB];
	s0 =	simm.s32 @p2 $0x1  }
0x17: {  	s4 =	simm.s32 $0x1BF5;
	[smem:$0x3FB7] =	sst s0  }
0x18: {  	s0 =	sld [smem:$0x3F9A];
	_ =	swait.ge [sflag:s4], $0x0  }
0x19: {  	s7 =	sld [smem:$0x3F9B]  }
0x1a: {  	s8 =	sadd.s32 $0xFFFFE003, lr  }
0x1b: {  	s9 =	sadd.s32 $0xFFFFFEF7, lr;
	s5 =	simm.s32 $0xFFFFFFFF;
	p2 =	slt.u32 s8, $0xFFFFF086  }
0x1c: {  	p1 =	slt.u32 s9, $0xF7A;
	s5 =	simm.s32 @!p2 $0x0  }
0x1d: {  	s5 =	simm.s32 @p1 $0x1;
	p0 =	seq.s32 s7, s2  }
0x1e: {  	s7 =	smul.u32 @!p0 $0xF7A, s2;
	p2 =	seq.s32 @!p0 s5, $0x0  }
0x1f: {  	s9 =	smul.u32 $0xF7A, s1;
	s8 =	simm.s32 @!p0 $0x1BF5;
	p2 =	por !p2, p0  }
0x20: {  	[sflag:s8] =	ssyncset.s32 @!p0 $0xFFFFF086;
	s6 =	sadd.s32 @!p0 s3, s7;
	s7 =	simm.s32 @!p0 $0x108  }
0x21: {  	s3 =	sadd.s32 s3, s9;
	s6 =	sadd.s32 @!p0 $0x88, s6;
	s7 =	simm.s32 @p2 $0x1082  }
0x22: {  	[simem:s7], [sflag:s8] =	dma.local @!p0 [hbm:s6], $0xF7A  }
0x23: {  	s9 =	sor.u32 $0xD0000000, s2;
	s6 =	simm.s32 $0x108;
	_ =	swait.ge @!p0 [sflag:s8], $0x0  }
0x24: {  	s3 =	sadd.s32 $0x88, s3;
	s6 =	simm.s32 @!p1 $0x1082;
	[sflag:s4] =	ssyncset.s32 $0xFFFFF086  }
0x25: {  	[simem:s6], [sflag:s4] =	dma.local [hbm:s3], $0xF7A  }
0x26: {  	[smem:$0x3F9B] =	sst s1;
	(tag) =	ssettag s2;
	_ =	strace s9  }
0x27: {  	s1 =	sld [smem:$0x3FAB]  }
0x28: {  	s2 =	sld [smem:$0x3FAC]  }
0x29: {  	s4 =	sld [smem:$0x3FAE]  }
0x2a: {  	p0 =	seq.s32 s5, $0x0;
	s5 =	sld [smem:$0x3FAF]  }
0x2b: {  	s6 =	sld [smem:$0x3FB0]  }
0x2c: {  	s7 =	sld [smem:$0x3FB1]  }
0x2d: {  	s3 =	simm.s32 $0x108;
	s8 =	sld [smem:$0x3FB2]  }
0x2e: {  	s3 =	simm.s32 @!p0 $0x1082;
	s9 =	sld [smem:$0x3FB3]  }
0x2f: {  	lr =	sadd.s32 s0, s3;
	s0 =	sld [smem:$0x3FAA]  }
0x30: {  	s3 =	sld [smem:$0x3FAD]  }
0x31: {  	[smem:$0x3FB6] =	sst s10  }
0x32: {  	s10 =	sld [smem:$0x3FB4];
	_ =	sdelay $0x3  }
0x33: {  	p0 =	seq.s32 s10, $0x1;
	s10 =	sld [smem:$0x3FB6];
	_ =	sdelay $0x3  }
0x34: {  	[smem:$0x3FB6] =	sst s10  }
0x35: {  	s10 =	sld [smem:$0x3FB5];
	_ =	sdelay $0x3  }
0x36: {  	p1 =	seq.s32 s10, $0x1;
	s10 =	sld [smem:$0x3FB6];
	_ =	sdelay $0x3  }
0x37: {  	[smem:$0x3FB6] =	sst s10  }
0x38: {  	s10 =	sld [smem:$0x3FB7]  }
0x39: {  	_ = 	snop;
	(pc) =	sbr.ind lr, $3  }
0x3a: {  	_ = 	snop  }
0x3b: {  	_ = 	snop  }
0x3c: {  	p2 =	seq.s32 s10, $0x1;
	s10 =	sld [smem:$0x3FB6]  }
0x3d: {  	_ =	shalt  }
0x3e: {  	_ =	shalt  }
0x3f: {  	_ =	shalt  }
0x40: {  	_ =	shalt  }
0x41: {  	_ =	shalt  }
0x42: {  	_ =	shalt  }
0x43: {  	_ =	shalt  }
0x44: {  	_ =	shalt  }
0x45: {  	_ =	shalt  }
0x46: {  	_ =	shalt  }
0x47: {  	_ =	shalt  }
0x48: {  	_ =	shalt  }
0x49: {  	_ =	shalt  }
0x4a: {  	_ =	shalt  }
0x4b: {  	_ =	shalt  }
0x4c: {  	_ =	shalt  }
0x4d: {  	_ =	shalt  }
0x4e: {  	_ =	shalt  }
0x4f: {  	_ =	shalt  }
0x50: {  	_ =	shalt  }
0x51: {  	_ =	shalt  }
0x52: {  	_ =	shalt  }
0x53: {  	_ =	shalt  }
0x54: {  	_ =	shalt  }
0x55: {  	_ =	shalt  }
0x56: {  	_ =	shalt  }
0x57: {  	_ =	shalt  }
0x58: {  	_ =	shalt  }
0x59: {  	_ =	shalt  }
0x5a: {  	_ =	shalt  }
0x5b: {  	_ =	shalt  }
0x5c: {  	_ =	shalt  }
0x5d: {  	_ =	shalt  }
0x5e: {  	_ =	shalt  }
0x5f: {  	_ =	shalt  }
0x60: {  	_ =	shalt  }
0x61: {  	_ =	shalt  }
0x62: {  	_ =	shalt  }
0x63: {  	_ =	shalt  }
0x64: {  	_ =	shalt  }
0x65: {  	_ =	shalt  }
0x66: {  	_ =	shalt  }
0x67: {  	_ =	shalt  }
0x68: {  	_ =	shalt  }
0x69: {  	_ =	shalt  }
0x6a: {  	_ =	shalt  }
0x6b: {  	_ =	shalt  }
0x6c: {  	_ =	shalt  }
0x6d: {  	_ =	shalt  }
0x6e: {  	_ =	shalt  }
0x6f: {  	_ =	shalt  }
0x70: {  	_ =	shalt  }
0x71: {  	_ =	shalt  }
0x72: {  	_ =	shalt  }
0x73: {  	_ =	shalt  }
0x74: {  	_ =	shalt  }
0x75: {  	_ =	shalt  }
0x76: {  	_ =	shalt  }
0x77: {  	_ =	shalt  }
0x78: {  	_ =	shalt  }
0x79: {  	_ =	shalt  }
0x7a: {  	_ =	shalt  }
0x7b: {  	_ =	shalt  }
0x7c: {  	_ =	shalt  }
0x7d: {  	_ =	shalt  }
0x7e: {  	_ =	shalt  }
0x7f: {  	_ =	shalt  }
0x80: {  	_ =	shalt  }
0x81: {  	_ =	shalt  }
0x82: {  	_ =	shalt  }
0x83: {  	_ =	shalt  }
0x84: {  	_ =	shalt  }
0x85: {  	_ =	shalt  }
0x86: {  	_ =	shalt  }
0x87: {  	_ =	shalt  }
.Lfunc_end0:
.L_simem_size_0:
called_computation_lowered:
.L_overlay_start_0:
0x88: {  	s2 =	sld [smem:$0x3FD9]  }
0x89: {  	s3 =	sld [smem:$0x3FFE];
	_ =	sdelay $0x1  }
0x8a: {  	s1 =	srdreg.scid  }
0x8b: {  	s0 =	sand.u32 $0x1, s1  }
0x8c: {  	s17 =	sshll.u32 s0, $0xA;
	s2 =	sadd.s32 s3, s2  }
0x8d: {  	s2 =	sadd.s32 s2, s17  }
0x8e: {  	[smem:$0x3FC2] =	sst s2  }
0x8f: {  	_ = 	snop  }
0x90: {  	s2 =	sld [smem:$0x3FD0];
	(tm) =	ssettm $0x1  }
0x91: {  	s18 =	sld [smem:$0x3FFB];
	_ =	sdelay $0x3  }
0x92: {  	_ =	strace s18  }
0x93: {  	s3 =	sld [smem:$0x3FFC];
	_ =	sdelay $0x3  }
0x94: {  	_ =	strace s3  }
0x95: {  	s3 =	sld [smem:$0x3FFD];
	_ =	sdelay $0x3  }
0x96: {  	_ =	strace s3  }
0x97: {  	_ =	strace $0x8FFFFFFF  }
0x98: {  	s19 =	sld [smem:$0x3FDB];
	_ =	sdelay $0x1  }
0x99: {  	s4 =	simm.s32 $_scs_section_size  }
0x9a: {  	s5 =	simm.s32 $_size__tile_overlayer_lowered;
	s6 =	simm.s32 $_tile_overlayer_lowered  }
0x9b: {  	s22 =	simm.s32 $0x1BFF;
	s21 =	sshll.u32 s6, $0x1;
	s3 =	sadd.s32 s4, s19  }
0x9c: {  	s7 =	simm.s32 $0x0;
	s20 =	sshll.u32 s5, $0x1;
	s5 =	sadd.s32 s21, s3  }
0x9d: {  	[timem:s7], [sflag:s22] =	dma.local [hbm:s5], s20  }
0x9e: {  	_ =	swait.ge [sflag:s22], s20  }
0x9f: {  	s4 =	ssub.s32 $0x0, s20;
	[sflag:s22] =	ssyncset.done $0x0  }
0xa0: {  	[sflag:s22] =	ssyncadd.s32 s4;
	_ =	sdelay $0x1  }
0xa1: {  	s23 =	simm.s32 $0x1B8B  }
0xa2: {  	_ =	swait.ge [sflag:s23], $0x1  }
0xa3: {  	[sflag:s23] =	ssyncset.done $0x0  }
0xa4: {  	s25 =	simm.s32 $0x1B8E;
	s24 =	sld [smem:$0x3FFE];
	[sflag:s23] =	ssyncadd.s32 $0xFFFFFFFF  }
0xa5: {  	s26 =	simm.s32 $execute0_lowered;
	[smem:$0x3FD2] =	sst s25  }
0xa6: {  	s5 =	sshll.u32 s26, $0x1;
	_ =	strace $0x80000046;
	[dreg:$0x1] =	wrdreg $0xFFFFFFFF  }
0xa7: {  	s28 =	simm.s32 $_size_execute0_lowered;
	s3 =	sadd.s32 s3, s5;
	[dreg:$0x0] =	wrdreg $0x0  }
0xa8: {  	s5 =	sshll.u32 s28, $0x1;
	[dreg:$0x2] =	wrdreg s3  }
0xa9: {  	[dreg:$0x3] =	wrdreg s5  }
0xaa: {  	[dreg:$0x4] =	wrdreg $0xC0  }
0xab: {  	_ =	task [dreg:s7], $0x5FFFF  }
0xac: {  	[dreg:$0x1] =	wrdreg $0xFFFFFFFF  }
0xad: {  	[dreg:$0x0] =	wrdreg $0x60  }
0xae: {  	[dreg:$0x2] =	wrdreg s2  }
0xaf: {  	[dreg:$0x3] =	wrdreg s24  }
0xb0: {  	[dreg:$0x4] =	wrdreg $0x29000  }
0xb1: {  	[dreg:$0x5] =	wrdreg $0x9  }
0xb2: {  	_ =	task.clear_ibuf [dreg:s7], $0x6FFFF;
	_ =	strace $0x90000046  }
0xb3: {  	s29 =	simm.s32 $0x9;
	_ =	strace $0x80000048  }
0xb4: {  	_ =	swait.ge [sflag:s29], $0x1  }
0xb5: {  	[sflag:s29] =	ssyncadd.s32 $0xFFFFFFFF  }
0xb6: {  	_ =	strace $0x90000048  }
0xb7: {  	_ =	sfence  }
0xb8: {  	s30 =	sld [smem:$0x0];
	_ =	sdelay $0x2  }
0xb9: {  	s31 =	sshll.u32 s1, $0xD;
	s1 =	sshrl.u32 s1, $0x2  }
0xba: {  	s3 =	sand.u32 $0x4000, s31;
	s1 =	sadd.s32 s1, s30  }
0xbb: {  	s0 =	sor.u32 s3, s0;
	s1 =	sshll.u32 s1, $0x11  }
0xbc: {  	s0 =	sor.u32 s1, s0  }
0xbd: {  	s0 =	sadd.s32 $0x8F2B, s0  }
0xbe: {  	[sflag:s0] =	ssyncadd.remote.s32 $0x1  }
0xbf: {  	_ =	sfence.sel $0xFFFF  }
0xc0: {  	[dreg:$0x0] =	wrdreg $0xFFFFFFFF;
	(pc) =	sbr.abs _section_cstart, $3  }
0xc1: {  	[dreg:$0x1] =	wrdreg $0xFFFFFFFF  }
0xc2: {  	_ =	task.clear_ibuf [dreg:s7], $0x2FFFF;
	_ =	strace $0x9FFFFFFF  }
0xc3: {  	(tm) =	ssettm $0x7FFFFFFF  }
tec
execute0_lowered:
.L_overlay_start_1:
0x0: {  	(tag) =	ssettag $0x1  }
0x1: {  	s8 =	rddreg [dreg:$0x0]  }
0x2: {  	s4 =	rddreg [dreg:$0x1]  }
0x3: {  	s2 =	rddreg [dreg:$0x2]  }
0x4: {  	s0 =	rddreg [dreg:$0x3];
	s5 =	srdreg.scid  }
0x5: {  	s1 =	stileid.u32;
	s3 =	simm.s32 $0x0;
	s12 =	simm.s32 $0x2880  }
0x6: {  	s13 =	simm.s32 $0x2;
	s14 =	simm.s32 $0x80;
	s15 =	simm.s32 $0x2800  }
0x7: {  	s16 =	simm.s32 $0x1;
	s19 =	simm.s32 $0x20;
	s20 =	simm.s32 $0x10  }
0x8: {  	s21 =	simm.s32 $0x0;
	s5 =	sand.u32 $0x1, s5;
	s6 =	smul.u32 $0x500, s1  }
0x9: {  	[smem:$0x7FF] =	sst s3;
	s30 =	smul.u32 $0xA00, s1;
	s17 =	sshll.u32 s1, $0x6  }
0xa: {  	s7 =	sshll.u32 s5, $0x7;
	s9 =	sshll.u32 s5, $0x4;
	_ =	strace $0x80000047  }
0xb: {  	s5 =	ssub.s32 $0x2, s5;
	s17 =	sor.u32 $0x1C02, s17;
	s6 =	sor.u32 s7, s6  }
0xc: {  	s9 =	sor.u32 s1, s9;
	s7 =	sshrl.u32 s30, $0x2;
	s31 =	sshrl.u32 s5, $0x1  }
0xd: {  	s6 =	sshrl.u32 s6, $0x3;
	s9 =	smul.u32 $0x2800, s9;
	s11 =	ssub.s32 s5, s31  }
0xe: {  	s10 =	sadd.s32 s6, s4;
	s4 =	sadd.s32 s7, s2;
	s11 =	smax.u32 s11, $0x1  }
0xf: {  	s5 =	sadd.s32 $0x80, s4;
	s9 =	sshrl.u32 s9, $0x3;
	s6 =	sadd.s32 $0x100, s4  }
0x10: {  	s7 =	sadd.s32 $0x180, s4;
	s10 =	sadd.s32 $0x1E00, s10;
	s9 =	sadd.s32 s8, s9  }
0x11: {  	v0 =	vimm.f32 $1.000000000e+00;
	v1 =	vimm.f32 $0.0e+00;
	s18 =	sshrl.u32 s4, $0x3;
	s8 =	sadd.s32 $0x200, s4;
	s9 =	sadd.s32 $0xA000, s9  }
.LBB2_1:
0x12: {  	[tilespmem:$0x2800] =	vst v0  }
0x13: {  	[tilespmem:$0x2880] =	vst v1  }
0x14: {  	[tilespmem:$0x2810] =	vst v0  }
0x15: {  	[tilespmem:$0x2890] =	vst v1  }
0x16: {  	[tilespmem:$0x2820] =	vst v0  }
0x17: {  	[tilespmem:$0x28A0] =	vst v1  }
0x18: {  	[tilespmem:$0x2830] =	vst v0  }
0x19: {  	[tilespmem:$0x28B0] =	vst v1  }
0x1a: {  	[tilespmem:$0x2840] =	vst v0  }
0x1b: {  	[tilespmem:$0x28C0] =	vst v1  }
0x1c: {  	[tilespmem:$0x2850] =	vst v0  }
0x1d: {  	[tilespmem:$0x28D0] =	vst v1  }
0x1e: {  	[tilespmem:$0x2860] =	vst v0  }
0x1f: {  	[tilespmem:$0x28E0] =	vst v1  }
0x20: {  	[tilespmem:$0x2870] =	vst v0  }
0x21: {  	[tilespmem:$0x28F0] =	vst v1  }
0x22: {  	[spmem:s4] =	stream.linear.scatter [tilespmem:s12], [sflag:$0x2], $0x80, $0x38;
	[tilespmem:$0x2B80] =	vst v63  }
0x23: {  	_ =	swait.ge [sflag:s13], $0x80  }
0x24: {  	[sflag:s13] =	ssyncset.done $0x0  }
0x25: {  	[sflag:s13] =	ssyncadd.s32 $0xFFFFFF80  }
0x26: {  	[spmem:s5] =	stream.linear.scatter [tilespmem:s12], [sflag:$0x2], $0x80, $0x38;
	[tilespmem:$0x2B80] =	vst v63  }
0x27: {  	_ =	swait.ge [sflag:s13], $0x80  }
0x28: {  	[sflag:s13] =	ssyncset.done $0x0  }
0x29: {  	[sflag:s13] =	ssyncadd.s32 $0xFFFFFF80  }
0x2a: {  	[spmem:s6] =	stream.linear.scatter [tilespmem:s12], [sflag:$0x2], $0x80, $0x38;
	[tilespmem:$0x2B80] =	vst v63  }
0x2b: {  	_ =	swait.ge [sflag:s13], $0x80  }
0x2c: {  	[sflag:s13] =	ssyncset.done $0x0  }
0x2d: {  	[sflag:s13] =	ssyncadd.s32 $0xFFFFFF80  }
0x2e: {  	[spmem:s7] =	stream.linear.scatter [tilespmem:s12], [sflag:$0x2], $0x80, $0x38;
	[tilespmem:$0x2B80] =	vst v63  }
0x2f: {  	_ =	swait.ge [sflag:s13], $0x80  }
0x30: {  	[sflag:s13] =	ssyncset.done $0x0  }
0x31: {  	[sflag:s13] =	ssyncadd.s32 $0xFFFFFF80  }
0x32: {  	[spmem:s8] =	stream.linear.scatter [tilespmem:s12], [sflag:$0x2], $0x80, $0x38;
	[tilespmem:$0x2B80] =	vst v63  }
0x33: {  	_ =	swait.ge [sflag:s13], $0x80  }
0x34: {  	[sflag:s13] =	ssyncset.done $0x0  }
0x35: {  	[sflag:s13] =	ssyncadd.s32 $0xFFFFFF80  }
0x36: {  	[bflag:$0x0] =	sbarrier.arrive $0xFFFF  }
0x37: {  	[tilespmem:s3], [sflag:$0x2] =	stream.linear.gather [hbm4b:s9+s3], $0x2800, $0x38;
	[tilespmem:$0x2B80] =	vst v63  }
0x38: {  	_ =	swait.ge [sflag:s13], $0x2800  }
0x39: {  	[sflag:s13] =	ssyncset.done $0x0  }
0x3a: {  	s22 =	simm.s32 $0x0;
	[sflag:s13] =	ssyncadd.s32 $0xFFFFD800  }
.LBB2_2:
0x3b: {  	p0 =	sne.s32 s22, $0x9E00  }
.Ltmp0:
0x3c: {  	_ = 	snop;
	(pc) =	sbr.rel @p0 .LBB2_2-.Ltmp0, $3  }
0x3d: {  	_ =	sdelay $0x1  }
0x3e: {  	s23 =	sshra.s32 s22, $0x2;
	s22 =	sadd.s32 $0x200, s22  }
0x3f: {  	[spmem:s2] =	stream.indirect.scatter.add.f32 [tilespmem:s15], [sflag:$0x1], $0x1, s23, s14, $0xb8;
	[tilespmem:$0x2B80] =	vst v63  }
0x40: {  	_ =	swait.ge [sflag:s16], $0x80  }
0x41: {  	s22 =	simm.s32 $0x4F;
	[sflag:s16] =	ssyncset.done $0x0  }
.LBB2_4:
0x42: {  	p0 =	sne.s32 s22, $0x1;
	s22 =	sadd.s32 $0xFFFFFFFF, s22;
	[sflag:s16] =	ssyncadd.s32 $0xFFFFFF80  }
.Ltmp1:
0x43: {  	(pc) =	sbr.rel @p0 .LBB2_4-.Ltmp1, $3  }
0x44: {  	_ =	sdelay $0x1  }
0x45: {  	_ =	swait.ge [sflag:s16], $0x80  }
0x46: {  	[sflag:s16] =	ssyncset.done $0x0  }
0x47: {  	s21 =	sadd.s32 $0x1, s21  }
0x48: {  	[sflag:s16] =	ssyncadd.s32 $0xFFFFFF80;
	p0 =	sne.s32 s21, s11  }
.Ltmp2:
0x49: {  	[bflag:$0x0] =	sbarrier.arrive $0xFFFF;
	(pc) =	sbr.rel @p0 .LBB2_1-.Ltmp2, $4  }
0x4a: {  	[hbm:s10@s19], [sflag:s17] =	dma.strided [spmem:s18@s20], $0x50, s16, $0x10   }
0x4b: {  	_ =	swait.ge [sflag:s13], $0x50  }
0x4c: {  	[sflag:s13] =	ssyncset.done $0x0  }
0x4d: {  	[sflag:s13] =	ssyncadd.s32 $0xFFFFFFB0  }
0x4e: {  	_ =	sfence.sel $0x180000  }
0x4f: {  	[bflag:$0x0] =	sbarrier.arrive $0xFFFF  }
0x50: {  	p0 =	sne.s32 s1, $0x0;
	_ =	strace $0x90000047  }
0x51: {  	s0 =	sadd.s32 @!p0 $0x100000, s0;
	[bflag:$0x2] =	sbarrier.arrive $0xFFFF  }
0x52: {  	[sflag:s0] =	ssyncadd.tile.s32 @!p0 $0x1;
	_ =	shalt  }
.Lfunc_end2:
_tile_overlayer_lowered:
.L_overlay_start_2:
0x53: {  	(tag) =	ssettag $0x2  }
0x54: {  	s0 =	rddreg [dreg:$0x0];
	s2 =	stileid.u32  }
0x55: {  	s1 =	rddreg [dreg:$0x1];
	p0 =	sne.s32 s2, $0x0  }
0x56: {  	s3 =	rddreg [dreg:$0x2];
	[bflag:$0x3] =	sbarrier.arrive $0xFFFF;
	s2 =	simm.s32 @!p0 $0x1C02  }
0x57: {  	[timem:s3], [sflag:s2] =	dma.local @!p0 [hbm:s0], s1  }
0x58: {  	s0 =	simm.s32 @!p0 $0x2  }
0x59: {  	_ =	swait.ge @!p0 [sflag:s0], s1  }
0x5a: {  	s1 =	ssub.s32 @!p0 $0x0, s1;
	[sflag:s0] =	ssyncset.done @!p0 $0x0  }
0x5b: {  	[sflag:s0] =	ssyncadd.s32 @!p0 s1  }
0x5c: {  	[bflag:$0x3] =	sbarrier.arrive $0xFFFF  }
0x5d: {  	_ =	shalt  }

// kernel: kernel.9.cloned.1.call-start
scs
__scs_entry_jumppad:
0x0: {  	(pc) =	sbr.rel $0x88, $3  }
0x1: {  	(tag) =	ssettag $0x0;
	lr =	simm.s32 $0x1  }
0x2: {  	[smem:$0x3F9B] =	sst lr;
	_ =	strace $0xD0000000  }
0x3: {  	_ = 	snop  }
0x4: {  	_ = 	snop  }
0x5: {  	_ = 	snop  }
0x6: {  	_ = 	snop  }
0x7: {  	_ = 	snop  }
__scs_overlays_trampoline_lowered:
0x8: {  	[smem:$0x3FAA] =	sst s0  }
0x9: {  	[smem:$0x3FAB] =	sst s1  }
0xa: {  	[smem:$0x3FAC] =	sst s2  }
0xb: {  	[smem:$0x3FAD] =	sst s3  }
0xc: {  	[smem:$0x3FAE] =	sst s4  }
0xd: {  	[smem:$0x3FAF] =	sst s5  }
0xe: {  	[smem:$0x3FB0] =	sst s6  }
0xf: {  	[smem:$0x3FB1] =	sst s7  }
0x10: {  	[smem:$0x3FB2] =	sst s8  }
0x11: {  	[smem:$0x3FB3] =	sst s9;
	s0 =	simm.s32 @!p0 $0x0  }
0x12: {  	s1 =	sld [smem:$0x3F99];
	s0 =	simm.s32 @p0 $0x1  }
0x13: {  	[smem:$0x3FB4] =	sst s0;
	s0 =	simm.s32 @!p1 $0x0  }
0x14: {  	s2 =	sld [smem:$0x3F98];
	s0 =	simm.s32 @p1 $0x1  }
0x15: {  	[smem:$0x3FB5] =	sst s0;
	s0 =	simm.s32 @!p2 $0x0  }
0x16: {  	s3 =	sld [smem:$0x3FDB];
	s0 =	simm.s32 @p2 $0x1  }
0x17: {  	s4 =	simm.s32 $0x1BF5;
	[smem:$0x3FB7] =	sst s0  }
0x18: {  	s0 =	sld [smem:$0x3F9A];
	_ =	swait.ge [sflag:s4], $0x0  }
0x19: {  	s7 =	sld [smem:$0x3F9B]  }
0x1a: {  	s8 =	sadd.s32 $0xFFFFE003, lr  }
0x1b: {  	s9 =	sadd.s32 $0xFFFFFEF7, lr;
	s5 =	simm.s32 $0xFFFFFFFF;
	p2 =	slt.u32 s8, $0xFFFFF086  }
0x1c: {  	p1 =	slt.u32 s9, $0xF7A;
	s5 =	simm.s32 @!p2 $0x0  }
0x1d: {  	s5 =	simm.s32 @p1 $0x1;
	p0 =	seq.s32 s7, s2  }
0x1e: {  	s7 =	smul.u32 @!p0 $0xF7A, s2;
	p2 =	seq.s32 @!p0 s5, $0x0  }
0x1f: {  	s9 =	smul.u32 $0xF7A, s1;
	s8 =	simm.s32 @!p0 $0x1BF5;
	p2 =	por !p2, p0  }
0x20: {  	[sflag:s8] =	ssyncset.s32 @!p0 $0xFFFFF086;
	s6 =	sadd.s32 @!p0 s3, s7;
	s7 =	simm.s32 @!p0 $0x108  }
0x21: {  	s3 =	sadd.s32 s3, s9;
	s6 =	sadd.s32 @!p0 $0x88, s6;
	s7 =	simm.s32 @p2 $0x1082  }
0x22: {  	[simem:s7], [sflag:s8] =	dma.local @!p0 [hbm:s6], $0xF7A  }
0x23: {  	s9 =	sor.u32 $0xD0000000, s2;
	s6 =	simm.s32 $0x108;
	_ =	swait.ge @!p0 [sflag:s8], $0x0  }
0x24: {  	s3 =	sadd.s32 $0x88, s3;
	s6 =	simm.s32 @!p1 $0x1082;
	[sflag:s4] =	ssyncset.s32 $0xFFFFF086  }
0x25: {  	[simem:s6], [sflag:s4] =	dma.local [hbm:s3], $0xF7A  }
0x26: {  	[smem:$0x3F9B] =	sst s1;
	(tag) =	ssettag s2;
	_ =	strace s9  }
0x27: {  	s1 =	sld [smem:$0x3FAB]  }
0x28: {  	s2 =	sld [smem:$0x3FAC]  }
0x29: {  	s4 =	sld [smem:$0x3FAE]  }
0x2a: {  	p0 =	seq.s32 s5, $0x0;
	s5 =	sld [smem:$0x3FAF]  }
0x2b: {  	s6 =	sld [smem:$0x3FB0]  }
0x2c: {  	s7 =	sld [smem:$0x3FB1]  }
0x2d: {  	s3 =	simm.s32 $0x108;
	s8 =	sld [smem:$0x3FB2]  }
0x2e: {  	s3 =	simm.s32 @!p0 $0x1082;
	s9 =	sld [smem:$0x3FB3]  }
0x2f: {  	lr =	sadd.s32 s0, s3;
	s0 =	sld [smem:$0x3FAA]  }
0x30: {  	s3 =	sld [smem:$0x3FAD]  }
0x31: {  	[smem:$0x3FB6] =	sst s10  }
0x32: {  	s10 =	sld [smem:$0x3FB4];
	_ =	sdelay $0x3  }
0x33: {  	p0 =	seq.s32 s10, $0x1;
	s10 =	sld [smem:$0x3FB6];
	_ =	sdelay $0x3  }
0x34: {  	[smem:$0x3FB6] =	sst s10  }
0x35: {  	s10 =	sld [smem:$0x3FB5];
	_ =	sdelay $0x3  }
0x36: {  	p1 =	seq.s32 s10, $0x1;
	s10 =	sld [smem:$0x3FB6];
	_ =	sdelay $0x3  }
0x37: {  	[smem:$0x3FB6] =	sst s10  }
0x38: {  	s10 =	sld [smem:$0x3FB7]  }
0x39: {  	_ = 	snop;
	(pc) =	sbr.ind lr, $3  }
0x3a: {  	_ = 	snop  }
0x3b: {  	_ = 	snop  }
0x3c: {  	p2 =	seq.s32 s10, $0x1;
	s10 =	sld [smem:$0x3FB6]  }
0x3d: {  	_ =	shalt  }
0x3e: {  	_ =	shalt  }
0x3f: {  	_ =	shalt  }
0x40: {  	_ =	shalt  }
0x41: {  	_ =	shalt  }
0x42: {  	_ =	shalt  }
0x43: {  	_ =	shalt  }
0x44: {  	_ =	shalt  }
0x45: {  	_ =	shalt  }
0x46: {  	_ =	shalt  }
0x47: {  	_ =	shalt  }
0x48: {  	_ =	shalt  }
0x49: {  	_ =	shalt  }
0x4a: {  	_ =	shalt  }
0x4b: {  	_ =	shalt  }
0x4c: {  	_ =	shalt  }
0x4d: {  	_ =	shalt  }
0x4e: {  	_ =	shalt  }
0x4f: {  	_ =	shalt  }
0x50: {  	_ =	shalt  }
0x51: {  	_ =	shalt  }
0x52: {  	_ =	shalt  }
0x53: {  	_ =	shalt  }
0x54: {  	_ =	shalt  }
0x55: {  	_ =	shalt  }
0x56: {  	_ =	shalt  }
0x57: {  	_ =	shalt  }
0x58: {  	_ =	shalt  }
0x59: {  	_ =	shalt  }
0x5a: {  	_ =	shalt  }
0x5b: {  	_ =	shalt  }
0x5c: {  	_ =	shalt  }
0x5d: {  	_ =	shalt  }
0x5e: {  	_ =	shalt  }
0x5f: {  	_ =	shalt  }
0x60: {  	_ =	shalt  }
0x61: {  	_ =	shalt  }
0x62: {  	_ =	shalt  }
0x63: {  	_ =	shalt  }
0x64: {  	_ =	shalt  }
0x65: {  	_ =	shalt  }
0x66: {  	_ =	shalt  }
0x67: {  	_ =	shalt  }
0x68: {  	_ =	shalt  }
0x69: {  	_ =	shalt  }
0x6a: {  	_ =	shalt  }
0x6b: {  	_ =	shalt  }
0x6c: {  	_ =	shalt  }
0x6d: {  	_ =	shalt  }
0x6e: {  	_ =	shalt  }
0x6f: {  	_ =	shalt  }
0x70: {  	_ =	shalt  }
0x71: {  	_ =	shalt  }
0x72: {  	_ =	shalt  }
0x73: {  	_ =	shalt  }
0x74: {  	_ =	shalt  }
0x75: {  	_ =	shalt  }
0x76: {  	_ =	shalt  }
0x77: {  	_ =	shalt  }
0x78: {  	_ =	shalt  }
0x79: {  	_ =	shalt  }
0x7a: {  	_ =	shalt  }
0x7b: {  	_ =	shalt  }
0x7c: {  	_ =	shalt  }
0x7d: {  	_ =	shalt  }
0x7e: {  	_ =	shalt  }
0x7f: {  	_ =	shalt  }
0x80: {  	_ =	shalt  }
0x81: {  	_ =	shalt  }
0x82: {  	_ =	shalt  }
0x83: {  	_ =	shalt  }
0x84: {  	_ =	shalt  }
0x85: {  	_ =	shalt  }
0x86: {  	_ =	shalt  }
0x87: {  	_ =	shalt  }
.Lfunc_end0:
.L_simem_size_0:
called_computation.1_lowered:
.L_overlay_start_0:
0x88: {  	s2 =	sld [smem:$0x3FD9]  }
0x89: {  	s3 =	sld [smem:$0x3FFE];
	_ =	sdelay $0x1  }
0x8a: {  	s1 =	srdreg.scid  }
0x8b: {  	s0 =	sand.u32 $0x1, s1  }
0x8c: {  	s17 =	sshll.u32 s0, $0xA;
	s2 =	sadd.s32 s3, s2  }
0x8d: {  	s2 =	sadd.s32 s2, s17  }
0x8e: {  	[smem:$0x3FC2] =	sst s2  }
0x8f: {  	_ = 	snop  }
0x90: {  	s2 =	sld [smem:$0x3FD0];
	(tm) =	ssettm $0x1  }
0x91: {  	s18 =	sld [smem:$0x3FFB];
	_ =	sdelay $0x3  }
0x92: {  	_ =	strace s18  }
0x93: {  	s3 =	sld [smem:$0x3FFC];
	_ =	sdelay $0x3  }
0x94: {  	_ =	strace s3  }
0x95: {  	s3 =	sld [smem:$0x3FFD];
	_ =	sdelay $0x3  }
0x96: {  	_ =	strace s3  }
0x97: {  	_ =	strace $0x8FFFFFFF  }
0x98: {  	s19 =	sld [smem:$0x3FDB];
	_ =	sdelay $0x1  }
0x99: {  	s4 =	simm.s32 $_scs_section_size  }
0x9a: {  	s5 =	simm.s32 $_size__tile_overlayer_lowered;
	s6 =	simm.s32 $_tile_overlayer_lowered  }
0x9b: {  	s22 =	simm.s32 $0x1BFF;
	s21 =	sshll.u32 s6, $0x1;
	s3 =	sadd.s32 s4, s19  }
0x9c: {  	s7 =	simm.s32 $0x0;
	s20 =	sshll.u32 s5, $0x1;
	s5 =	sadd.s32 s21, s3  }
0x9d: {  	[timem:s7], [sflag:s22] =	dma.local [hbm:s5], s20  }
0x9e: {  	_ =	swait.ge [sflag:s22], s20  }
0x9f: {  	s4 =	ssub.s32 $0x0, s20;
	[sflag:s22] =	ssyncset.done $0x0  }
0xa0: {  	[sflag:s22] =	ssyncadd.s32 s4;
	_ =	sdelay $0x1  }
0xa1: {  	s23 =	simm.s32 $0x1B8B  }
0xa2: {  	_ =	swait.ge [sflag:s23], $0x1  }
0xa3: {  	[sflag:s23] =	ssyncset.done $0x0  }
0xa4: {  	s25 =	simm.s32 $0x1B8E;
	s24 =	sld [smem:$0x3FFE];
	[sflag:s23] =	ssyncadd.s32 $0xFFFFFFFF  }
0xa5: {  	s26 =	simm.s32 $execute0_lowered;
	[smem:$0x3FD2] =	sst s25  }
0xa6: {  	s5 =	sshll.u32 s26, $0x1;
	_ =	strace $0x80000049;
	[dreg:$0x1] =	wrdreg $0xFFFFFFFF  }
0xa7: {  	s28 =	simm.s32 $_size_execute0_lowered;
	s3 =	sadd.s32 s3, s5;
	[dreg:$0x0] =	wrdreg $0x0  }
0xa8: {  	s5 =	sshll.u32 s28, $0x1;
	[dreg:$0x2] =	wrdreg s3  }
0xa9: {  	[dreg:$0x3] =	wrdreg s5  }
0xaa: {  	[dreg:$0x4] =	wrdreg $0xC0  }
0xab: {  	_ =	task [dreg:s7], $0x5FFFF  }
0xac: {  	[dreg:$0x1] =	wrdreg $0xFFFFFFFF  }
0xad: {  	[dreg:$0x0] =	wrdreg $0x60  }
0xae: {  	[dreg:$0x2] =	wrdreg s24  }
0xaf: {  	[dreg:$0x3] =	wrdreg s2  }
0xb0: {  	[dreg:$0x4] =	wrdreg $0x90000  }
0xb1: {  	[dreg:$0x5] =	wrdreg $0x9  }
0xb2: {  	_ =	task.clear_ibuf [dreg:s7], $0x6FFFF;
	_ =	strace $0x90000049  }
0xb3: {  	s29 =	simm.s32 $0x9;
	_ =	strace $0x8000004B  }
0xb4: {  	_ =	swait.ge [sflag:s29], $0x1  }
0xb5: {  	[sflag:s29] =	ssyncadd.s32 $0xFFFFFFFF  }
0xb6: {  	_ =	strace $0x9000004B  }
0xb7: {  	_ =	sfence  }
0xb8: {  	s30 =	sld [smem:$0x0];
	_ =	sdelay $0x2  }
0xb9: {  	s31 =	sshll.u32 s1, $0xD;
	s1 =	sshrl.u32 s1, $0x2  }
0xba: {  	s3 =	sand.u32 $0x4000, s31;
	s1 =	sadd.s32 s1, s30  }
0xbb: {  	s0 =	sor.u32 s3, s0;
	s1 =	sshll.u32 s1, $0x11  }
0xbc: {  	s0 =	sor.u32 s1, s0  }
0xbd: {  	s0 =	sadd.s32 $0x8F2B, s0  }
0xbe: {  	[sflag:s0] =	ssyncadd.remote.s32 $0x1  }
0xbf: {  	_ =	sfence.sel $0xFFFF  }
0xc0: {  	[dreg:$0x0] =	wrdreg $0xFFFFFFFF;
	(pc) =	sbr.abs _section_cstart, $3  }
0xc1: {  	[dreg:$0x1] =	wrdreg $0xFFFFFFFF  }
0xc2: {  	_ =	task.clear_ibuf [dreg:s7], $0x2FFFF;
	_ =	strace $0x9FFFFFFF  }
0xc3: {  	(tm) =	ssettm $0x7FFFFFFF  }
tec
execute0_lowered:
.L_overlay_start_1:
0x0: {  	(tag) =	ssettag $0x1  }
0x1: {  	s0 =	rddreg [dreg:$0x0]  }
0x2: {  	s1 =	rddreg [dreg:$0x1]  }
0x3: {  	s2 =	rddreg [dreg:$0x2]  }
0x4: {  	s3 =	srdreg.scid;
	s5 =	stileid.u32  }
0x5: {  	s8 =	simm.s32 $0x0;
	s3 =	sand.u32 $0x1, s3;
	s6 =	smul.u32 $0x14000, s5  }
0x6: {  	[smem:$0x7FF] =	sst s8;
	s4 =	smul.u32 $0x140000, s3;
	s7 =	sshll.u32 s3, $0x4  }
0x7: {  	_ =	strace $0x8000004A;
	s3 =	ssub.s32 $0x2, s3;
	s7 =	sor.u32 s5, s7  }
0x8: {  	s5 =	smul.u32 $0x50000, s5;
	s13 =	sshrl.u32 s3, $0x1;
	s6 =	sadd.s32 s6, s4  }
0x9: {  	s7 =	smul.u32 $0x2800, s7;
	s4 =	sadd.s32 $0x1E00, s0;
	s14 =	ssub.s32 s3, s13  }
0xa: {  	s6 =	sshrl.u32 s6, $0x3;
	s5 =	sshrl.u32 s5, $0x2;
	s24 =	smax.u32 s14, $0x1  }
0xb: {  	s12 =	sshrl.u32 s7, $0x3;
	s15 =	sadd.s32 s5, s2;
	[dreg:$0x10] =	wrdreg s24  }
0xc: {  	s0 =	sadd.s32 s6, s0;
	s6 =	sadd.s32 s1, s12;
	[dreg:$0x5] =	wrdreg s15  }
0xd: {  	s0 =	sadd.s32 $0x29E00, s0;
	[dreg:$0x4] =	wrdreg s6  }
0xe: {  	s25 =	sadd.s32 $0x4000, s15;
	[dreg:$0xf] =	wrdreg s0  }
0xf: {  	s26 =	sadd.s32 $0x8000, s15;
	[dreg:$0x11] =	wrdreg s25  }
0x10: {  	s29 =	sadd.s32 $0xC000, s15;
	[dreg:$0x12] =	wrdreg s26  }
0x11: {  	s31 =	sadd.s32 $0x10000, s15;
	[dreg:$0x13] =	wrdreg s29  }
0x12: {  	s16 =	sadd.s32 $0xA000, s6;
	[dreg:$0x14] =	wrdreg s31  }
0x13: {  	s17 =	sadd.s32 $0x100, s6;
	[dreg:$0x6] =	wrdreg s16  }
0x14: {  	s18 =	sadd.s32 $0xA100, s6;
	[dreg:$0x7] =	wrdreg s17  }
0x15: {  	s19 =	sadd.s32 $0x200, s6;
	[dreg:$0x8] =	wrdreg s18  }
0x16: {  	s28 =	simm.s32 $0x1;
	s20 =	sadd.s32 $0xA200, s6;
	[dreg:$0x9] =	wrdreg s19  }
0x17: {  	s30 =	simm.s32 $0x2;
	s21 =	sadd.s32 $0x300, s6;
	[dreg:$0xa] =	wrdreg s20  }
0x18: {  	s11 =	simm.s32 $0x0;
	s22 =	sadd.s32 $0xA300, s6;
	[dreg:$0xb] =	wrdreg s21  }
0x19: {  	s23 =	sadd.s32 $0x400, s6;
	s6 =	sadd.s32 $0xA400, s6;
	[dreg:$0xc] =	wrdreg s22  }
0x1a: {  	s25 =	simm.s32 $0x80;
	s26 =	simm.s32 $0x5000;
	[dreg:$0xd] =	wrdreg s23  }
0x1b: {  	v0 =	vimm.f32 $0.0e+00;
	[dreg:$0xe] =	wrdreg s6;
	s22 =	simm.s32 $0x1000;
	s23 =	simm.s32 $0x3  }
.LBB2_1:
0x1c: {  	s12 =	simm.s32 $0x0;
	s13 =	simm.s32 $0x200  }
.LBB2_2:
0x1d: {  	p0 =	sne.s32 s13, $0xFE00;
	[tilespmem:s12+$0x1070] =	vst v0  }
0x1e: {  	[tilespmem:s12+$0x1000] =	vst v0  }
0x1f: {  	[tilespmem:s12+$0x1010] =	vst v0  }
.Ltmp0:
0x20: {  	[tilespmem:s12+$0x1020] =	vst v0;
	(pc) =	sbr.rel @p0 .LBB2_2-.Ltmp0, $4  }
0x21: {  	[tilespmem:s12+$0x1030] =	vst v0  }
0x22: {  	[tilespmem:s12+$0x1040] =	vst v0  }
0x23: {  	[tilespmem:s12+$0x1050] =	vst v0  }
0x24: {  	[tilespmem:s12+$0x1060] =	vst v0;
	s12 =	sshra.s32 s13, $0x2;
	s13 =	sadd.s32 $0x200, s13  }
0x25: {  	[tilespmem:s12+$0x1070] =	vst v0  }
0x26: {  	[tilespmem:s12+$0x1000] =	vst v0  }
0x27: {  	[tilespmem:s12+$0x1010] =	vst v0  }
0x28: {  	[tilespmem:s12+$0x1020] =	vst v0  }
0x29: {  	[tilespmem:s12+$0x1030] =	vst v0  }
0x2a: {  	[tilespmem:s12+$0x1040] =	vst v0  }
0x2b: {  	[tilespmem:s12+$0x1050] =	vst v0  }
0x2c: {  	[tilespmem:s12+$0x1060] =	vst v0;
	s0 =	rddreg [dreg:$0x5]  }
0x2d: {  	[spmem:s0] =	stream.linear.scatter [tilespmem:s22], [sflag:$0x3], $0x4000, $0x38;
	[tilespmem:$0x1D000] =	vst v63  }
0x2e: {  	_ =	swait.ge [sflag:s23], $0x4000  }
0x2f: {  	[sflag:s23] =	ssyncset.done $0x0  }
0x30: {  	s15 =	rddreg [dreg:$0x11];
	[sflag:s23] =	ssyncadd.s32 $0xFFFFC000  }
0x31: {  	[spmem:s15] =	stream.linear.scatter [tilespmem:s22], [sflag:$0x3], $0x4000, $0x38;
	[tilespmem:$0x1D000] =	vst v63  }
0x32: {  	_ =	swait.ge [sflag:s23], $0x4000  }
0x33: {  	[sflag:s23] =	ssyncset.done $0x0  }
0x34: {  	s16 =	rddreg [dreg:$0x12];
	[sflag:s23] =	ssyncadd.s32 $0xFFFFC000  }
0x35: {  	[spmem:s16] =	stream.linear.scatter [tilespmem:s22], [sflag:$0x3], $0x4000, $0x38;
	[tilespmem:$0x1D000] =	vst v63  }
0x36: {  	_ =	swait.ge [sflag:s23], $0x4000  }
0x37: {  	[sflag:s23] =	ssyncset.done $0x0  }
0x38: {  	s17 =	rddreg [dreg:$0x13];
	[sflag:s23] =	ssyncadd.s32 $0xFFFFC000  }
0x39: {  	[spmem:s17] =	stream.linear.scatter [tilespmem:s22], [sflag:$0x3], $0x4000, $0x38;
	[tilespmem:$0x1D000] =	vst v63  }
0x3a: {  	_ =	swait.ge [sflag:s23], $0x4000  }
0x3b: {  	[sflag:s23] =	ssyncset.done $0x0  }
0x3c: {  	s18 =	rddreg [dreg:$0x14];
	[sflag:s23] =	ssyncadd.s32 $0xFFFFC000  }
0x3d: {  	[spmem:s18] =	stream.linear.scatter [tilespmem:s22], [sflag:$0x3], $0x4000, $0x38;
	[tilespmem:$0x1D000] =	vst v63  }
0x3e: {  	_ =	swait.ge [sflag:s23], $0x4000  }
0x3f: {  	[sflag:s23] =	ssyncset.done $0x0  }
0x40: {  	[sflag:s23] =	ssyncadd.s32 $0xFFFFC000  }
0x41: {  	[bflag:$0x0] =	sbarrier.arrive $0xFFFF  }
0x42: {  	s19 =	rddreg [dreg:$0x4]  }
0x43: {  	[tilespmem:s8], [sflag:$0x3] =	stream.linear.gather [hbm4b:s19+s8], $0x800, $0x38;
	[tilespmem:$0x1D000] =	vst v63  }
0x44: {  	_ =	swait.ge [sflag:s23], $0x800  }
0x45: {  	[sflag:s23] =	ssyncset.done $0x0  }
0x46: {  	s1 =	simm.s32 $0x800;
	s20 =	rddreg [dreg:$0x6];
	[sflag:s23] =	ssyncadd.s32 $0xFFFFF800  }
0x47: {  	[tilespmem:s1], [sflag:$0x3] =	stream.linear.gather [hbm4b:s20+s8], $0x800, $0x38;
	[tilespmem:$0x1D000] =	vst v63  }
0x48: {  	_ =	swait.ge [sflag:s23], $0x800  }
0x49: {  	[sflag:s23] =	ssyncset.done $0x0  }
0x4a: {  	[sflag:s23] =	ssyncadd.s32 $0xFFFFF800  }
0x4b: {  	[tilespmem:s22], [sflag:$0x1] =	stream.indirect.gather [hbm4b:s4+s25], $0x80, s8, s25, $0xb8;
	[tilespmem:$0x1D000] =	vst v63  }
0x4c: {  	_ = 	snop  }
0x4d: {  	[tilespmem:s26], [sflag:$0x2] =	stream.indirect.gather [hbm4b:s4+s25], $0x80, s25, s25, $0xb8;
	[tilespmem:$0x1D000] =	vst v63  }
0x4e: {  	_ =	swait.ge [sflag:s28], $0x4000  }
0x4f: {  	[sflag:s28] =	ssyncset.done $0x0  }
0x50: {  	[sflag:s28] =	ssyncadd.s32 $0xFFFFC000  }
0x51: {  	[spmem:s2] =	stream.indirect.scatter.add.f32 [tilespmem:s22], [sflag:$0x3], $0x80, s1, s25, $0xb8;
	[tilespmem:$0x1D000] =	vst v63  }
0x52: {  	_ =	swait.ge [sflag:s23], $0x4000  }
0x53: {  	[sflag:s23] =	ssyncset.done $0x0  }
0x54: {  	s21 =	simm.s32 $0x100;
	[sflag:s23] =	ssyncadd.s32 $0xFFFFC000  }
0x55: {  	[tilespmem:s22], [sflag:$0x1] =	stream.indirect.gather [hbm4b:s4+s25], $0x80, s21, s25, $0xb8;
	[tilespmem:$0x1D000] =	vst v63  }
0x56: {  	_ =	swait.ge [sflag:s30], $0x4000  }
0x57: {  	[sflag:s30] =	ssyncset.done $0x0  }
0x58: {  	s24 =	simm.s32 $0x880;
	[sflag:s30] =	ssyncadd.s32 $0xFFFFC000  }
0x59: {  	[spmem:s2] =	stream.indirect.scatter.add.f32 [tilespmem:s26], [sflag:$0x3], $0x80, s24, s25, $0xb8;
	[tilespmem:$0x1D000] =	vst v63  }
0x5a: {  	_ =	swait.ge [sflag:s23], $0x4000  }
0x5b: {  	[sflag:s23] =	ssyncset.done $0x0  }
0x5c: {  	s29 =	simm.s32 $0x180;
	[sflag:s23] =	ssyncadd.s32 $0xFFFFC000  }
0x5d: {  	[tilespmem:s26], [sflag:$0x2] =	stream.indirect.gather [hbm4b:s4+s25], $0x80, s29, s25, $0xb8;
	[tilespmem:$0x1D000] =	vst v63  }
0x5e: {  	_ =	swait.ge [sflag:s28], $0x4000  }
0x5f: {  	[sflag:s28] =	ssyncset.done $0x0  }
0x60: {  	s31 =	simm.s32 $0x900;
	[sflag:s28] =	ssyncadd.s32 $0xFFFFC000  }
0x61: {  	[spmem:s2] =	stream.indirect.scatter.add.f32 [tilespmem:s22], [sflag:$0x3], $0x80, s31, s25, $0xb8;
	[tilespmem:$0x1D000] =	vst v63  }
0x62: {  	_ =	swait.ge [sflag:s23], $0x4000  }
0x63: {  	[sflag:s23] =	ssyncset.done $0x0  }
0x64: {  	s3 =	simm.s32 $0x200;
	[sflag:s23] =	ssyncadd.s32 $0xFFFFC000  }
0x65: {  	[tilespmem:s22], [sflag:$0x1] =	stream.indirect.gather [hbm4b:s4+s25], $0x80, s3, s25, $0xb8;
	[tilespmem:$0x1D000] =	vst v63  }
0x66: {  	_ =	swait.ge [sflag:s30], $0x4000  }
0x67: {  	[sflag:s30] =	ssyncset.done $0x0  }
0x68: {  	s5 =	simm.s32 $0x980;
	[sflag:s30] =	ssyncadd.s32 $0xFFFFC000  }
0x69: {  	[spmem:s2] =	stream.indirect.scatter.add.f32 [tilespmem:s26], [sflag:$0x3], $0x80, s5, s25, $0xb8;
	[tilespmem:$0x1D000] =	vst v63  }
0x6a: {  	_ =	swait.ge [sflag:s23], $0x4000  }
0x6b: {  	[sflag:s23] =	ssyncset.done $0x0  }
0x6c: {  	s6 =	simm.s32 $0x280;
	[sflag:s23] =	ssyncadd.s32 $0xFFFFC000  }
0x6d: {  	[tilespmem:s26], [sflag:$0x2] =	stream.indirect.gather [hbm4b:s4+s25], $0x80, s6, s25, $0xb8;
	[tilespmem:$0x1D000] =	vst v63  }
0x6e: {  	_ =	swait.ge [sflag:s28], $0x4000  }
0x6f: {  	[sflag:s28] =	ssyncset.done $0x0  }
0x70: {  	s7 =	simm.s32 $0xA00;
	[sflag:s28] =	ssyncadd.s32 $0xFFFFC000  }
0x71: {  	[spmem:s2] =	stream.indirect.scatter.add.f32 [tilespmem:s22], [sflag:$0x3], $0x80, s7, s25, $0xb8;
	[tilespmem:$0x1D000] =	vst v63  }
0x72: {  	_ =	swait.ge [sflag:s23], $0x4000  }
0x73: {  	[sflag:s23] =	ssyncset.done $0x0  }
0x74: {  	s9 =	simm.s32 $0x300;
	[sflag:s23] =	ssyncadd.s32 $0xFFFFC000  }
0x75: {  	[tilespmem:s22], [sflag:$0x1] =	stream.indirect.gather [hbm4b:s4+s25], $0x80, s9, s25, $0xb8;
	[tilespmem:$0x1D000] =	vst v63  }
0x76: {  	_ =	swait.ge [sflag:s30], $0x4000  }
0x77: {  	[sflag:s30] =	ssyncset.done $0x0  }
0x78: {  	s10 =	simm.s32 $0xA80;
	[sflag:s30] =	ssyncadd.s32 $0xFFFFC000  }
0x79: {  	[spmem:s2] =	stream.indirect.scatter.add.f32 [tilespmem:s26], [sflag:$0x3], $0x80, s10, s25, $0xb8;
	[tilespmem:$0x1D000] =	vst v63  }
0x7a: {  	_ =	swait.ge [sflag:s23], $0x4000  }
0x7b: {  	[sflag:s23] =	ssyncset.done $0x0  }
0x7c: {  	s12 =	simm.s32 $0x380;
	[sflag:s23] =	ssyncadd.s32 $0xFFFFC000  }
0x7d: {  	[tilespmem:s26], [sflag:$0x2] =	stream.indirect.gather [hbm4b:s4+s25], $0x80, s12, s25, $0xb8;
	[tilespmem:$0x1D000] =	vst v63  }
0x7e: {  	_ =	swait.ge [sflag:s28], $0x4000  }
0x7f: {  	[sflag:s28] =	ssyncset.done $0x0  }
0x80: {  	s13 =	simm.s32 $0xB00;
	[sflag:s28] =	ssyncadd.s32 $0xFFFFC000  }
0x81: {  	[spmem:s2] =	stream.indirect.scatter.add.f32 [tilespmem:s22], [sflag:$0x3], $0x80, s13, s25, $0xb8;
	[tilespmem:$0x1D000] =	vst v63  }
0x82: {  	_ =	swait.ge [sflag:s23], $0x4000  }
0x83: {  	[sflag:s23] =	ssyncset.done $0x0  }
0x84: {  	s14 =	simm.s32 $0x400;
	[sflag:s23] =	ssyncadd.s32 $0xFFFFC000  }
0x85: {  	[tilespmem:s22], [sflag:$0x1] =	stream.indirect.gather [hbm4b:s4+s25], $0x80, s14, s25, $0xb8;
	[tilespmem:$0x1D000] =	vst v63  }
0x86: {  	_ =	swait.ge [sflag:s30], $0x4000  }
0x87: {  	[sflag:s30] =	ssyncset.done $0x0  }
0x88: {  	s20 =	simm.s32 $0xB80;
	[sflag:s30] =	ssyncadd.s32 $0xFFFFC000  }
0x89: {  	[spmem:s2] =	stream.indirect.scatter.add.f32 [tilespmem:s26], [sflag:$0x3], $0x80, s20, s25, $0xb8;
	[tilespmem:$0x1D000] =	vst v63  }
0x8a: {  	_ =	swait.ge [sflag:s23], $0x4000  }
0x8b: {  	[sflag:s23] =	ssyncset.done $0x0  }
0x8c: {  	s21 =	simm.s32 $0x480;
	[sflag:s23] =	ssyncadd.s32 $0xFFFFC000  }
0x8d: {  	[tilespmem:s26], [sflag:$0x2] =	stream.indirect.gather [hbm4b:s4+s25], $0x80, s21, s25, $0xb8;
	[tilespmem:$0x1D000] =	vst v63  }
0x8e: {  	_ =	swait.ge [sflag:s28], $0x4000  }
0x8f: {  	[sflag:s28] =	ssyncset.done $0x0  }
0x90: {  	s29 =	simm.s32 $0xC00;
	[sflag:s28] =	ssyncadd.s32 $0xFFFFC000  }
0x91: {  	[spmem:s2] =	stream.indirect.scatter.add.f32 [tilespmem:s22], [sflag:$0x3], $0x80, s29, s25, $0xb8;
	[tilespmem:$0x1D000] =	vst v63  }
0x92: {  	_ =	swait.ge [sflag:s23], $0x4000  }
0x93: {  	[sflag:s23] =	ssyncset.done $0x0  }
0x94: {  	s31 =	simm.s32 $0x500;
	[sflag:s23] =	ssyncadd.s32 $0xFFFFC000  }
0x95: {  	[tilespmem:s22], [sflag:$0x1] =	stream.indirect.gather [hbm4b:s4+s25], $0x80, s31, s25, $0xb8;
	[tilespmem:$0x1D000] =	vst v63  }
0x96: {  	_ =	swait.ge [sflag:s30], $0x4000  }
0x97: {  	[sflag:s30] =	ssyncset.done $0x0  }
0x98: {  	s3 =	simm.s32 $0xC80;
	[sflag:s30] =	ssyncadd.s32 $0xFFFFC000  }
0x99: {  	[spmem:s2] =	stream.indirect.scatter.add.f32 [tilespmem:s26], [sflag:$0x3], $0x80, s3, s25, $0xb8;
	[tilespmem:$0x1D000] =	vst v63  }
0x9a: {  	_ =	swait.ge [sflag:s23], $0x4000  }
0x9b: {  	[sflag:s23] =	ssyncset.done $0x0  }
0x9c: {  	s5 =	simm.s32 $0x580;
	[sflag:s23] =	ssyncadd.s32 $0xFFFFC000  }
0x9d: {  	[tilespmem:s26], [sflag:$0x2] =	stream.indirect.gather [hbm4b:s4+s25], $0x80, s5, s25, $0xb8;
	[tilespmem:$0x1D000] =	vst v63  }
0x9e: {  	_ =	swait.ge [sflag:s28], $0x4000  }
0x9f: {  	[sflag:s28] =	ssyncset.done $0x0  }
0xa0: {  	s6 =	simm.s32 $0xD00;
	[sflag:s28] =	ssyncadd.s32 $0xFFFFC000  }
0xa1: {  	[spmem:s2] =	stream.indirect.scatter.add.f32 [tilespmem:s22], [sflag:$0x3], $0x80, s6, s25, $0xb8;
	[tilespmem:$0x1D000] =	vst v63  }
0xa2: {  	_ =	swait.ge [sflag:s23], $0x4000  }
0xa3: {  	[sflag:s23] =	ssyncset.done $0x0  }
0xa4: {  	s7 =	simm.s32 $0x600;
	[sflag:s23] =	ssyncadd.s32 $0xFFFFC000  }
0xa5: {  	[tilespmem:s22], [sflag:$0x1] =	stream.indirect.gather [hbm4b:s4+s25], $0x80, s7, s25, $0xb8;
	[tilespmem:$0x1D000] =	vst v63  }
0xa6: {  	_ =	swait.ge [sflag:s30], $0x4000  }
0xa7: {  	[sflag:s30] =	ssyncset.done $0x0  }
0xa8: {  	s9 =	simm.s32 $0xD80;
	[sflag:s30] =	ssyncadd.s32 $0xFFFFC000  }
0xa9: {  	[spmem:s2] =	stream.indirect.scatter.add.f32 [tilespmem:s26], [sflag:$0x3], $0x80, s9, s25, $0xb8;
	[tilespmem:$0x1D000] =	vst v63  }
0xaa: {  	_ =	swait.ge [sflag:s23], $0x4000  }
0xab: {  	[sflag:s23] =	ssyncset.done $0x0  }
0xac: {  	s10 =	simm.s32 $0x680;
	[sflag:s23] =	ssyncadd.s32 $0xFFFFC000  }
0xad: {  	[tilespmem:s26], [sflag:$0x2] =	stream.indirect.gather [hbm4b:s4+s25], $0x80, s10, s25, $0xb8;
	[tilespmem:$0x1D000] =	vst v63  }
0xae: {  	_ =	swait.ge [sflag:s28], $0x4000  }
0xaf: {  	[sflag:s28] =	ssyncset.done $0x0  }
0xb0: {  	s13 =	simm.s32 $0xE00;
	[sflag:s28] =	ssyncadd.s32 $0xFFFFC000  }
0xb1: {  	[spmem:s2] =	stream.indirect.scatter.add.f32 [tilespmem:s22], [sflag:$0x3], $0x80, s13, s25, $0xb8;
	[tilespmem:$0x1D000] =	vst v63  }
0xb2: {  	_ =	swait.ge [sflag:s23], $0x4000  }
0xb3: {  	[sflag:s23] =	ssyncset.done $0x0  }
0xb4: {  	s14 =	simm.s32 $0x700;
	[sflag:s23] =	ssyncadd.s32 $0xFFFFC000  }
0xb5: {  	[tilespmem:s22], [sflag:$0x1] =	stream.indirect.gather [hbm4b:s4+s25], $0x80, s14, s25, $0xb8;
	[tilespmem:$0x1D000] =	vst v63  }
0xb6: {  	_ =	swait.ge [sflag:s30], $0x4000  }
0xb7: {  	[sflag:s30] =	ssyncset.done $0x0  }
0xb8: {  	s21 =	simm.s32 $0xE80;
	[sflag:s30] =	ssyncadd.s32 $0xFFFFC000  }
0xb9: {  	[spmem:s2] =	stream.indirect.scatter.add.f32 [tilespmem:s26], [sflag:$0x3], $0x80, s21, s25, $0xb8;
	[tilespmem:$0x1D000] =	vst v63  }
0xba: {  	_ =	swait.ge [sflag:s23], $0x4000  }
0xbb: {  	[sflag:s23] =	ssyncset.done $0x0  }
0xbc: {  	s29 =	simm.s32 $0x780;
	[sflag:s23] =	ssyncadd.s32 $0xFFFFC000  }
0xbd: {  	[tilespmem:s26], [sflag:$0x2] =	stream.indirect.gather [hbm4b:s4+s25], $0x80, s29, s25, $0xb8;
	[tilespmem:$0x1D000] =	vst v63  }
0xbe: {  	_ =	swait.ge [sflag:s28], $0x4000  }
0xbf: {  	[sflag:s28] =	ssyncset.done $0x0  }
0xc0: {  	s31 =	simm.s32 $0xF00;
	[sflag:s28] =	ssyncadd.s32 $0xFFFFC000  }
0xc1: {  	[spmem:s2] =	stream.indirect.scatter.add.f32 [tilespmem:s22], [sflag:$0x3], $0x80, s31, s25, $0xb8;
	[tilespmem:$0x1D000] =	vst v63  }
0xc2: {  	_ =	swait.ge [sflag:s23], $0x4000  }
0xc3: {  	[sflag:s23] =	ssyncset.done $0x0  }
0xc4: {  	[sflag:s23] =	ssyncadd.s32 $0xFFFFC000  }
0xc5: {  	_ =	swait.ge [sflag:s30], $0x4000  }
0xc6: {  	[sflag:s30] =	ssyncset.done $0x0  }
0xc7: {  	s0 =	simm.s32 $0xF80;
	[sflag:s30] =	ssyncadd.s32 $0xFFFFC000  }
0xc8: {  	[spmem:s2] =	stream.indirect.scatter.add.f32 [tilespmem:s26], [sflag:$0x3], $0x80, s0, s25, $0xb8;
	[tilespmem:$0x1D000] =	vst v63  }
0xc9: {  	_ =	swait.ge [sflag:s23], $0x4000  }
0xca: {  	[sflag:s23] =	ssyncset.done $0x0  }
0xcb: {  	s3 =	rddreg [dreg:$0x7];
	[sflag:s23] =	ssyncadd.s32 $0xFFFFC000  }
0xcc: {  	[tilespmem:s8], [sflag:$0x3] =	stream.linear.gather [hbm4b:s3+s8], $0x800, $0x38;
	[tilespmem:$0x1D000] =	vst v63  }
0xcd: {  	_ =	swait.ge [sflag:s23], $0x800  }
0xce: {  	[sflag:s23] =	ssyncset.done $0x0  }
0xcf: {  	s5 =	rddreg [dreg:$0x8];
	[sflag:s23] =	ssyncadd.s32 $0xFFFFF800  }
0xd0: {  	[tilespmem:s1], [sflag:$0x3] =	stream.linear.gather [hbm4b:s5+s8], $0x800, $0x38;
	[tilespmem:$0x1D000] =	vst v63  }
0xd1: {  	_ =	swait.ge [sflag:s23], $0x800  }
0xd2: {  	[sflag:s23] =	ssyncset.done $0x0  }
0xd3: {  	[sflag:s23] =	ssyncadd.s32 $0xFFFFF800  }
0xd4: {  	[tilespmem:s22], [sflag:$0x1] =	stream.indirect.gather [hbm4b:s4+s25], $0x80, s8, s25, $0xb8;
	[tilespmem:$0x1D000] =	vst v63  }
0xd5: {  	_ = 	snop  }
0xd6: {  	[tilespmem:s26], [sflag:$0x2] =	stream.indirect.gather [hbm4b:s4+s25], $0x80, s25, s25, $0xb8;
	[tilespmem:$0x1D000] =	vst v63  }
0xd7: {  	_ =	swait.ge [sflag:s28], $0x4000  }
0xd8: {  	[sflag:s28] =	ssyncset.done $0x0  }
0xd9: {  	[sflag:s28] =	ssyncadd.s32 $0xFFFFC000  }
0xda: {  	[spmem:s2] =	stream.indirect.scatter.add.f32 [tilespmem:s22], [sflag:$0x3], $0x80, s1, s25, $0xb8;
	[tilespmem:$0x1D000] =	vst v63  }
0xdb: {  	_ =	swait.ge [sflag:s23], $0x4000  }
0xdc: {  	[sflag:s23] =	ssyncset.done $0x0  }
0xdd: {  	s16 =	simm.s32 $0x100;
	[sflag:s23] =	ssyncadd.s32 $0xFFFFC000  }
0xde: {  	[tilespmem:s22], [sflag:$0x1] =	stream.indirect.gather [hbm4b:s4+s25], $0x80, s16, s25, $0xb8;
	[tilespmem:$0x1D000] =	vst v63  }
0xdf: {  	_ =	swait.ge [sflag:s30], $0x4000  }
0xe0: {  	[sflag:s30] =	ssyncset.done $0x0  }
0xe1: {  	s17 =	simm.s32 $0x880;
	[sflag:s30] =	ssyncadd.s32 $0xFFFFC000  }
0xe2: {  	[spmem:s2] =	stream.indirect.scatter.add.f32 [tilespmem:s26], [sflag:$0x3], $0x80, s17, s25, $0xb8;
	[tilespmem:$0x1D000] =	vst v63  }
0xe3: {  	_ =	swait.ge [sflag:s23], $0x4000  }
0xe4: {  	[sflag:s23] =	ssyncset.done $0x0  }
0xe5: {  	s18 =	simm.s32 $0x180;
	[sflag:s23] =	ssyncadd.s32 $0xFFFFC000  }
0xe6: {  	[tilespmem:s26], [sflag:$0x2] =	stream.indirect.gather [hbm4b:s4+s25], $0x80, s18, s25, $0xb8;
	[tilespmem:$0x1D000] =	vst v63  }
0xe7: {  	_ =	swait.ge [sflag:s28], $0x4000  }
0xe8: {  	[sflag:s28] =	ssyncset.done $0x0  }
0xe9: {  	s19 =	simm.s32 $0x900;
	[sflag:s28] =	ssyncadd.s32 $0xFFFFC000  }
0xea: {  	[spmem:s2] =	stream.indirect.scatter.add.f32 [tilespmem:s22], [sflag:$0x3], $0x80, s19, s25, $0xb8;
	[tilespmem:$0x1D000] =	vst v63  }
0xeb: {  	_ =	swait.ge [sflag:s23], $0x4000  }
0xec: {  	[sflag:s23] =	ssyncset.done $0x0  }
0xed: {  	s21 =	simm.s32 $0x200;
	[sflag:s23] =	ssyncadd.s32 $0xFFFFC000  }
0xee: {  	[tilespmem:s22], [sflag:$0x1] =	stream.indirect.gather [hbm4b:s4+s25], $0x80, s21, s25, $0xb8;
	[tilespmem:$0x1D000] =	vst v63  }
0xef: {  	_ =	swait.ge [sflag:s30], $0x4000  }
0xf0: {  	[sflag:s30] =	ssyncset.done $0x0  }
0xf1: {  	s29 =	simm.s32 $0x980;
	[sflag:s30] =	ssyncadd.s32 $0xFFFFC000  }
0xf2: {  	[spmem:s2] =	stream.indirect.scatter.add.f32 [tilespmem:s26], [sflag:$0x3], $0x80, s29, s25, $0xb8;
	[tilespmem:$0x1D000] =	vst v63  }
0xf3: {  	_ =	swait.ge [sflag:s23], $0x4000  }
0xf4: {  	[sflag:s23] =	ssyncset.done $0x0  }
0xf5: {  	s31 =	simm.s32 $0x280;
	[sflag:s23] =	ssyncadd.s32 $0xFFFFC000  }
0xf6: {  	[tilespmem:s26], [sflag:$0x2] =	stream.indirect.gather [hbm4b:s4+s25], $0x80, s31, s25, $0xb8;
	[tilespmem:$0x1D000] =	vst v63  }
0xf7: {  	_ =	swait.ge [sflag:s28], $0x4000  }
0xf8: {  	[sflag:s28] =	ssyncset.done $0x0  }
0xf9: {  	s0 =	simm.s32 $0xA00;
	[sflag:s28] =	ssyncadd.s32 $0xFFFFC000  }
0xfa: {  	[spmem:s2] =	stream.indirect.scatter.add.f32 [tilespmem:s22], [sflag:$0x3], $0x80, s0, s25, $0xb8;
	[tilespmem:$0x1D000] =	vst v63  }
0xfb: {  	_ =	swait.ge [sflag:s23], $0x4000  }
0xfc: {  	[sflag:s23] =	ssyncset.done $0x0  }
0xfd: {  	s15 =	simm.s32 $0x300;
	[sflag:s23] =	ssyncadd.s32 $0xFFFFC000  }
0xfe: {  	[tilespmem:s22], [sflag:$0x1] =	stream.indirect.gather [hbm4b:s4+s25], $0x80, s15, s25, $0xb8;
	[tilespmem:$0x1D000] =	vst v63  }
0xff: {  	_ =	swait.ge [sflag:s30], $0x4000  }
0x100: {  	[sflag:s30] =	ssyncset.done $0x0  }
0x101: {  	s24 =	simm.s32 $0xA80;
	[sflag:s30] =	ssyncadd.s32 $0xFFFFC000  }
0x102: {  	[spmem:s2] =	stream.indirect.scatter.add.f32 [tilespmem:s26], [sflag:$0x3], $0x80, s24, s25, $0xb8;
	[tilespmem:$0x1D000] =	vst v63  }
0x103: {  	_ =	swait.ge [sflag:s23], $0x4000  }
0x104: {  	[sflag:s23] =	ssyncset.done $0x0  }
0x105: {  	s3 =	simm.s32 $0x380;
	[sflag:s23] =	ssyncadd.s32 $0xFFFFC000  }
0x106: {  	[tilespmem:s26], [sflag:$0x2] =	stream.indirect.gather [hbm4b:s4+s25], $0x80, s3, s25, $0xb8;
	[tilespmem:$0x1D000] =	vst v63  }
0x107: {  	_ =	swait.ge [sflag:s28], $0x4000  }
0x108: {  	[sflag:s28] =	ssyncset.done $0x0  }
0x109: {  	s5 =	simm.s32 $0xB00;
	[sflag:s28] =	ssyncadd.s32 $0xFFFFC000  }
0x10a: {  	[spmem:s2] =	stream.indirect.scatter.add.f32 [tilespmem:s22], [sflag:$0x3], $0x80, s5, s25, $0xb8;
	[tilespmem:$0x1D000] =	vst v63  }
0x10b: {  	_ =	swait.ge [sflag:s23], $0x4000  }
0x10c: {  	[sflag:s23] =	ssyncset.done $0x0  }
0x10d: {  	s24 =	simm.s32 $0x400;
	[sflag:s23] =	ssyncadd.s32 $0xFFFFC000  }
0x10e: {  	[tilespmem:s22], [sflag:$0x1] =	stream.indirect.gather [hbm4b:s4+s25], $0x80, s24, s25, $0xb8;
	[tilespmem:$0x1D000] =	vst v63  }
0x10f: {  	_ =	swait.ge [sflag:s30], $0x4000  }
0x110: {  	[sflag:s30] =	ssyncset.done $0x0  }
0x111: {  	s15 =	simm.s32 $0xB80;
	[sflag:s30] =	ssyncadd.s32 $0xFFFFC000  }
0x112: {  	[spmem:s2] =	stream.indirect.scatter.add.f32 [tilespmem:s26], [sflag:$0x3], $0x80, s15, s25, $0xb8;
	[tilespmem:$0x1D000] =	vst v63  }
0x113: {  	_ =	swait.ge [sflag:s23], $0x4000  }
0x114: {  	[sflag:s23] =	ssyncset.done $0x0  }
0x115: {  	s16 =	simm.s32 $0x480;
	[sflag:s23] =	ssyncadd.s32 $0xFFFFC000  }
0x116: {  	[tilespmem:s26], [sflag:$0x2] =	stream.indirect.gather [hbm4b:s4+s25], $0x80, s16, s25, $0xb8;
	[tilespmem:$0x1D000] =	vst v63  }
0x117: {  	_ =	swait.ge [sflag:s28], $0x4000  }
0x118: {  	[sflag:s28] =	ssyncset.done $0x0  }
0x119: {  	s17 =	simm.s32 $0xC00;
	[sflag:s28] =	ssyncadd.s32 $0xFFFFC000  }
0x11a: {  	[spmem:s2] =	stream.indirect.scatter.add.f32 [tilespmem:s22], [sflag:$0x3], $0x80, s17, s25, $0xb8;
	[tilespmem:$0x1D000] =	vst v63  }
0x11b: {  	_ =	swait.ge [sflag:s23], $0x4000  }
0x11c: {  	[sflag:s23] =	ssyncset.done $0x0  }
0x11d: {  	s18 =	simm.s32 $0x500;
	[sflag:s23] =	ssyncadd.s32 $0xFFFFC000  }
0x11e: {  	[tilespmem:s22], [sflag:$0x1] =	stream.indirect.gather [hbm4b:s4+s25], $0x80, s18, s25, $0xb8;
	[tilespmem:$0x1D000] =	vst v63  }
0x11f: {  	_ =	swait.ge [sflag:s30], $0x4000  }
0x120: {  	[sflag:s30] =	ssyncset.done $0x0  }
0x121: {  	s19 =	simm.s32 $0xC80;
	[sflag:s30] =	ssyncadd.s32 $0xFFFFC000  }
0x122: {  	[spmem:s2] =	stream.indirect.scatter.add.f32 [tilespmem:s26], [sflag:$0x3], $0x80, s19, s25, $0xb8;
	[tilespmem:$0x1D000] =	vst v63  }
0x123: {  	_ =	swait.ge [sflag:s23], $0x4000  }
0x124: {  	[sflag:s23] =	ssyncset.done $0x0  }
0x125: {  	s20 =	simm.s32 $0x580;
	[sflag:s23] =	ssyncadd.s32 $0xFFFFC000  }
0x126: {  	[tilespmem:s26], [sflag:$0x2] =	stream.indirect.gather [hbm4b:s4+s25], $0x80, s20, s25, $0xb8;
	[tilespmem:$0x1D000] =	vst v63  }
0x127: {  	_ =	swait.ge [sflag:s28], $0x4000  }
0x128: {  	[sflag:s28] =	ssyncset.done $0x0  }
0x129: {  	s20 =	simm.s32 $0xD00;
	[sflag:s28] =	ssyncadd.s32 $0xFFFFC000  }
0x12a: {  	[spmem:s2] =	stream.indirect.scatter.add.f32 [tilespmem:s22], [sflag:$0x3], $0x80, s20, s25, $0xb8;
	[tilespmem:$0x1D000] =	vst v63  }
0x12b: {  	_ =	swait.ge [sflag:s23], $0x4000  }
0x12c: {  	[sflag:s23] =	ssyncset.done $0x0  }
0x12d: {  	s12 =	simm.s32 $0x600;
	[sflag:s23] =	ssyncadd.s32 $0xFFFFC000  }
0x12e: {  	[tilespmem:s22], [sflag:$0x1] =	stream.indirect.gather [hbm4b:s4+s25], $0x80, s12, s25, $0xb8;
	[tilespmem:$0x1D000] =	vst v63  }
0x12f: {  	_ =	swait.ge [sflag:s30], $0x4000  }
0x130: {  	[sflag:s30] =	ssyncset.done $0x0  }
0x131: {  	s12 =	simm.s32 $0xD80;
	[sflag:s30] =	ssyncadd.s32 $0xFFFFC000  }
0x132: {  	[spmem:s2] =	stream.indirect.scatter.add.f32 [tilespmem:s26], [sflag:$0x3], $0x80, s12, s25, $0xb8;
	[tilespmem:$0x1D000] =	vst v63  }
0x133: {  	_ =	swait.ge [sflag:s23], $0x4000  }
0x134: {  	[sflag:s23] =	ssyncset.done $0x0  }
0x135: {  	s6 =	simm.s32 $0x680;
	[sflag:s23] =	ssyncadd.s32 $0xFFFFC000  }
0x136: {  	[tilespmem:s26], [sflag:$0x2] =	stream.indirect.gather [hbm4b:s4+s25], $0x80, s6, s25, $0xb8;
	[tilespmem:$0x1D000] =	vst v63  }
0x137: {  	_ =	swait.ge [sflag:s28], $0x4000  }
0x138: {  	[sflag:s28] =	ssyncset.done $0x0  }
0x139: {  	s7 =	simm.s32 $0xE00;
	[sflag:s28] =	ssyncadd.s32 $0xFFFFC000  }
0x13a: {  	[spmem:s2] =	stream.indirect.scatter.add.f32 [tilespmem:s22], [sflag:$0x3], $0x80, s7, s25, $0xb8;
	[tilespmem:$0x1D000] =	vst v63  }
0x13b: {  	_ =	swait.ge [sflag:s23], $0x4000  }
0x13c: {  	[sflag:s23] =	ssyncset.done $0x0  }
0x13d: {  	s12 =	simm.s32 $0x700;
	[sflag:s23] =	ssyncadd.s32 $0xFFFFC000  }
0x13e: {  	[tilespmem:s22], [sflag:$0x1] =	stream.indirect.gather [hbm4b:s4+s25], $0x80, s12, s25, $0xb8;
	[tilespmem:$0x1D000] =	vst v63  }
0x13f: {  	_ =	swait.ge [sflag:s30], $0x4000  }
0x140: {  	[sflag:s30] =	ssyncset.done $0x0  }
0x141: {  	s9 =	simm.s32 $0xE80;
	[sflag:s30] =	ssyncadd.s32 $0xFFFFC000  }
0x142: {  	[spmem:s2] =	stream.indirect.scatter.add.f32 [tilespmem:s26], [sflag:$0x3], $0x80, s9, s25, $0xb8;
	[tilespmem:$0x1D000] =	vst v63  }
0x143: {  	_ =	swait.ge [sflag:s23], $0x4000  }
0x144: {  	[sflag:s23] =	ssyncset.done $0x0  }
0x145: {  	s10 =	simm.s32 $0x780;
	[sflag:s23] =	ssyncadd.s32 $0xFFFFC000  }
0x146: {  	[tilespmem:s26], [sflag:$0x2] =	stream.indirect.gather [hbm4b:s4+s25], $0x80, s10, s25, $0xb8;
	[tilespmem:$0x1D000] =	vst v63  }
0x147: {  	_ =	swait.ge [sflag:s28], $0x4000  }
0x148: {  	[sflag:s28] =	ssyncset.done $0x0  }
0x149: {  	s13 =	simm.s32 $0xF00;
	[sflag:s28] =	ssyncadd.s32 $0xFFFFC000  }
0x14a: {  	[spmem:s2] =	stream.indirect.scatter.add.f32 [tilespmem:s22], [sflag:$0x3], $0x80, s13, s25, $0xb8;
	[tilespmem:$0x1D000] =	vst v63  }
0x14b: {  	_ =	swait.ge [sflag:s23], $0x4000  }
0x14c: {  	[sflag:s23] =	ssyncset.done $0x0  }
0x14d: {  	[sflag:s23] =	ssyncadd.s32 $0xFFFFC000  }
0x14e: {  	_ =	swait.ge [sflag:s30], $0x4000  }
0x14f: {  	[sflag:s30] =	ssyncset.done $0x0  }
0x150: {  	s14 =	simm.s32 $0xF80;
	[sflag:s30] =	ssyncadd.s32 $0xFFFFC000  }
0x151: {  	[spmem:s2] =	stream.indirect.scatter.add.f32 [tilespmem:s26], [sflag:$0x3], $0x80, s14, s25, $0xb8;
	[tilespmem:$0x1D000] =	vst v63  }
0x152: {  	_ =	swait.ge [sflag:s23], $0x4000  }
0x153: {  	[sflag:s23] =	ssyncset.done $0x0  }
0x154: {  	s12 =	rddreg [dreg:$0x9];
	[sflag:s23] =	ssyncadd.s32 $0xFFFFC000  }
0x155: {  	[tilespmem:s8], [sflag:$0x3] =	stream.linear.gather [hbm4b:s12+s8], $0x800, $0x38;
	[tilespmem:$0x1D000] =	vst v63  }
0x156: {  	_ =	swait.ge [sflag:s23], $0x800  }
0x157: {  	[sflag:s23] =	ssyncset.done $0x0  }
0x158: {  	s12 =	rddreg [dreg:$0xa];
	[sflag:s23] =	ssyncadd.s32 $0xFFFFF800  }
0x159: {  	[tilespmem:s1], [sflag:$0x3] =	stream.linear.gather [hbm4b:s12+s8], $0x800, $0x38;
	[tilespmem:$0x1D000] =	vst v63  }
0x15a: {  	_ =	swait.ge [sflag:s23], $0x800  }
0x15b: {  	[sflag:s23] =	ssyncset.done $0x0  }
0x15c: {  	[sflag:s23] =	ssyncadd.s32 $0xFFFFF800  }
0x15d: {  	[tilespmem:s22], [sflag:$0x1] =	stream.indirect.gather [hbm4b:s4+s25], $0x80, s8, s25, $0xb8;
	[tilespmem:$0x1D000] =	vst v63  }
0x15e: {  	_ = 	snop  }
0x15f: {  	[tilespmem:s26], [sflag:$0x2] =	stream.indirect.gather [hbm4b:s4+s25], $0x80, s25, s25, $0xb8;
	[tilespmem:$0x1D000] =	vst v63  }
0x160: {  	_ =	swait.ge [sflag:s28], $0x4000  }
0x161: {  	[sflag:s28] =	ssyncset.done $0x0  }
0x162: {  	[sflag:s28] =	ssyncadd.s32 $0xFFFFC000  }
0x163: {  	[spmem:s2] =	stream.indirect.scatter.add.f32 [tilespmem:s22], [sflag:$0x3], $0x80, s1, s25, $0xb8;
	[tilespmem:$0x1D000] =	vst v63  }
0x164: {  	_ =	swait.ge [sflag:s23], $0x4000  }
0x165: {  	[sflag:s23] =	ssyncset.done $0x0  }
0x166: {  	s12 =	simm.s32 $0x100;
	[sflag:s23] =	ssyncadd.s32 $0xFFFFC000  }
0x167: {  	[tilespmem:s22], [sflag:$0x1] =	stream.indirect.gather [hbm4b:s4+s25], $0x80, s12, s25, $0xb8;
	[tilespmem:$0x1D000] =	vst v63  }
0x168: {  	_ =	swait.ge [sflag:s30], $0x4000  }
0x169: {  	[sflag:s30] =	ssyncset.done $0x0  }
0x16a: {  	s12 =	simm.s32 $0x880;
	[sflag:s30] =	ssyncadd.s32 $0xFFFFC000  }
0x16b: {  	[spmem:s2] =	stream.indirect.scatter.add.f32 [tilespmem:s26], [sflag:$0x3], $0x80, s12, s25, $0xb8;
	[tilespmem:$0x1D000] =	vst v63  }
0x16c: {  	_ =	swait.ge [sflag:s23], $0x4000  }
0x16d: {  	[sflag:s23] =	ssyncset.done $0x0  }
0x16e: {  	s12 =	simm.s32 $0x180;
	[sflag:s23] =	ssyncadd.s32 $0xFFFFC000  }
0x16f: {  	[tilespmem:s26], [sflag:$0x2] =	stream.indirect.gather [hbm4b:s4+s25], $0x80, s12, s25, $0xb8;
	[tilespmem:$0x1D000] =	vst v63  }
0x170: {  	_ =	swait.ge [sflag:s28], $0x4000  }
0x171: {  	[sflag:s28] =	ssyncset.done $0x0  }
0x172: {  	s12 =	simm.s32 $0x900;
	[sflag:s28] =	ssyncadd.s32 $0xFFFFC000  }
0x173: {  	[spmem:s2] =	stream.indirect.scatter.add.f32 [tilespmem:s22], [sflag:$0x3], $0x80, s12, s25, $0xb8;
	[tilespmem:$0x1D000] =	vst v63  }
0x174: {  	_ =	swait.ge [sflag:s23], $0x4000  }
0x175: {  	[sflag:s23] =	ssyncset.done $0x0  }
0x176: {  	[sflag:s23] =	ssyncadd.s32 $0xFFFFC000  }
0x177: {  	[tilespmem:s22], [sflag:$0x1] =	stream.indirect.gather [hbm4b:s4+s25], $0x80, s21, s25, $0xb8;
	[tilespmem:$0x1D000] =	vst v63  }
0x178: {  	_ =	swait.ge [sflag:s30], $0x4000  }
0x179: {  	[sflag:s30] =	ssyncset.done $0x0  }
0x17a: {  	[sflag:s30] =	ssyncadd.s32 $0xFFFFC000  }
0x17b: {  	[spmem:s2] =	stream.indirect.scatter.add.f32 [tilespmem:s26], [sflag:$0x3], $0x80, s29, s25, $0xb8;
	[tilespmem:$0x1D000] =	vst v63  }
0x17c: {  	_ =	swait.ge [sflag:s23], $0x4000  }
0x17d: {  	[sflag:s23] =	ssyncset.done $0x0  }
0x17e: {  	[sflag:s23] =	ssyncadd.s32 $0xFFFFC000  }
0x17f: {  	[tilespmem:s26], [sflag:$0x2] =	stream.indirect.gather [hbm4b:s4+s25], $0x80, s31, s25, $0xb8;
	[tilespmem:$0x1D000] =	vst v63  }
0x180: {  	_ =	swait.ge [sflag:s28], $0x4000  }
0x181: {  	[sflag:s28] =	ssyncset.done $0x0  }
0x182: {  	[sflag:s28] =	ssyncadd.s32 $0xFFFFC000  }
0x183: {  	[spmem:s2] =	stream.indirect.scatter.add.f32 [tilespmem:s22], [sflag:$0x3], $0x80, s0, s25, $0xb8;
	[tilespmem:$0x1D000] =	vst v63  }
0x184: {  	_ =	swait.ge [sflag:s23], $0x4000  }
0x185: {  	[sflag:s23] =	ssyncset.done $0x0  }
0x186: {  	s12 =	simm.s32 $0x300;
	[sflag:s23] =	ssyncadd.s32 $0xFFFFC000  }
0x187: {  	[tilespmem:s22], [sflag:$0x1] =	stream.indirect.gather [hbm4b:s4+s25], $0x80, s12, s25, $0xb8;
	[tilespmem:$0x1D000] =	vst v63  }
0x188: {  	_ =	swait.ge [sflag:s30], $0x4000  }
0x189: {  	[sflag:s30] =	ssyncset.done $0x0  }
0x18a: {  	s12 =	simm.s32 $0xA80;
	[sflag:s30] =	ssyncadd.s32 $0xFFFFC000  }
0x18b: {  	[spmem:s2] =	stream.indirect.scatter.add.f32 [tilespmem:s26], [sflag:$0x3], $0x80, s12, s25, $0xb8;
	[tilespmem:$0x1D000] =	vst v63  }
0x18c: {  	_ =	swait.ge [sflag:s23], $0x4000  }
0x18d: {  	[sflag:s23] =	ssyncset.done $0x0  }
0x18e: {  	[sflag:s23] =	ssyncadd.s32 $0xFFFFC000  }
0x18f: {  	[tilespmem:s26], [sflag:$0x2] =	stream.indirect.gather [hbm4b:s4+s25], $0x80, s3, s25, $0xb8;
	[tilespmem:$0x1D000] =	vst v63  }
0x190: {  	_ =	swait.ge [sflag:s28], $0x4000  }
0x191: {  	[sflag:s28] =	ssyncset.done $0x0  }
0x192: {  	[sflag:s28] =	ssyncadd.s32 $0xFFFFC000  }
0x193: {  	[spmem:s2] =	stream.indirect.scatter.add.f32 [tilespmem:s22], [sflag:$0x3], $0x80, s5, s25, $0xb8;
	[tilespmem:$0x1D000] =	vst v63  }
0x194: {  	_ =	swait.ge [sflag:s23], $0x4000  }
0x195: {  	[sflag:s23] =	ssyncset.done $0x0  }
0x196: {  	[sflag:s23] =	ssyncadd.s32 $0xFFFFC000  }
0x197: {  	[tilespmem:s22], [sflag:$0x1] =	stream.indirect.gather [hbm4b:s4+s25], $0x80, s24, s25, $0xb8;
	[tilespmem:$0x1D000] =	vst v63  }
0x198: {  	_ =	swait.ge [sflag:s30], $0x4000  }
0x199: {  	[sflag:s30] =	ssyncset.done $0x0  }
0x19a: {  	[sflag:s30] =	ssyncadd.s32 $0xFFFFC000  }
0x19b: {  	[spmem:s2] =	stream.indirect.scatter.add.f32 [tilespmem:s26], [sflag:$0x3], $0x80, s15, s25, $0xb8;
	[tilespmem:$0x1D000] =	vst v63  }
0x19c: {  	_ =	swait.ge [sflag:s23], $0x4000  }
0x19d: {  	[sflag:s23] =	ssyncset.done $0x0  }
0x19e: {  	[sflag:s23] =	ssyncadd.s32 $0xFFFFC000  }
0x19f: {  	[tilespmem:s26], [sflag:$0x2] =	stream.indirect.gather [hbm4b:s4+s25], $0x80, s16, s25, $0xb8;
	[tilespmem:$0x1D000] =	vst v63  }
0x1a0: {  	_ =	swait.ge [sflag:s28], $0x4000  }
0x1a1: {  	[sflag:s28] =	ssyncset.done $0x0  }
0x1a2: {  	[sflag:s28] =	ssyncadd.s32 $0xFFFFC000  }
0x1a3: {  	[spmem:s2] =	stream.indirect.scatter.add.f32 [tilespmem:s22], [sflag:$0x3], $0x80, s17, s25, $0xb8;
	[tilespmem:$0x1D000] =	vst v63  }
0x1a4: {  	_ =	swait.ge [sflag:s23], $0x4000  }
0x1a5: {  	[sflag:s23] =	ssyncset.done $0x0  }
0x1a6: {  	[sflag:s23] =	ssyncadd.s32 $0xFFFFC000  }
0x1a7: {  	[tilespmem:s22], [sflag:$0x1] =	stream.indirect.gather [hbm4b:s4+s25], $0x80, s18, s25, $0xb8;
	[tilespmem:$0x1D000] =	vst v63  }
0x1a8: {  	_ =	swait.ge [sflag:s30], $0x4000  }
0x1a9: {  	[sflag:s30] =	ssyncset.done $0x0  }
0x1aa: {  	[sflag:s30] =	ssyncadd.s32 $0xFFFFC000  }
0x1ab: {  	[spmem:s2] =	stream.indirect.scatter.add.f32 [tilespmem:s26], [sflag:$0x3], $0x80, s19, s25, $0xb8;
	[tilespmem:$0x1D000] =	vst v63  }
0x1ac: {  	_ =	swait.ge [sflag:s23], $0x4000  }
0x1ad: {  	[sflag:s23] =	ssyncset.done $0x0  }
0x1ae: {  	s15 =	simm.s32 $0x580;
	[sflag:s23] =	ssyncadd.s32 $0xFFFFC000  }
0x1af: {  	[tilespmem:s26], [sflag:$0x2] =	stream.indirect.gather [hbm4b:s4+s25], $0x80, s15, s25, $0xb8;
	[tilespmem:$0x1D000] =	vst v63  }
0x1b0: {  	_ =	swait.ge [sflag:s28], $0x4000  }
0x1b1: {  	[sflag:s28] =	ssyncset.done $0x0  }
0x1b2: {  	s20 =	simm.s32 $0xD00;
	[sflag:s28] =	ssyncadd.s32 $0xFFFFC000  }
0x1b3: {  	[spmem:s2] =	stream.indirect.scatter.add.f32 [tilespmem:s22], [sflag:$0x3], $0x80, s20, s25, $0xb8;
	[tilespmem:$0x1D000] =	vst v63  }
0x1b4: {  	_ =	swait.ge [sflag:s23], $0x4000  }
0x1b5: {  	[sflag:s23] =	ssyncset.done $0x0  }
0x1b6: {  	s24 =	simm.s32 $0x600;
	[sflag:s23] =	ssyncadd.s32 $0xFFFFC000  }
0x1b7: {  	[tilespmem:s22], [sflag:$0x1] =	stream.indirect.gather [hbm4b:s4+s25], $0x80, s24, s25, $0xb8;
	[tilespmem:$0x1D000] =	vst v63  }
0x1b8: {  	_ =	swait.ge [sflag:s30], $0x4000  }
0x1b9: {  	[sflag:s30] =	ssyncset.done $0x0  }
0x1ba: {  	s5 =	simm.s32 $0xD80;
	[sflag:s30] =	ssyncadd.s32 $0xFFFFC000  }
0x1bb: {  	[spmem:s2] =	stream.indirect.scatter.add.f32 [tilespmem:s26], [sflag:$0x3], $0x80, s5, s25, $0xb8;
	[tilespmem:$0x1D000] =	vst v63  }
0x1bc: {  	_ =	swait.ge [sflag:s23], $0x4000  }
0x1bd: {  	[sflag:s23] =	ssyncset.done $0x0  }
0x1be: {  	s6 =	simm.s32 $0x680;
	[sflag:s23] =	ssyncadd.s32 $0xFFFFC000  }
0x1bf: {  	[tilespmem:s26], [sflag:$0x2] =	stream.indirect.gather [hbm4b:s4+s25], $0x80, s6, s25, $0xb8;
	[tilespmem:$0x1D000] =	vst v63  }
0x1c0: {  	_ =	swait.ge [sflag:s28], $0x4000  }
0x1c1: {  	[sflag:s28] =	ssyncset.done $0x0  }
0x1c2: {  	s7 =	simm.s32 $0xE00;
	[sflag:s28] =	ssyncadd.s32 $0xFFFFC000  }
0x1c3: {  	[spmem:s2] =	stream.indirect.scatter.add.f32 [tilespmem:s22], [sflag:$0x3], $0x80, s7, s25, $0xb8;
	[tilespmem:$0x1D000] =	vst v63  }
0x1c4: {  	_ =	swait.ge [sflag:s23], $0x4000  }
0x1c5: {  	[sflag:s23] =	ssyncset.done $0x0  }
0x1c6: {  	s7 =	simm.s32 $0x700;
	[sflag:s23] =	ssyncadd.s32 $0xFFFFC000  }
0x1c7: {  	[tilespmem:s22], [sflag:$0x1] =	stream.indirect.gather [hbm4b:s4+s25], $0x80, s7, s25, $0xb8;
	[tilespmem:$0x1D000] =	vst v63  }
0x1c8: {  	_ =	swait.ge [sflag:s30], $0x4000  }
0x1c9: {  	[sflag:s30] =	ssyncset.done $0x0  }
0x1ca: {  	s9 =	simm.s32 $0xE80;
	[sflag:s30] =	ssyncadd.s32 $0xFFFFC000  }
0x1cb: {  	[spmem:s2] =	stream.indirect.scatter.add.f32 [tilespmem:s26], [sflag:$0x3], $0x80, s9, s25, $0xb8;
	[tilespmem:$0x1D000] =	vst v63  }
0x1cc: {  	_ =	swait.ge [sflag:s23], $0x4000  }
0x1cd: {  	[sflag:s23] =	ssyncset.done $0x0  }
0x1ce: {  	s10 =	simm.s32 $0x780;
	[sflag:s23] =	ssyncadd.s32 $0xFFFFC000  }
0x1cf: {  	[tilespmem:s26], [sflag:$0x2] =	stream.indirect.gather [hbm4b:s4+s25], $0x80, s10, s25, $0xb8;
	[tilespmem:$0x1D000] =	vst v63  }
0x1d0: {  	_ =	swait.ge [sflag:s28], $0x4000  }
0x1d1: {  	[sflag:s28] =	ssyncset.done $0x0  }
0x1d2: {  	s13 =	simm.s32 $0xF00;
	[sflag:s28] =	ssyncadd.s32 $0xFFFFC000  }
0x1d3: {  	[spmem:s2] =	stream.indirect.scatter.add.f32 [tilespmem:s22], [sflag:$0x3], $0x80, s13, s25, $0xb8;
	[tilespmem:$0x1D000] =	vst v63  }
0x1d4: {  	_ =	swait.ge [sflag:s23], $0x4000  }
0x1d5: {  	[sflag:s23] =	ssyncset.done $0x0  }
0x1d6: {  	[sflag:s23] =	ssyncadd.s32 $0xFFFFC000  }
0x1d7: {  	_ =	swait.ge [sflag:s30], $0x4000  }
0x1d8: {  	[sflag:s30] =	ssyncset.done $0x0  }
0x1d9: {  	s14 =	simm.s32 $0xF80;
	[sflag:s30] =	ssyncadd.s32 $0xFFFFC000  }
0x1da: {  	[spmem:s2] =	stream.indirect.scatter.add.f32 [tilespmem:s26], [sflag:$0x3], $0x80, s14, s25, $0xb8;
	[tilespmem:$0x1D000] =	vst v63  }
0x1db: {  	_ =	swait.ge [sflag:s23], $0x4000  }
0x1dc: {  	[sflag:s23] =	ssyncset.done $0x0  }
0x1dd: {  	s9 =	rddreg [dreg:$0xb];
	[sflag:s23] =	ssyncadd.s32 $0xFFFFC000  }
0x1de: {  	[tilespmem:s8], [sflag:$0x3] =	stream.linear.gather [hbm4b:s9+s8], $0x800, $0x38;
	[tilespmem:$0x1D000] =	vst v63  }
0x1df: {  	_ =	swait.ge [sflag:s23], $0x800  }
0x1e0: {  	[sflag:s23] =	ssyncset.done $0x0  }
0x1e1: {  	s10 =	rddreg [dreg:$0xc];
	[sflag:s23] =	ssyncadd.s32 $0xFFFFF800  }
0x1e2: {  	[tilespmem:s1], [sflag:$0x3] =	stream.linear.gather [hbm4b:s10+s8], $0x800, $0x38;
	[tilespmem:$0x1D000] =	vst v63  }
0x1e3: {  	_ =	swait.ge [sflag:s23], $0x800  }
0x1e4: {  	[sflag:s23] =	ssyncset.done $0x0  }
0x1e5: {  	[sflag:s23] =	ssyncadd.s32 $0xFFFFF800  }
0x1e6: {  	[tilespmem:s22], [sflag:$0x1] =	stream.indirect.gather [hbm4b:s4+s25], $0x80, s8, s25, $0xb8;
	[tilespmem:$0x1D000] =	vst v63  }
0x1e7: {  	_ = 	snop  }
0x1e8: {  	[tilespmem:s26], [sflag:$0x2] =	stream.indirect.gather [hbm4b:s4+s25], $0x80, s25, s25, $0xb8;
	[tilespmem:$0x1D000] =	vst v63  }
0x1e9: {  	_ =	swait.ge [sflag:s28], $0x4000  }
0x1ea: {  	[sflag:s28] =	ssyncset.done $0x0  }
0x1eb: {  	[sflag:s28] =	ssyncadd.s32 $0xFFFFC000  }
0x1ec: {  	[spmem:s2] =	stream.indirect.scatter.add.f32 [tilespmem:s22], [sflag:$0x3], $0x80, s1, s25, $0xb8;
	[tilespmem:$0x1D000] =	vst v63  }
0x1ed: {  	_ =	swait.ge [sflag:s23], $0x4000  }
0x1ee: {  	[sflag:s23] =	ssyncset.done $0x0  }
0x1ef: {  	s12 =	simm.s32 $0x100;
	[sflag:s23] =	ssyncadd.s32 $0xFFFFC000  }
0x1f0: {  	[tilespmem:s22], [sflag:$0x1] =	stream.indirect.gather [hbm4b:s4+s25], $0x80, s12, s25, $0xb8;
	[tilespmem:$0x1D000] =	vst v63  }
0x1f1: {  	_ =	swait.ge [sflag:s30], $0x4000  }
0x1f2: {  	[sflag:s30] =	ssyncset.done $0x0  }
0x1f3: {  	s13 =	simm.s32 $0x880;
	[sflag:s30] =	ssyncadd.s32 $0xFFFFC000  }
0x1f4: {  	[spmem:s2] =	stream.indirect.scatter.add.f32 [tilespmem:s26], [sflag:$0x3], $0x80, s13, s25, $0xb8;
	[tilespmem:$0x1D000] =	vst v63  }
0x1f5: {  	_ =	swait.ge [sflag:s23], $0x4000  }
0x1f6: {  	[sflag:s23] =	ssyncset.done $0x0  }
0x1f7: {  	s14 =	simm.s32 $0x180;
	[sflag:s23] =	ssyncadd.s32 $0xFFFFC000  }
0x1f8: {  	[tilespmem:s26], [sflag:$0x2] =	stream.indirect.gather [hbm4b:s4+s25], $0x80, s14, s25, $0xb8;
	[tilespmem:$0x1D000] =	vst v63  }
0x1f9: {  	_ =	swait.ge [sflag:s28], $0x4000  }
0x1fa: {  	[sflag:s28] =	ssyncset.done $0x0  }
0x1fb: {  	s5 =	simm.s32 $0x900;
	[sflag:s28] =	ssyncadd.s32 $0xFFFFC000  }
0x1fc: {  	[spmem:s2] =	stream.indirect.scatter.add.f32 [tilespmem:s22], [sflag:$0x3], $0x80, s5, s25, $0xb8;
	[tilespmem:$0x1D000] =	vst v63  }
0x1fd: {  	_ =	swait.ge [sflag:s23], $0x4000  }
0x1fe: {  	[sflag:s23] =	ssyncset.done $0x0  }
0x1ff: {  	s21 =	simm.s32 $0x200;
	[sflag:s23] =	ssyncadd.s32 $0xFFFFC000  }
0x200: {  	[tilespmem:s22], [sflag:$0x1] =	stream.indirect.gather [hbm4b:s4+s25], $0x80, s21, s25, $0xb8;
	[tilespmem:$0x1D000] =	vst v63  }
0x201: {  	_ =	swait.ge [sflag:s30], $0x4000  }
0x202: {  	[sflag:s30] =	ssyncset.done $0x0  }
0x203: {  	s29 =	simm.s32 $0x980;
	[sflag:s30] =	ssyncadd.s32 $0xFFFFC000  }
0x204: {  	[spmem:s2] =	stream.indirect.scatter.add.f32 [tilespmem:s26], [sflag:$0x3], $0x80, s29, s25, $0xb8;
	[tilespmem:$0x1D000] =	vst v63  }
0x205: {  	_ =	swait.ge [sflag:s23], $0x4000  }
0x206: {  	[sflag:s23] =	ssyncset.done $0x0  }
0x207: {  	s31 =	simm.s32 $0x280;
	[sflag:s23] =	ssyncadd.s32 $0xFFFFC000  }
0x208: {  	[tilespmem:s26], [sflag:$0x2] =	stream.indirect.gather [hbm4b:s4+s25], $0x80, s31, s25, $0xb8;
	[tilespmem:$0x1D000] =	vst v63  }
0x209: {  	_ =	swait.ge [sflag:s28], $0x4000  }
0x20a: {  	[sflag:s28] =	ssyncset.done $0x0  }
0x20b: {  	s6 =	simm.s32 $0xA00;
	[sflag:s28] =	ssyncadd.s32 $0xFFFFC000  }
0x20c: {  	[spmem:s2] =	stream.indirect.scatter.add.f32 [tilespmem:s22], [sflag:$0x3], $0x80, s6, s25, $0xb8;
	[tilespmem:$0x1D000] =	vst v63  }
0x20d: {  	_ =	swait.ge [sflag:s23], $0x4000  }
0x20e: {  	[sflag:s23] =	ssyncset.done $0x0  }
0x20f: {  	s7 =	simm.s32 $0x300;
	[sflag:s23] =	ssyncadd.s32 $0xFFFFC000  }
0x210: {  	[tilespmem:s22], [sflag:$0x1] =	stream.indirect.gather [hbm4b:s4+s25], $0x80, s7, s25, $0xb8;
	[tilespmem:$0x1D000] =	vst v63  }
0x211: {  	_ =	swait.ge [sflag:s30], $0x4000  }
0x212: {  	[sflag:s30] =	ssyncset.done $0x0  }
0x213: {  	s9 =	simm.s32 $0xA80;
	[sflag:s30] =	ssyncadd.s32 $0xFFFFC000  }
0x214: {  	[spmem:s2] =	stream.indirect.scatter.add.f32 [tilespmem:s26], [sflag:$0x3], $0x80, s9, s25, $0xb8;
	[tilespmem:$0x1D000] =	vst v63  }
0x215: {  	_ =	swait.ge [sflag:s23], $0x4000  }
0x216: {  	[sflag:s23] =	ssyncset.done $0x0  }
0x217: {  	s10 =	simm.s32 $0x380;
	[sflag:s23] =	ssyncadd.s32 $0xFFFFC000  }
0x218: {  	[tilespmem:s26], [sflag:$0x2] =	stream.indirect.gather [hbm4b:s4+s25], $0x80, s10, s25, $0xb8;
	[tilespmem:$0x1D000] =	vst v63  }
0x219: {  	_ =	swait.ge [sflag:s28], $0x4000  }
0x21a: {  	[sflag:s28] =	ssyncset.done $0x0  }
0x21b: {  	s12 =	simm.s32 $0xB00;
	[sflag:s28] =	ssyncadd.s32 $0xFFFFC000  }
0x21c: {  	[spmem:s2] =	stream.indirect.scatter.add.f32 [tilespmem:s22], [sflag:$0x3], $0x80, s12, s25, $0xb8;
	[tilespmem:$0x1D000] =	vst v63  }
0x21d: {  	_ =	swait.ge [sflag:s23], $0x4000  }
0x21e: {  	[sflag:s23] =	ssyncset.done $0x0  }
0x21f: {  	s0 =	simm.s32 $0x400;
	[sflag:s23] =	ssyncadd.s32 $0xFFFFC000  }
0x220: {  	[tilespmem:s22], [sflag:$0x1] =	stream.indirect.gather [hbm4b:s4+s25], $0x80, s0, s25, $0xb8;
	[tilespmem:$0x1D000] =	vst v63  }
0x221: {  	_ =	swait.ge [sflag:s30], $0x4000  }
0x222: {  	[sflag:s30] =	ssyncset.done $0x0  }
0x223: {  	s13 =	simm.s32 $0xB80;
	[sflag:s30] =	ssyncadd.s32 $0xFFFFC000  }
0x224: {  	[spmem:s2] =	stream.indirect.scatter.add.f32 [tilespmem:s26], [sflag:$0x3], $0x80, s13, s25, $0xb8;
	[tilespmem:$0x1D000] =	vst v63  }
0x225: {  	_ =	swait.ge [sflag:s23], $0x4000  }
0x226: {  	[sflag:s23] =	ssyncset.done $0x0  }
0x227: {  	s16 =	simm.s32 $0x480;
	[sflag:s23] =	ssyncadd.s32 $0xFFFFC000  }
0x228: {  	[tilespmem:s26], [sflag:$0x2] =	stream.indirect.gather [hbm4b:s4+s25], $0x80, s16, s25, $0xb8;
	[tilespmem:$0x1D000] =	vst v63  }
0x229: {  	_ =	swait.ge [sflag:s28], $0x4000  }
0x22a: {  	[sflag:s28] =	ssyncset.done $0x0  }
0x22b: {  	s17 =	simm.s32 $0xC00;
	[sflag:s28] =	ssyncadd.s32 $0xFFFFC000  }
0x22c: {  	[spmem:s2] =	stream.indirect.scatter.add.f32 [tilespmem:s22], [sflag:$0x3], $0x80, s17, s25, $0xb8;
	[tilespmem:$0x1D000] =	vst v63  }
0x22d: {  	_ =	swait.ge [sflag:s23], $0x4000  }
0x22e: {  	[sflag:s23] =	ssyncset.done $0x0  }
0x22f: {  	s18 =	simm.s32 $0x500;
	[sflag:s23] =	ssyncadd.s32 $0xFFFFC000  }
0x230: {  	[tilespmem:s22], [sflag:$0x1] =	stream.indirect.gather [hbm4b:s4+s25], $0x80, s18, s25, $0xb8;
	[tilespmem:$0x1D000] =	vst v63  }
0x231: {  	_ =	swait.ge [sflag:s30], $0x4000  }
0x232: {  	[sflag:s30] =	ssyncset.done $0x0  }
0x233: {  	s19 =	simm.s32 $0xC80;
	[sflag:s30] =	ssyncadd.s32 $0xFFFFC000  }
0x234: {  	[spmem:s2] =	stream.indirect.scatter.add.f32 [tilespmem:s26], [sflag:$0x3], $0x80, s19, s25, $0xb8;
	[tilespmem:$0x1D000] =	vst v63  }
0x235: {  	_ =	swait.ge [sflag:s23], $0x4000  }
0x236: {  	[sflag:s23] =	ssyncset.done $0x0  }
0x237: {  	s19 =	simm.s32 $0x580;
	[sflag:s23] =	ssyncadd.s32 $0xFFFFC000  }
0x238: {  	[tilespmem:s26], [sflag:$0x2] =	stream.indirect.gather [hbm4b:s4+s25], $0x80, s19, s25, $0xb8;
	[tilespmem:$0x1D000] =	vst v63  }
0x239: {  	_ =	swait.ge [sflag:s28], $0x4000  }
0x23a: {  	[sflag:s28] =	ssyncset.done $0x0  }
0x23b: {  	s15 =	simm.s32 $0xD00;
	[sflag:s28] =	ssyncadd.s32 $0xFFFFC000  }
0x23c: {  	[spmem:s2] =	stream.indirect.scatter.add.f32 [tilespmem:s22], [sflag:$0x3], $0x80, s15, s25, $0xb8;
	[tilespmem:$0x1D000] =	vst v63  }
0x23d: {  	_ =	swait.ge [sflag:s23], $0x4000  }
0x23e: {  	[sflag:s23] =	ssyncset.done $0x0  }
0x23f: {  	s20 =	simm.s32 $0x600;
	[sflag:s23] =	ssyncadd.s32 $0xFFFFC000  }
0x240: {  	[tilespmem:s22], [sflag:$0x1] =	stream.indirect.gather [hbm4b:s4+s25], $0x80, s20, s25, $0xb8;
	[tilespmem:$0x1D000] =	vst v63  }
0x241: {  	_ =	swait.ge [sflag:s30], $0x4000  }
0x242: {  	[sflag:s30] =	ssyncset.done $0x0  }
0x243: {  	s24 =	simm.s32 $0xD80;
	[sflag:s30] =	ssyncadd.s32 $0xFFFFC000  }
0x244: {  	[spmem:s2] =	stream.indirect.scatter.add.f32 [tilespmem:s26], [sflag:$0x3], $0x80, s24, s25, $0xb8;
	[tilespmem:$0x1D000] =	vst v63  }
0x245: {  	_ =	swait.ge [sflag:s23], $0x4000  }
0x246: {  	[sflag:s23] =	ssyncset.done $0x0  }
0x247: {  	s24 =	simm.s32 $0x680;
	[sflag:s23] =	ssyncadd.s32 $0xFFFFC000  }
0x248: {  	[tilespmem:s26], [sflag:$0x2] =	stream.indirect.gather [hbm4b:s4+s25], $0x80, s24, s25, $0xb8;
	[tilespmem:$0x1D000] =	vst v63  }
0x249: {  	_ =	swait.ge [sflag:s28], $0x4000  }
0x24a: {  	[sflag:s28] =	ssyncset.done $0x0  }
0x24b: {  	s10 =	simm.s32 $0xE00;
	[sflag:s28] =	ssyncadd.s32 $0xFFFFC000  }
0x24c: {  	[spmem:s2] =	stream.indirect.scatter.add.f32 [tilespmem:s22], [sflag:$0x3], $0x80, s10, s25, $0xb8;
	[tilespmem:$0x1D000] =	vst v63  }
0x24d: {  	_ =	swait.ge [sflag:s23], $0x4000  }
0x24e: {  	[sflag:s23] =	ssyncset.done $0x0  }
0x24f: {  	s12 =	simm.s32 $0x700;
	[sflag:s23] =	ssyncadd.s32 $0xFFFFC000  }
0x250: {  	[tilespmem:s22], [sflag:$0x1] =	stream.indirect.gather [hbm4b:s4+s25], $0x80, s12, s25, $0xb8;
	[tilespmem:$0x1D000] =	vst v63  }
0x251: {  	_ =	swait.ge [sflag:s30], $0x4000  }
0x252: {  	[sflag:s30] =	ssyncset.done $0x0  }
0x253: {  	s13 =	simm.s32 $0xE80;
	[sflag:s30] =	ssyncadd.s32 $0xFFFFC000  }
0x254: {  	[spmem:s2] =	stream.indirect.scatter.add.f32 [tilespmem:s26], [sflag:$0x3], $0x80, s13, s25, $0xb8;
	[tilespmem:$0x1D000] =	vst v63  }
0x255: {  	_ =	swait.ge [sflag:s23], $0x4000  }
0x256: {  	[sflag:s23] =	ssyncset.done $0x0  }
0x257: {  	s12 =	simm.s32 $0x780;
	[sflag:s23] =	ssyncadd.s32 $0xFFFFC000  }
0x258: {  	[tilespmem:s26], [sflag:$0x2] =	stream.indirect.gather [hbm4b:s4+s25], $0x80, s12, s25, $0xb8;
	[tilespmem:$0x1D000] =	vst v63  }
0x259: {  	_ =	swait.ge [sflag:s28], $0x4000  }
0x25a: {  	[sflag:s28] =	ssyncset.done $0x0  }
0x25b: {  	s12 =	simm.s32 $0xF00;
	[sflag:s28] =	ssyncadd.s32 $0xFFFFC000  }
0x25c: {  	[spmem:s2] =	stream.indirect.scatter.add.f32 [tilespmem:s22], [sflag:$0x3], $0x80, s12, s25, $0xb8;
	[tilespmem:$0x1D000] =	vst v63  }
0x25d: {  	_ =	swait.ge [sflag:s23], $0x4000  }
0x25e: {  	[sflag:s23] =	ssyncset.done $0x0  }
0x25f: {  	[sflag:s23] =	ssyncadd.s32 $0xFFFFC000  }
0x260: {  	_ =	swait.ge [sflag:s30], $0x4000  }
0x261: {  	[sflag:s30] =	ssyncset.done $0x0  }
0x262: {  	s12 =	simm.s32 $0xF80;
	[sflag:s30] =	ssyncadd.s32 $0xFFFFC000  }
0x263: {  	[spmem:s2] =	stream.indirect.scatter.add.f32 [tilespmem:s26], [sflag:$0x3], $0x80, s12, s25, $0xb8;
	[tilespmem:$0x1D000] =	vst v63  }
0x264: {  	_ =	swait.ge [sflag:s23], $0x4000  }
0x265: {  	[sflag:s23] =	ssyncset.done $0x0  }
0x266: {  	s12 =	rddreg [dreg:$0xd];
	[sflag:s23] =	ssyncadd.s32 $0xFFFFC000  }
0x267: {  	[tilespmem:s8], [sflag:$0x3] =	stream.linear.gather [hbm4b:s12+s8], $0x800, $0x38;
	[tilespmem:$0x1D000] =	vst v63  }
0x268: {  	_ =	swait.ge [sflag:s23], $0x800  }
0x269: {  	[sflag:s23] =	ssyncset.done $0x0  }
0x26a: {  	s12 =	rddreg [dreg:$0xe];
	[sflag:s23] =	ssyncadd.s32 $0xFFFFF800  }
0x26b: {  	[tilespmem:s1], [sflag:$0x3] =	stream.linear.gather [hbm4b:s12+s8], $0x800, $0x38;
	[tilespmem:$0x1D000] =	vst v63  }
0x26c: {  	_ =	swait.ge [sflag:s23], $0x800  }
0x26d: {  	[sflag:s23] =	ssyncset.done $0x0  }
0x26e: {  	[sflag:s23] =	ssyncadd.s32 $0xFFFFF800  }
0x26f: {  	[tilespmem:s22], [sflag:$0x1] =	stream.indirect.gather [hbm4b:s4+s25], $0x80, s8, s25, $0xb8;
	[tilespmem:$0x1D000] =	vst v63  }
0x270: {  	_ = 	snop  }
0x271: {  	[tilespmem:s26], [sflag:$0x2] =	stream.indirect.gather [hbm4b:s4+s25], $0x80, s25, s25, $0xb8;
	[tilespmem:$0x1D000] =	vst v63  }
0x272: {  	_ =	swait.ge [sflag:s28], $0x4000  }
0x273: {  	[sflag:s28] =	ssyncset.done $0x0  }
0x274: {  	[sflag:s28] =	ssyncadd.s32 $0xFFFFC000  }
0x275: {  	[spmem:s2] =	stream.indirect.scatter.add.f32 [tilespmem:s22], [sflag:$0x3], $0x80, s1, s25, $0xb8;
	[tilespmem:$0x1D000] =	vst v63  }
0x276: {  	_ =	swait.ge [sflag:s23], $0x4000  }
0x277: {  	[sflag:s23] =	ssyncset.done $0x0  }
0x278: {  	s12 =	simm.s32 $0x100;
	[sflag:s23] =	ssyncadd.s32 $0xFFFFC000  }
0x279: {  	[tilespmem:s22], [sflag:$0x1] =	stream.indirect.gather [hbm4b:s4+s25], $0x80, s12, s25, $0xb8;
	[tilespmem:$0x1D000] =	vst v63  }
0x27a: {  	_ =	swait.ge [sflag:s30], $0x4000  }
0x27b: {  	[sflag:s30] =	ssyncset.done $0x0  }
0x27c: {  	s12 =	simm.s32 $0x880;
	[sflag:s30] =	ssyncadd.s32 $0xFFFFC000  }
0x27d: {  	[spmem:s2] =	stream.indirect.scatter.add.f32 [tilespmem:s26], [sflag:$0x3], $0x80, s12, s25, $0xb8;
	[tilespmem:$0x1D000] =	vst v63  }
0x27e: {  	_ =	swait.ge [sflag:s23], $0x4000  }
0x27f: {  	[sflag:s23] =	ssyncset.done $0x0  }
0x280: {  	s12 =	simm.s32 $0x180;
	[sflag:s23] =	ssyncadd.s32 $0xFFFFC000  }
0x281: {  	[tilespmem:s26], [sflag:$0x2] =	stream.indirect.gather [hbm4b:s4+s25], $0x80, s12, s25, $0xb8;
	[tilespmem:$0x1D000] =	vst v63  }
0x282: {  	_ =	swait.ge [sflag:s28], $0x4000  }
0x283: {  	[sflag:s28] =	ssyncset.done $0x0  }
0x284: {  	s12 =	simm.s32 $0x900;
	[sflag:s28] =	ssyncadd.s32 $0xFFFFC000  }
0x285: {  	[spmem:s2] =	stream.indirect.scatter.add.f32 [tilespmem:s22], [sflag:$0x3], $0x80, s12, s25, $0xb8;
	[tilespmem:$0x1D000] =	vst v63  }
0x286: {  	_ =	swait.ge [sflag:s23], $0x4000  }
0x287: {  	[sflag:s23] =	ssyncset.done $0x0  }
0x288: {  	s3 =	simm.s32 $0x200;
	[sflag:s23] =	ssyncadd.s32 $0xFFFFC000  }
0x289: {  	[tilespmem:s22], [sflag:$0x1] =	stream.indirect.gather [hbm4b:s4+s25], $0x80, s3, s25, $0xb8;
	[tilespmem:$0x1D000] =	vst v63  }
0x28a: {  	_ =	swait.ge [sflag:s30], $0x4000  }
0x28b: {  	[sflag:s30] =	ssyncset.done $0x0  }
0x28c: {  	s21 =	simm.s32 $0x980;
	[sflag:s30] =	ssyncadd.s32 $0xFFFFC000  }
0x28d: {  	[spmem:s2] =	stream.indirect.scatter.add.f32 [tilespmem:s26], [sflag:$0x3], $0x80, s21, s25, $0xb8;
	[tilespmem:$0x1D000] =	vst v63  }
0x28e: {  	_ =	swait.ge [sflag:s23], $0x4000  }
0x28f: {  	[sflag:s23] =	ssyncset.done $0x0  }
0x290: {  	s29 =	simm.s32 $0x280;
	[sflag:s23] =	ssyncadd.s32 $0xFFFFC000  }
0x291: {  	[tilespmem:s26], [sflag:$0x2] =	stream.indirect.gather [hbm4b:s4+s25], $0x80, s29, s25, $0xb8;
	[tilespmem:$0x1D000] =	vst v63  }
0x292: {  	_ =	swait.ge [sflag:s28], $0x4000  }
0x293: {  	[sflag:s28] =	ssyncset.done $0x0  }
0x294: {  	s31 =	simm.s32 $0xA00;
	[sflag:s28] =	ssyncadd.s32 $0xFFFFC000  }
0x295: {  	[spmem:s2] =	stream.indirect.scatter.add.f32 [tilespmem:s22], [sflag:$0x3], $0x80, s31, s25, $0xb8;
	[tilespmem:$0x1D000] =	vst v63  }
0x296: {  	_ =	swait.ge [sflag:s23], $0x4000  }
0x297: {  	[sflag:s23] =	ssyncset.done $0x0  }
0x298: {  	s3 =	simm.s32 $0x300;
	[sflag:s23] =	ssyncadd.s32 $0xFFFFC000  }
0x299: {  	[tilespmem:s22], [sflag:$0x1] =	stream.indirect.gather [hbm4b:s4+s25], $0x80, s3, s25, $0xb8;
	[tilespmem:$0x1D000] =	vst v63  }
0x29a: {  	_ =	swait.ge [sflag:s30], $0x4000  }
0x29b: {  	[sflag:s30] =	ssyncset.done $0x0  }
0x29c: {  	s12 =	simm.s32 $0xA80;
	[sflag:s30] =	ssyncadd.s32 $0xFFFFC000  }
0x29d: {  	[spmem:s2] =	stream.indirect.scatter.add.f32 [tilespmem:s26], [sflag:$0x3], $0x80, s12, s25, $0xb8;
	[tilespmem:$0x1D000] =	vst v63  }
0x29e: {  	_ =	swait.ge [sflag:s23], $0x4000  }
0x29f: {  	[sflag:s23] =	ssyncset.done $0x0  }
0x2a0: {  	s5 =	simm.s32 $0x380;
	[sflag:s23] =	ssyncadd.s32 $0xFFFFC000  }
0x2a1: {  	[tilespmem:s26], [sflag:$0x2] =	stream.indirect.gather [hbm4b:s4+s25], $0x80, s5, s25, $0xb8;
	[tilespmem:$0x1D000] =	vst v63  }
0x2a2: {  	_ =	swait.ge [sflag:s28], $0x4000  }
0x2a3: {  	[sflag:s28] =	ssyncset.done $0x0  }
0x2a4: {  	s6 =	simm.s32 $0xB00;
	[sflag:s28] =	ssyncadd.s32 $0xFFFFC000  }
0x2a5: {  	[spmem:s2] =	stream.indirect.scatter.add.f32 [tilespmem:s22], [sflag:$0x3], $0x80, s6, s25, $0xb8;
	[tilespmem:$0x1D000] =	vst v63  }
0x2a6: {  	_ =	swait.ge [sflag:s23], $0x4000  }
0x2a7: {  	[sflag:s23] =	ssyncset.done $0x0  }
0x2a8: {  	s14 =	simm.s32 $0x400;
	[sflag:s23] =	ssyncadd.s32 $0xFFFFC000  }
0x2a9: {  	[tilespmem:s22], [sflag:$0x1] =	stream.indirect.gather [hbm4b:s4+s25], $0x80, s14, s25, $0xb8;
	[tilespmem:$0x1D000] =	vst v63  }
0x2aa: {  	_ =	swait.ge [sflag:s30], $0x4000  }
0x2ab: {  	[sflag:s30] =	ssyncset.done $0x0  }
0x2ac: {  	s9 =	simm.s32 $0xB80;
	[sflag:s30] =	ssyncadd.s32 $0xFFFFC000  }
0x2ad: {  	[spmem:s2] =	stream.indirect.scatter.add.f32 [tilespmem:s26], [sflag:$0x3], $0x80, s9, s25, $0xb8;
	[tilespmem:$0x1D000] =	vst v63  }
0x2ae: {  	_ =	swait.ge [sflag:s23], $0x4000  }
0x2af: {  	[sflag:s23] =	ssyncset.done $0x0  }
0x2b0: {  	s7 =	simm.s32 $0x480;
	[sflag:s23] =	ssyncadd.s32 $0xFFFFC000  }
0x2b1: {  	[tilespmem:s26], [sflag:$0x2] =	stream.indirect.gather [hbm4b:s4+s25], $0x80, s7, s25, $0xb8;
	[tilespmem:$0x1D000] =	vst v63  }
0x2b2: {  	_ =	swait.ge [sflag:s28], $0x4000  }
0x2b3: {  	[sflag:s28] =	ssyncset.done $0x0  }
0x2b4: {  	s16 =	simm.s32 $0xC00;
	[sflag:s28] =	ssyncadd.s32 $0xFFFFC000  }
0x2b5: {  	[spmem:s2] =	stream.indirect.scatter.add.f32 [tilespmem:s22], [sflag:$0x3], $0x80, s16, s25, $0xb8;
	[tilespmem:$0x1D000] =	vst v63  }
0x2b6: {  	_ =	swait.ge [sflag:s23], $0x4000  }
0x2b7: {  	[sflag:s23] =	ssyncset.done $0x0  }
0x2b8: {  	s17 =	simm.s32 $0x500;
	[sflag:s23] =	ssyncadd.s32 $0xFFFFC000  }
0x2b9: {  	[tilespmem:s22], [sflag:$0x1] =	stream.indirect.gather [hbm4b:s4+s25], $0x80, s17, s25, $0xb8;
	[tilespmem:$0x1D000] =	vst v63  }
0x2ba: {  	_ =	swait.ge [sflag:s30], $0x4000  }
0x2bb: {  	[sflag:s30] =	ssyncset.done $0x0  }
0x2bc: {  	s18 =	simm.s32 $0xC80;
	[sflag:s30] =	ssyncadd.s32 $0xFFFFC000  }
0x2bd: {  	[spmem:s2] =	stream.indirect.scatter.add.f32 [tilespmem:s26], [sflag:$0x3], $0x80, s18, s25, $0xb8;
	[tilespmem:$0x1D000] =	vst v63  }
0x2be: {  	_ =	swait.ge [sflag:s23], $0x4000  }
0x2bf: {  	[sflag:s23] =	ssyncset.done $0x0  }
0x2c0: {  	s16 =	simm.s32 $0x580;
	[sflag:s23] =	ssyncadd.s32 $0xFFFFC000  }
0x2c1: {  	[tilespmem:s26], [sflag:$0x2] =	stream.indirect.gather [hbm4b:s4+s25], $0x80, s16, s25, $0xb8;
	[tilespmem:$0x1D000] =	vst v63  }
0x2c2: {  	_ =	swait.ge [sflag:s28], $0x4000  }
0x2c3: {  	[sflag:s28] =	ssyncset.done $0x0  }
0x2c4: {  	s0 =	simm.s32 $0xD00;
	[sflag:s28] =	ssyncadd.s32 $0xFFFFC000  }
0x2c5: {  	[spmem:s2] =	stream.indirect.scatter.add.f32 [tilespmem:s22], [sflag:$0x3], $0x80, s0, s25, $0xb8;
	[tilespmem:$0x1D000] =	vst v63  }
0x2c6: {  	_ =	swait.ge [sflag:s23], $0x4000  }
0x2c7: {  	[sflag:s23] =	ssyncset.done $0x0  }
0x2c8: {  	s15 =	simm.s32 $0x600;
	[sflag:s23] =	ssyncadd.s32 $0xFFFFC000  }
0x2c9: {  	[tilespmem:s22], [sflag:$0x1] =	stream.indirect.gather [hbm4b:s4+s25], $0x80, s15, s25, $0xb8;
	[tilespmem:$0x1D000] =	vst v63  }
0x2ca: {  	_ =	swait.ge [sflag:s30], $0x4000  }
0x2cb: {  	[sflag:s30] =	ssyncset.done $0x0  }
0x2cc: {  	s19 =	simm.s32 $0xD80;
	[sflag:s30] =	ssyncadd.s32 $0xFFFFC000  }
0x2cd: {  	[spmem:s2] =	stream.indirect.scatter.add.f32 [tilespmem:s26], [sflag:$0x3], $0x80, s19, s25, $0xb8;
	[tilespmem:$0x1D000] =	vst v63  }
0x2ce: {  	_ =	swait.ge [sflag:s23], $0x4000  }
0x2cf: {  	[sflag:s23] =	ssyncset.done $0x0  }
0x2d0: {  	s20 =	simm.s32 $0x680;
	[sflag:s23] =	ssyncadd.s32 $0xFFFFC000  }
0x2d1: {  	[tilespmem:s26], [sflag:$0x2] =	stream.indirect.gather [hbm4b:s4+s25], $0x80, s20, s25, $0xb8;
	[tilespmem:$0x1D000] =	vst v63  }
0x2d2: {  	_ =	swait.ge [sflag:s28], $0x4000  }
0x2d3: {  	[sflag:s28] =	ssyncset.done $0x0  }
0x2d4: {  	s24 =	simm.s32 $0xE00;
	[sflag:s28] =	ssyncadd.s32 $0xFFFFC000  }
0x2d5: {  	[spmem:s2] =	stream.indirect.scatter.add.f32 [tilespmem:s22], [sflag:$0x3], $0x80, s24, s25, $0xb8;
	[tilespmem:$0x1D000] =	vst v63  }
0x2d6: {  	_ =	swait.ge [sflag:s23], $0x4000  }
0x2d7: {  	[sflag:s23] =	ssyncset.done $0x0  }
0x2d8: {  	s10 =	simm.s32 $0x700;
	[sflag:s23] =	ssyncadd.s32 $0xFFFFC000  }
0x2d9: {  	[tilespmem:s22], [sflag:$0x1] =	stream.indirect.gather [hbm4b:s4+s25], $0x80, s10, s25, $0xb8;
	[tilespmem:$0x1D000] =	vst v63  }
0x2da: {  	_ =	swait.ge [sflag:s30], $0x4000  }
0x2db: {  	[sflag:s30] =	ssyncset.done $0x0  }
0x2dc: {  	s13 =	simm.s32 $0xE80;
	[sflag:s30] =	ssyncadd.s32 $0xFFFFC000  }
0x2dd: {  	[spmem:s2] =	stream.indirect.scatter.add.f32 [tilespmem:s26], [sflag:$0x3], $0x80, s13, s25, $0xb8;
	[tilespmem:$0x1D000] =	vst v63  }
0x2de: {  	_ =	swait.ge [sflag:s23], $0x4000  }
0x2df: {  	[sflag:s23] =	ssyncset.done $0x0  }
0x2e0: {  	s17 =	simm.s32 $0x780;
	[sflag:s23] =	ssyncadd.s32 $0xFFFFC000  }
0x2e1: {  	[tilespmem:s26], [sflag:$0x2] =	stream.indirect.gather [hbm4b:s4+s25], $0x80, s17, s25, $0xb8;
	[tilespmem:$0x1D000] =	vst v63  }
0x2e2: {  	_ =	swait.ge [sflag:s28], $0x4000  }
0x2e3: {  	[sflag:s28] =	ssyncset.done $0x0  }
0x2e4: {  	s18 =	simm.s32 $0xF00;
	[sflag:s28] =	ssyncadd.s32 $0xFFFFC000  }
0x2e5: {  	[spmem:s2] =	stream.indirect.scatter.add.f32 [tilespmem:s22], [sflag:$0x3], $0x80, s18, s25, $0xb8;
	[tilespmem:$0x1D000] =	vst v63  }
0x2e6: {  	_ =	swait.ge [sflag:s23], $0x4000  }
0x2e7: {  	[sflag:s23] =	ssyncset.done $0x0  }
0x2e8: {  	[sflag:s23] =	ssyncadd.s32 $0xFFFFC000  }
0x2e9: {  	_ =	swait.ge [sflag:s30], $0x4000  }
0x2ea: {  	[sflag:s30] =	ssyncset.done $0x0  }
0x2eb: {  	s19 =	simm.s32 $0xF80;
	[sflag:s30] =	ssyncadd.s32 $0xFFFFC000  }
0x2ec: {  	[spmem:s2] =	stream.indirect.scatter.add.f32 [tilespmem:s26], [sflag:$0x3], $0x80, s19, s25, $0xb8;
	[tilespmem:$0x1D000] =	vst v63  }
0x2ed: {  	_ =	swait.ge [sflag:s23], $0x4000  }
0x2ee: {  	[sflag:s23] =	ssyncset.done $0x0  }
0x2ef: {  	[sflag:s23] =	ssyncadd.s32 $0xFFFFC000  }
0x2f0: {  	s20 =	stileid.u32;
	[bflag:$0x0] =	sbarrier.arrive $0xFFFF  }
0x2f1: {  	s12 =	sshll.u32 s20, $0x6;
	s21 =	rddreg [dreg:$0x5]  }
0x2f2: {  	s12 =	sor.u32 $0x1C03, s12;
	s29 =	rddreg [dreg:$0xf];
	s24 =	sshrl.u32 s21, $0x3  }
0x2f3: {  	[hbm:s29], [sflag:s12] =	dma.local [spmem:s24], $0x2800  }
0x2f4: {  	_ =	swait.ge [sflag:s23], $0x2800  }
0x2f5: {  	s11 =	sadd.s32 $0x1, s11;
	s31 =	rddreg [dreg:$0x10]  }
0x2f6: {  	p0 =	sne.s32 s11, s31  }
.Ltmp1:
0x2f7: {  	_ = 	snop;
	(pc) =	sbr.rel @p0 .LBB2_1-.Ltmp1, $3  }
0x2f8: {  	_ =	sdelay $0x1  }
0x2f9: {  	[sflag:s23] =	ssyncset.done $0x0  }
0x2fa: {  	[sflag:s23] =	ssyncadd.s32 $0xFFFFD800  }
0x2fb: {  	_ =	sfence.sel $0x180000  }
0x2fc: {  	[bflag:$0x0] =	sbarrier.arrive $0xFFFF  }
0x2fd: {  	_ =	strace $0x9000004A  }
0x2fe: {  	s0 =	stileid.u32;
	[bflag:$0x2] =	sbarrier.arrive $0xFFFF  }
0x2ff: {  	p0 =	sne.s32 s0, $0x0;
	s0 =	rddreg [dreg:$0x3]  }
0x300: {  	s0 =	sadd.s32 @!p0 $0x100000, s0  }
0x301: {  	[sflag:s0] =	ssyncadd.tile.s32 @!p0 $0x1;
	_ =	shalt  }
.Lfunc_end2:
_tile_overlayer_lowered:
.L_overlay_start_2:
0x302: {  	(tag) =	ssettag $0x2  }
0x303: {  	s0 =	rddreg [dreg:$0x0];
	s2 =	stileid.u32  }
0x304: {  	s1 =	rddreg [dreg:$0x1];
	p0 =	sne.s32 s2, $0x0  }
0x305: {  	s3 =	rddreg [dreg:$0x2];
	[bflag:$0x3] =	sbarrier.arrive $0xFFFF;
	s2 =	simm.s32 @!p0 $0x1C03  }
0x306: {  	[timem:s3], [sflag:s2] =	dma.local @!p0 [hbm:s0], s1  }
0x307: {  	s0 =	simm.s32 @!p0 $0x3  }
0x308: {  	_ =	swait.ge @!p0 [sflag:s0], s1  }
0x309: {  	s1 =	ssub.s32 @!p0 $0x0, s1;
	[sflag:s0] =	ssyncset.done @!p0 $0x0  }
0x30a: {  	[sflag:s0] =	ssyncadd.s32 @!p0 s1  }
0x30b: {  	[bflag:$0x3] =	sbarrier.arrive $0xFFFF  }
0x30c: {  	_ =	shalt  }

</sc_bundles>
